<compile_context>
chip_gen: v7x
topology: tpu7x:2x2x1
jax: 0.10.2.dev20260603
libtpu: 0.0.44.dev20260713+nightly
codegen_flags: <defaults>
</compile_context>

<pallas_src>
import functools

import jax
import jax.numpy as jnp
from jax import lax
from jax.experimental import pallas as pl
from jax.experimental.pallas import tpu as pltpu
from jax.experimental.pallas import tpu_sc as plsc

_N = 10000
_E = 320000
_IN = 128
_HID = 16
_HEADS = 8
_NC = 40

_NSC = 2
_NTILE = 16
_NW = _NSC * _NTILE
_C = 80
_KPW = 125
_NCHUNK = _E // _C
_LASTSET = (_KPW - 1) % 2
_ROWS_PER_TILE = _N // _NTILE
_ZROWS = 25

_W1EXT = 144
_W2EXT = 48

_BLK = 1000


def _tc_a_body(x_ref, w1_ref, as_ref, ad_ref, h1ext_ref, adt_ref):
    h1 = jnp.dot(x_ref[...], w1_ref[...], preferred_element_type=jnp.float32)
    asrc = jnp.dot(h1, as_ref[...], preferred_element_type=jnp.float32)
    adst = jnp.dot(h1, ad_ref[...], preferred_element_type=jnp.float32)
    z8 = jnp.zeros_like(asrc)
    h1ext_ref[:, :_IN] = h1
    h1ext_ref[:, _IN:_W1EXT] = jnp.concatenate([asrc, z8], axis=1)
    adt_ref[...] = jnp.concatenate([adst, z8], axis=1)


def _tc_a(x, w1, as1, ad1):
    grid = (_N // _BLK,)
    return pl.pallas_call(
        _tc_a_body,
        grid=grid,
        in_specs=[
            pl.BlockSpec((_BLK, _IN), lambda i: (i, 0)),
            pl.BlockSpec((_IN, _IN), lambda i: (0, 0)),
            pl.BlockSpec((_IN, _HEADS), lambda i: (0, 0)),
            pl.BlockSpec((_IN, _HEADS), lambda i: (0, 0)),
        ],
        out_specs=[
            pl.BlockSpec((_BLK, _W1EXT), lambda i: (i, 0)),
            pl.BlockSpec((_BLK, 16), lambda i: (i, 0)),
        ],
        out_shape=[
            jax.ShapeDtypeStruct((_N, _W1EXT), jnp.float32),
            jax.ShapeDtypeStruct((_N, 16), jnp.float32),
        ],
    )(x, w1, as1, ad1)


def _tc_b_body(a0_ref, a1_ref, b1_ref, w2_ref, r_ref, a2s_ref, a2d_ref,
               h2ext_ref, adt2_ref):
    acc = a0_ref[...] + a1_ref[...]
    inv = 1.0 / (acc[:, _IN:_IN + _HEADS] + 1e-16)
    inv128 = jnp.dot(inv, r_ref[...], preferred_element_type=jnp.float32)
    h2in = jnp.maximum(acc[:, :_IN] * inv128 + b1_ref[...], 0.0)
    h2 = jnp.dot(h2in, w2_ref[...], preferred_element_type=jnp.float32)
    asrc2 = jnp.dot(h2, a2s_ref[...], preferred_element_type=jnp.float32)
    adst2 = jnp.dot(h2, a2d_ref[...], preferred_element_type=jnp.float32)
    ones = jnp.ones_like(asrc2)
    z6 = jnp.zeros((h2.shape[0], 6), jnp.float32)
    h2ext_ref[...] = jnp.concatenate([h2, ones, asrc2, z6], axis=1)
    adt2_ref[...] = jnp.broadcast_to(adst2, (h2.shape[0], 16))


def _tc_b(a0, a1, b1r, w2, r, a2s, a2d):
    grid = (_N // _BLK,)
    return pl.pallas_call(
        _tc_b_body,
        grid=grid,
        in_specs=[
            pl.BlockSpec((_BLK, _W1EXT), lambda i: (i, 0)),
            pl.BlockSpec((_BLK, _W1EXT), lambda i: (i, 0)),
            pl.BlockSpec((1, _IN), lambda i: (0, 0)),
            pl.BlockSpec((_IN, _NC), lambda i: (0, 0)),
            pl.BlockSpec((_HEADS, _IN), lambda i: (0, 0)),
            pl.BlockSpec((_NC, 1), lambda i: (0, 0)),
            pl.BlockSpec((_NC, 1), lambda i: (0, 0)),
        ],
        out_specs=[
            pl.BlockSpec((_BLK, _W2EXT), lambda i: (i, 0)),
            pl.BlockSpec((_BLK, 16), lambda i: (i, 0)),
        ],
        out_shape=[
            jax.ShapeDtypeStruct((_N, _W2EXT), jnp.float32),
            jax.ShapeDtypeStruct((_N, 16), jnp.float32),
        ],
    )(a0, a1, b1r, w2, r, a2s, a2d)


def _tc_c_body(a0_ref, a1_ref, b2_ref, out_ref):
    acc = a0_ref[...] + a1_ref[...]
    den = acc[:, _NC:_NC + 1] + 1e-16
    out_ref[...] = acc[:, :_NC] / den + b2_ref[...]


def _tc_c(a0, a1, b2r):
    grid = (_N // _BLK,)
    return pl.pallas_call(
        _tc_c_body,
        grid=grid,
        in_specs=[
            pl.BlockSpec((_BLK, _W2EXT), lambda i: (i, 0)),
            pl.BlockSpec((_BLK, _W2EXT), lambda i: (i, 0)),
            pl.BlockSpec((1, _NC), lambda i: (0, 0)),
        ],
        out_specs=pl.BlockSpec((_BLK, _NC), lambda i: (i, 0)),
        out_shape=jax.ShapeDtypeStruct((_N, _NC), jnp.float32),
    )(a0, a1, b2r)


def _sc_zero_acc(s, zbuf, acc, width):
    def zrow(r, carry):
        for j in range(width // 16):
            zbuf[r, pl.ds(j * 16, 16)] = jnp.zeros((16,), jnp.float32)
        return carry
    lax.fori_loop(0, _ZROWS, zrow, 0)

    def zcopy(t, carry):
        pltpu.sync_copy(
            zbuf, acc.at[pl.ds(s * _ROWS_PER_TILE + t * _ZROWS, _ZROWS)])
        return carry
    lax.fori_loop(0, _ROWS_PER_TILE // _ZROWS, zcopy, 0)


def _sc_drain(c, s, acc, out_hbm):
    sl = pl.ds(s * _ROWS_PER_TILE, _ROWS_PER_TILE)
    pltpu.sync_copy(acc.at[sl], out_hbm.at[c, sl])


def _compute1(rows, adv):
    @plsc.parallel_loop(0, _C, unroll=4)
    def ebody(e):
        al = rows[e, pl.ds(_IN, 16)] + adv[e, :]
        al = jnp.where(al >= 0.0, al, al * 0.2)
        exv = jnp.exp(al)
        rows[e, pl.ds(_IN, 16)] = exv
        for h in range(_HEADS):
            rows[e, pl.ds(h * _HID, _HID)] = (
                rows[e, pl.ds(h * _HID, _HID)] * exv[h])


def _compute2(rows, adv):
    @plsc.parallel_loop(0, _C, unroll=8)
    def ebody(e):
        v2 = rows[e, pl.ds(32, 16)]
        al = v2 + adv[e, :]
        al = jnp.where(al >= 0.0, al, al * 0.2)
        ex = jnp.exp(al)[9]
        rows[e, pl.ds(0, 16)] = rows[e, pl.ds(0, 16)] * ex
        rows[e, pl.ds(16, 16)] = rows[e, pl.ds(16, 16)] * ex
        rows[e, pl.ds(32, 16)] = v2 * ex


def _make_sc_body(width, compute_chunk):

    def body(src_hbm, dst_hbm, tab_hbm, adt_hbm, out_hbm,
             srcv0, srcv1, dstv0, dstv1, dsts0, dsts1,
             rows0, rows1, adv0, adv1, zbuf, acc,
             semis0, semis1, semid0, semid1,
             semr0, semr1, sema0, sema1, sems0, sems1):
        c = lax.axis_index("c")
        s = lax.axis_index("s")
        wid = s * _NSC + c
        srcv = (srcv0, srcv1)
        dstv = (dstv0, dstv1)
        dsts = (dsts0, dsts1)
        rows = (rows0, rows1)
        adv = (adv0, adv1)
        semis = (semis0, semis1)
        semid = (semid0, semid1)
        semr = (semr0, semr1)
        sema = (sema0, sema1)
        sems = (sems0, sems1)
        start = wid * _KPW

        def idx_start(j, b):
            pltpu.async_copy(src_hbm.at[start + j], srcv[b], semis[b])
            pltpu.async_copy(dst_hbm.at[start + j], dstv[b], semid[b])

        def idx_wait(j, b):
            pltpu.make_async_copy(
                src_hbm.at[start + j], srcv[b], semis[b]).wait()
            pltpu.make_async_copy(
                dst_hbm.at[start + j], dstv[b], semid[b]).wait()

        def gather_start(b):
            pltpu.async_copy(tab_hbm.at[srcv[b]], rows[b], semr[b])
            pltpu.async_copy(adt_hbm.at[dstv[b]], adv[b], sema[b])

        def gather_wait(b):
            pltpu.make_async_copy(tab_hbm.at[srcv[b]], rows[b],
                                  semr[b]).wait()
            pltpu.make_async_copy(adt_hbm.at[dstv[b]], adv[b],
                                  sema[b]).wait()

        def scatter_wait(b):
            pltpu.make_async_copy(rows[b], acc.at[dsts[b]], sems[b]).wait()

        idx_start(0, 0)
        idx_start(1, 1)
        _sc_zero_acc(s, zbuf, acc, width)
        idx_wait(0, 0)
        gather_start(0)
        plsc.subcore_barrier()

        def outer(k, carry):
            for b in range(2):
                j = 2 * k + b

                @pl.when(j < _KPW)
                def _():
                    q = 1 - b

                    @pl.when(j >= 1)
                    def _():
                        scatter_wait(q)

                    @pl.when(j + 1 < _KPW)
                    def _():
                        idx_wait(j + 1, q)
                        gather_start(q)

                    gather_wait(b)
                    for v in range(_C // 16):
                        dsts[b][pl.ds(v * 16, 16)] = (
                            dstv[b][pl.ds(v * 16, 16)])

                    @pl.when(j + 2 < _KPW)
                    def _():
                        idx_start(j + 2, b)

                    compute_chunk(rows[b], adv[b])
                    pltpu.async_copy(rows[b], acc.at[dsts[b]], sems[b],
                                     add=True)
            return carry

        lax.fori_loop(0, (_KPW + 1) // 2, outer, 0)
        scatter_wait(_LASTSET)
        plsc.subcore_barrier()
        _sc_drain(c, s, acc, out_hbm)

    return body


def _sc_pass(src2d, dst2d, tab, adt, width, compute_chunk):
    mesh = plsc.VectorSubcoreMesh(
        core_axis_name="c", subcore_axis_name="s",
        num_cores=_NSC, num_subcores=_NTILE)
    return pl.kernel(
        _make_sc_body(width, compute_chunk),
        compiler_params=pltpu.CompilerParams(use_tc_tiling_on_sc=False),
        out_type=jax.ShapeDtypeStruct((_NSC, _N, width), jnp.float32),
        mesh=mesh,
        scratch_types=(
            [pltpu.VMEM((_C,), jnp.int32) for _ in range(6)]
            + [
                pltpu.VMEM((_C, width), jnp.float32),
                pltpu.VMEM((_C, width), jnp.float32),
                pltpu.VMEM((_C, 16), jnp.float32),
                pltpu.VMEM((_C, 16), jnp.float32),
                pltpu.VMEM((_ZROWS, width), jnp.float32),
                pltpu.VMEM_SHARED((_N, width), jnp.float32),
            ]
            + [pltpu.SemaphoreType.DMA for _ in range(10)]
        ),
    )(src2d, dst2d, tab, adt)


@jax.jit
def kernel(x, edge_index, W1, a_src1, a_dst1, b1, W2, a_src2, a_dst2, b2):
    src = edge_index[0].astype(jnp.int32)
    dst = edge_index[1].astype(jnp.int32)

    mask = (jnp.arange(_IN)[:, None] // _HID
            == jnp.arange(_HEADS)[None, :]).astype(jnp.float32)
    as1 = mask * a_src1.reshape(_IN)[:, None]
    ad1 = mask * a_dst1.reshape(_IN)[:, None]

    src2d = src.reshape(_NCHUNK, _C)
    dst2d = dst.reshape(_NCHUNK, _C)

    h1ext, adt1 = _tc_a(x, W1, as1, ad1)
    p1 = _sc_pass(src2d, dst2d, h1ext, adt1, _W1EXT, _compute1)
    h2ext, adt2 = _tc_b(p1[0], p1[1], b1.reshape(1, _IN), W2, mask.T,
                        a_src2.reshape(_NC, 1), a_dst2.reshape(_NC, 1))
    p2 = _sc_pass(src2d, dst2d, h2ext, adt2, _W2EXT, _compute2)
    return _tc_c(p2[0], p2[1], b2.reshape(1, _NC))

# --- scband reference (transcript-rebuilt; emitter-appended) ---
"""Pipeline reference for scband-gat-498216206708 (READ-ONLY COPY).

The authoritative reference and input builder live on the scoring server;
editing this copy changes nothing except your own understanding.
"""

import jax, jax.numpy as jnp
import numpy as np

N = 10000
E = 320000
IN = 128
HID = 16
HEADS = 8
NC = 40


def setup_inputs(seed: int = 0) -> dict:
    key = jax.random.key(seed)
    ks = jax.random.split(key, 12)
    x = jax.random.normal(ks[0], (N, IN), dtype=jnp.float32)
    edge_index = jax.random.randint(ks[1], (2, E), 0, N)
    s1 = 1.0 / np.sqrt(IN)
    s2 = 1.0 / np.sqrt(HID * HEADS)
    W1 = jax.random.normal(ks[2], (IN, HEADS * HID), dtype=jnp.float32) * s1
    a_src1 = jax.random.normal(ks[3], (1, HEADS, HID), dtype=jnp.float32) * s1
    a_dst1 = jax.random.normal(ks[4], (1, HEADS, HID), dtype=jnp.float32) * s1
    b1 = jnp.zeros((HEADS * HID,), dtype=jnp.float32)
    W2 = jax.random.normal(ks[5], (HEADS * HID, 1 * NC), dtype=jnp.float32) * s2
    a_src2 = jax.random.normal(ks[6], (1, 1, NC), dtype=jnp.float32) * s2
    a_dst2 = jax.random.normal(ks[7], (1, 1, NC), dtype=jnp.float32) * s2
    b2 = jnp.zeros((NC,), dtype=jnp.float32)
    return {"x": x, "edge_index": edge_index, "W1": W1, "a_src1": a_src1,
            "a_dst1": a_dst1, "b1": b1, "W2": W2, "a_src2": a_src2,
            "a_dst2": a_dst2, "b2": b2}


def _gat_conv(x, src, dst, W, a_src, a_dst, bias, heads, out_ch, concat):
    n = x.shape[0]
    h = (x @ W).reshape(n, heads, out_ch)
    alpha_src = (h * a_src).sum(-1)  # [N, heads]
    alpha_dst = (h * a_dst).sum(-1)  # [N, heads]
    alpha = alpha_src[src] + alpha_dst[dst]  # [E, heads]
    alpha = jax.nn.leaky_relu(alpha, 0.2)
    amax = jax.ops.segment_max(alpha, dst, num_segments=n)
    amax = jnp.where(jnp.isfinite(amax), amax, 0.0)
    ex = jnp.exp(alpha - amax[dst])
    denom = jax.ops.segment_sum(ex, dst, num_segments=n)
    coef = ex / (denom[dst] + 1e-16)
    msg = h[src] * coef[:, :, None]  # [E, heads, out_ch]
    out = jax.ops.segment_sum(msg, dst, num_segments=n)  # [N, heads, out_ch]
    if concat:
        out = out.reshape(n, heads * out_ch)
    else:
        out = out.mean(axis=1)
    return out + bias


def reference(x, edge_index, W1, a_src1, a_dst1, b1, W2, a_src2, a_dst2, b2):
    src = edge_index[0]
    dst = edge_index[1]
    h = _gat_conv(x, src, dst, W1, a_src1, a_dst1, b1, HEADS, HID, True)
    h = jax.nn.relu(h)
    out = _gat_conv(h, src, dst, W2, a_src2, a_dst2, b2, 1, NC, False)
    return out

if __name__ == "__main__":
    import jax
    _d = setup_inputs()
    print(jax.jit(kernel)(*tuple(_d.values())))

</pallas_src>

<mosaic_0001>
#map = affine_map<(d0, d1) -> (0, 0)>
#map1 = affine_map<(d0, d1) -> (0, 0, 0)>
module attributes {stable_mosaic.version = 14 : i64} {
  func.func @body(%arg0: i32, %arg1: i32, %arg2: memref<4000x80xi32, #tpu.memory_space<hbm>>, %arg3: memref<4000x80xi32, #tpu.memory_space<hbm>>, %arg4: memref<10000x144xf32, #tpu.memory_space<hbm>>, %arg5: memref<10000x16xf32, #tpu.memory_space<hbm>>, %arg6: memref<2x10000x144xf32, #tpu.memory_space<hbm>>, %arg7: memref<80xi32, #tpu.memory_space<vmem>>, %arg8: memref<80xi32, #tpu.memory_space<vmem>>, %arg9: memref<80xi32, #tpu.memory_space<vmem>>, %arg10: memref<80xi32, #tpu.memory_space<vmem>>, %arg11: memref<80xi32, #tpu.memory_space<vmem>>, %arg12: memref<80xi32, #tpu.memory_space<vmem>>, %arg13: memref<80x144xf32, #tpu.memory_space<vmem>>, %arg14: memref<80x144xf32, #tpu.memory_space<vmem>>, %arg15: memref<80x16xf32, #tpu.memory_space<vmem>>, %arg16: memref<80x16xf32, #tpu.memory_space<vmem>>, %arg17: memref<25x144xf32, #tpu.memory_space<vmem>>, %arg18: memref<10000x144xf32, #tpu.memory_space<vmem_shared>>, %arg19: memref<!tpu.dma_semaphore, #tpu.memory_space<semaphore_mem>>, %arg20: memref<!tpu.dma_semaphore, #tpu.memory_space<semaphore_mem>>, %arg21: memref<!tpu.dma_semaphore, #tpu.memory_space<semaphore_mem>>, %arg22: memref<!tpu.dma_semaphore, #tpu.memory_space<semaphore_mem>>, %arg23: memref<!tpu.dma_semaphore, #tpu.memory_space<semaphore_mem>>, %arg24: memref<!tpu.dma_semaphore, #tpu.memory_space<semaphore_mem>>, %arg25: memref<!tpu.dma_semaphore, #tpu.memory_space<semaphore_mem>>, %arg26: memref<!tpu.dma_semaphore, #tpu.memory_space<semaphore_mem>>, %arg27: memref<!tpu.dma_semaphore, #tpu.memory_space<semaphore_mem>>, %arg28: memref<!tpu.dma_semaphore, #tpu.memory_space<semaphore_mem>>) attributes {dimension_semantics = [#tpu.dimension_semantics<core_parallel>, #tpu.dimension_semantics<subcore_parallel>], iteration_bounds = array<i64: 2, 16>, scalar_prefetch = 0 : i64, scratch_operands = 22 : i64, tpu.core_type = #tpu.core_type<sc_vector_subcore>, window_params = [{transform_indices = #map}, {transform_indices = #map}, {transform_indices = #map}, {transform_indices = #map}, {transform_indices = #map1}]} {
    %mul3A = arith.constant 2 : i32
    %mul3A_0 = arith.muli %arg1, %mul3A : i32
    %add3A = arith.addi %mul3A_0, %arg0 : i32
    %mul3A_1 = arith.constant 125 : i32
    %mul3A_2 = arith.muli %add3A, %mul3A_1 : i32
    %add3A_3 = arith.constant 0 : i32
    %add3A_4 = arith.addi %mul3A_2, %add3A_3 : i32
    %dma_start3A = arith.constant 0 : i32
    %dma_start3A_5 = tpu.memref_slice %arg2[%add3A_4, %dma_start3A] : memref<4000x80xi32, #tpu.memory_space<hbm>> -> memref<1x80xi32, #tpu.memory_space<hbm>>
    %dma_start3A_6 = tpu.memref_squeeze %dma_start3A_5 : memref<1x80xi32, #tpu.memory_space<hbm>> -> memref<80xi32, #tpu.memory_space<hbm>>
    %dma_start3A_7 = arith.constant 0 : i32
    %dma_start3A_8 = tpu.memref_slice %arg2[%add3A_4, %dma_start3A_7] : memref<4000x80xi32, #tpu.memory_space<hbm>> -> memref<1x80xi32, #tpu.memory_space<hbm>>
    %dma_start3A_9 = tpu.memref_squeeze %dma_start3A_8 : memref<1x80xi32, #tpu.memory_space<hbm>> -> memref<80xi32, #tpu.memory_space<hbm>>
    tpu.enqueue_dma source(%dma_start3A_9 : memref<80xi32, #tpu.memory_space<hbm>>) target(%arg7 : memref<80xi32, #tpu.memory_space<vmem>>) target_semaphore(%arg19 : memref<!tpu.dma_semaphore, #tpu.memory_space<semaphore_mem>>)
    %add3A_10 = arith.constant 0 : i32
    %add3A_11 = arith.addi %mul3A_2, %add3A_10 : i32
    %dma_start3A_12 = arith.constant 0 : i32
    %dma_start3A_13 = tpu.memref_slice %arg3[%add3A_11, %dma_start3A_12] : memref<4000x80xi32, #tpu.memory_space<hbm>> -> memref<1x80xi32, #tpu.memory_space<hbm>>
    %dma_start3A_14 = tpu.memref_squeeze %dma_start3A_13 : memref<1x80xi32, #tpu.memory_space<hbm>> -> memref<80xi32, #tpu.memory_space<hbm>>
    %dma_start3A_15 = arith.constant 0 : i32
    %dma_start3A_16 = tpu.memref_slice %arg3[%add3A_11, %dma_start3A_15] : memref<4000x80xi32, #tpu.memory_space<hbm>> -> memref<1x80xi32, #tpu.memory_space<hbm>>
    %dma_start3A_17 = tpu.memref_squeeze %dma_start3A_16 : memref<1x80xi32, #tpu.memory_space<hbm>> -> memref<80xi32, #tpu.memory_space<hbm>>
    tpu.enqueue_dma source(%dma_start3A_17 : memref<80xi32, #tpu.memory_space<hbm>>) target(%arg9 : memref<80xi32, #tpu.memory_space<vmem>>) target_semaphore(%arg21 : memref<!tpu.dma_semaphore, #tpu.memory_space<semaphore_mem>>)
    %add3A_18 = arith.constant 1 : i32
    %add3A_19 = arith.addi %mul3A_2, %add3A_18 : i32
    %dma_start3A_20 = arith.constant 0 : i32
    %dma_start3A_21 = tpu.memref_slice %arg2[%add3A_19, %dma_start3A_20] : memref<4000x80xi32, #tpu.memory_space<hbm>> -> memref<1x80xi32, #tpu.memory_space<hbm>>
    %dma_start3A_22 = tpu.memref_squeeze %dma_start3A_21 : memref<1x80xi32, #tpu.memory_space<hbm>> -> memref<80xi32, #tpu.memory_space<hbm>>
    %dma_start3A_23 = arith.constant 0 : i32
    %dma_start3A_24 = tpu.memref_slice %arg2[%add3A_19, %dma_start3A_23] : memref<4000x80xi32, #tpu.memory_space<hbm>> -> memref<1x80xi32, #tpu.memory_space<hbm>>
    %dma_start3A_25 = tpu.memref_squeeze %dma_start3A_24 : memref<1x80xi32, #tpu.memory_space<hbm>> -> memref<80xi32, #tpu.memory_space<hbm>>
    tpu.enqueue_dma source(%dma_start3A_25 : memref<80xi32, #tpu.memory_space<hbm>>) target(%arg8 : memref<80xi32, #tpu.memory_space<vmem>>) target_semaphore(%arg20 : memref<!tpu.dma_semaphore, #tpu.memory_space<semaphore_mem>>)
    %add3A_26 = arith.constant 1 : i32
    %add3A_27 = arith.addi %mul3A_2, %add3A_26 : i32
    %dma_start3A_28 = arith.constant 0 : i32
    %dma_start3A_29 = tpu.memref_slice %arg3[%add3A_27, %dma_start3A_28] : memref<4000x80xi32, #tpu.memory_space<hbm>> -> memref<1x80xi32, #tpu.memory_space<hbm>>
    %dma_start3A_30 = tpu.memref_squeeze %dma_start3A_29 : memref<1x80xi32, #tpu.memory_space<hbm>> -> memref<80xi32, #tpu.memory_space<hbm>>
    %dma_start3A_31 = arith.constant 0 : i32
    %dma_start3A_32 = tpu.memref_slice %arg3[%add3A_27, %dma_start3A_31] : memref<4000x80xi32, #tpu.memory_space<hbm>> -> memref<1x80xi32, #tpu.memory_space<hbm>>
    %dma_start3A_33 = tpu.memref_squeeze %dma_start3A_32 : memref<1x80xi32, #tpu.memory_space<hbm>> -> memref<80xi32, #tpu.memory_space<hbm>>
    tpu.enqueue_dma source(%dma_start3A_33 : memref<80xi32, #tpu.memory_space<hbm>>) target(%arg10 : memref<80xi32, #tpu.memory_space<vmem>>) target_semaphore(%arg22 : memref<!tpu.dma_semaphore, #tpu.memory_space<semaphore_mem>>)
    %scan3A = arith.constant 0 : i32
    %scan3A_34 = arith.constant 0 : i32
    %scan3A_35 = arith.constant 25 : i32
    %scan3A_36 = arith.addi %scan3A_34, %scan3A_35 : i32
    %scan3A_37 = arith.constant 1 : i32
    scf.for %scan3A_78 = %scan3A_34 to %scan3A_36 step %scan3A_37  : i32 {
      %broadcast_in_dim3A = arith.constant 0.000000e+00 : f32
      %broadcast_in_dim3A_79 = vector.broadcast %broadcast_in_dim3A : f32 to vector<16xf32>
      %swap3A = arith.index_cast %scan3A_78 : i32 to index
      %swap3A_80 = arith.constant 0 : index
      %swap3A_81 = tpu.vector_load %arg17[%swap3A, %swap3A_80] {strides = array<i32>} : memref<25x144xf32, #tpu.memory_space<vmem>>, vector<1x16xf32>,
      %swap3A_82 = vector.shape_cast %swap3A_81 : vector<1x16xf32> to vector<16xf32>
      %swap3A_83 = vector.shape_cast %broadcast_in_dim3A_79 : vector<16xf32> to vector<1x16xf32>
      tpu.vector_store %arg17[%swap3A, %swap3A_80], %swap3A_83 {strides = array<i32>} : memref<25x144xf32, #tpu.memory_space<vmem>>, vector<1x16xf32>,
      %broadcast_in_dim3A_84 = arith.constant 0.000000e+00 : f32
      %broadcast_in_dim3A_85 = vector.broadcast %broadcast_in_dim3A_84 : f32 to vector<16xf32>
      %swap3A_86 = arith.index_cast %scan3A_78 : i32 to index
      %swap3A_87 = arith.constant 16 : index
      %swap3A_88 = tpu.vector_load %arg17[%swap3A_86, %swap3A_87] {strides = array<i32>} : memref<25x144xf32, #tpu.memory_space<vmem>>, vector<1x16xf32>,
      %swap3A_89 = vector.shape_cast %swap3A_88 : vector<1x16xf32> to vector<16xf32>
      %swap3A_90 = vector.shape_cast %broadcast_in_dim3A_85 : vector<16xf32> to vector<1x16xf32>
      tpu.vector_store %arg17[%swap3A_86, %swap3A_87], %swap3A_90 {strides = array<i32>} : memref<25x144xf32, #tpu.memory_space<vmem>>, vector<1x16xf32>,
      %broadcast_in_dim3A_91 = arith.constant 0.000000e+00 : f32
      %broadcast_in_dim3A_92 = vector.broadcast %broadcast_in_dim3A_91 : f32 to vector<16xf32>
      %swap3A_93 = arith.index_cast %scan3A_78 : i32 to index
      %swap3A_94 = arith.constant 32 : index
      %swap3A_95 = tpu.vector_load %arg17[%swap3A_93, %swap3A_94] {strides = array<i32>} : memref<25x144xf32, #tpu.memory_space<vmem>>, vector<1x16xf32>,
      %swap3A_96 = vector.shape_cast %swap3A_95 : vector<1x16xf32> to vector<16xf32>
      %swap3A_97 = vector.shape_cast %broadcast_in_dim3A_92 : vector<16xf32> to vector<1x16xf32>
      tpu.vector_store %arg17[%swap3A_93, %swap3A_94], %swap3A_97 {strides = array<i32>} : memref<25x144xf32, #tpu.memory_space<vmem>>, vector<1x16xf32>,
      %broadcast_in_dim3A_98 = arith.constant 0.000000e+00 : f32
      %broadcast_in_dim3A_99 = vector.broadcast %broadcast_in_dim3A_98 : f32 to vector<16xf32>
      %swap3A_100 = arith.index_cast %scan3A_78 : i32 to index
      %swap3A_101 = arith.constant 48 : index
      %swap3A_102 = tpu.vector_load %arg17[%swap3A_100, %swap3A_101] {strides = array<i32>} : memref<25x144xf32, #tpu.memory_space<vmem>>, vector<1x16xf32>,
      %swap3A_103 = vector.shape_cast %swap3A_102 : vector<1x16xf32> to vector<16xf32>
      %swap3A_104 = vector.shape_cast %broadcast_in_dim3A_99 : vector<16xf32> to vector<1x16xf32>
      tpu.vector_store %arg17[%swap3A_100, %swap3A_101], %swap3A_104 {strides = array<i32>} : memref<25x144xf32, #tpu.memory_space<vmem>>, vector<1x16xf32>,
      %broadcast_in_dim3A_105 = arith.constant 0.000000e+00 : f32
      %broadcast_in_dim3A_106 = vector.broadcast %broadcast_in_dim3A_105 : f32 to vector<16xf32>
      %swap3A_107 = arith.index_cast %scan3A_78 : i32 to index
      %swap3A_108 = arith.constant 64 : index
      %swap3A_109 = tpu.vector_load %arg17[%swap3A_107, %swap3A_108] {strides = array<i32>} : memref<25x144xf32, #tpu.memory_space<vmem>>, vector<1x16xf32>,
      %swap3A_110 = vector.shape_cast %swap3A_109 : vector<1x16xf32> to vector<16xf32>
      %swap3A_111 = vector.shape_cast %broadcast_in_dim3A_106 : vector<16xf32> to vector<1x16xf32>
      tpu.vector_store %arg17[%swap3A_107, %swap3A_108], %swap3A_111 {strides = array<i32>} : memref<25x144xf32, #tpu.memory_space<vmem>>, vector<1x16xf32>,
      %broadcast_in_dim3A_112 = arith.constant 0.000000e+00 : f32
      %broadcast_in_dim3A_113 = vector.broadcast %broadcast_in_dim3A_112 : f32 to vector<16xf32>
      %swap3A_114 = arith.index_cast %scan3A_78 : i32 to index
      %swap3A_115 = arith.constant 80 : index
      %swap3A_116 = tpu.vector_load %arg17[%swap3A_114, %swap3A_115] {strides = array<i32>} : memref<25x144xf32, #tpu.memory_space<vmem>>, vector<1x16xf32>,
      %swap3A_117 = vector.shape_cast %swap3A_116 : vector<1x16xf32> to vector<16xf32>
      %swap3A_118 = vector.shape_cast %broadcast_in_dim3A_113 : vector<16xf32> to vector<1x16xf32>
      tpu.vector_store %arg17[%swap3A_114, %swap3A_115], %swap3A_118 {strides = array<i32>} : memref<25x144xf32, #tpu.memory_space<vmem>>, vector<1x16xf32>,
      %broadcast_in_dim3A_119 = arith.constant 0.000000e+00 : f32
      %broadcast_in_dim3A_120 = vector.broadcast %broadcast_in_dim3A_119 : f32 to vector<16xf32>
      %swap3A_121 = arith.index_cast %scan3A_78 : i32 to index
      %swap3A_122 = arith.constant 96 : index
      %swap3A_123 = tpu.vector_load %arg17[%swap3A_121, %swap3A_122] {strides = array<i32>} : memref<25x144xf32, #tpu.memory_space<vmem>>, vector<1x16xf32>,
      %swap3A_124 = vector.shape_cast %swap3A_123 : vector<1x16xf32> to vector<16xf32>
      %swap3A_125 = vector.shape_cast %broadcast_in_dim3A_120 : vector<16xf32> to vector<1x16xf32>
      tpu.vector_store %arg17[%swap3A_121, %swap3A_122], %swap3A_125 {strides = array<i32>} : memref<25x144xf32, #tpu.memory_space<vmem>>, vector<1x16xf32>,
      %broadcast_in_dim3A_126 = arith.constant 0.000000e+00 : f32
      %broadcast_in_dim3A_127 = vector.broadcast %broadcast_in_dim3A_126 : f32 to vector<16xf32>
      %swap3A_128 = arith.index_cast %scan3A_78 : i32 to index
      %swap3A_129 = arith.constant 112 : index
      %swap3A_130 = tpu.vector_load %arg17[%swap3A_128, %swap3A_129] {strides = array<i32>} : memref<25x144xf32, #tpu.memory_space<vmem>>, vector<1x16xf32>,
      %swap3A_131 = vector.shape_cast %swap3A_130 : vector<1x16xf32> to vector<16xf32>
      %swap3A_132 = vector.shape_cast %broadcast_in_dim3A_127 : vector<16xf32> to vector<1x16xf32>
      tpu.vector_store %arg17[%swap3A_128, %swap3A_129], %swap3A_132 {strides = array<i32>} : memref<25x144xf32, #tpu.memory_space<vmem>>, vector<1x16xf32>,
      %broadcast_in_dim3A_133 = arith.constant 0.000000e+00 : f32
      %broadcast_in_dim3A_134 = vector.broadcast %broadcast_in_dim3A_133 : f32 to vector<16xf32>
      %swap3A_135 = arith.index_cast %scan3A_78 : i32 to index
      %swap3A_136 = arith.constant 128 : index
      %swap3A_137 = tpu.vector_load %arg17[%swap3A_135, %swap3A_136] {strides = array<i32>} : memref<25x144xf32, #tpu.memory_space<vmem>>, vector<1x16xf32>,
      %swap3A_138 = vector.shape_cast %swap3A_137 : vector<1x16xf32> to vector<16xf32>
      %swap3A_139 = vector.shape_cast %broadcast_in_dim3A_134 : vector<16xf32> to vector<1x16xf32>
      tpu.vector_store %arg17[%swap3A_135, %swap3A_136], %swap3A_139 {strides = array<i32>} : memref<25x144xf32, #tpu.memory_space<vmem>>, vector<1x16xf32>,
    }
    %scan3A_38 = arith.constant 25 : i32
    %scan3A_39 = arith.constant 0 : i32
    %scan3A_40 = arith.constant 0 : i32
    %scan3A_41 = arith.constant 25 : i32
    %scan3A_42 = arith.addi %scan3A_40, %scan3A_41 : i32
    %scan3A_43 = arith.constant 1 : i32
    scf.for %scan3A_78 = %scan3A_40 to %scan3A_42 step %scan3A_43  : i32 {
      %mul3A_79 = arith.constant 625 : i32
      %mul3A_80 = arith.muli %arg1, %mul3A_79 : i32
      %mul3A_81 = arith.constant 25 : i32
      %mul3A_82 = arith.muli %scan3A_78, %mul3A_81 : i32
      %add3A_83 = arith.addi %mul3A_80, %mul3A_82 : i32
      "tpu.region"() ({
        %run_scoped3A = tpu.sem_alloc : memref<!tpu.dma_semaphore, #tpu.memory_space<semaphore_mem>>
        %dma_start3A_84 = arith.constant 0 : i32
        %dma_start3A_85 = tpu.memref_slice %arg18[%add3A_83, %dma_start3A_84] : memref<10000x144xf32, #tpu.memory_space<vmem_shared>> -> memref<25x144xf32, #tpu.memory_space<vmem_shared>>
        %dma_start3A_86 = arith.constant 0 : i32
        %dma_start3A_87 = tpu.memref_slice %arg18[%add3A_83, %dma_start3A_86] : memref<10000x144xf32, #tpu.memory_space<vmem_shared>> -> memref<25x144xf32, #tpu.memory_space<vmem_shared>>
        tpu.enqueue_dma source(%arg17 : memref<25x144xf32, #tpu.memory_space<vmem>>) target(%dma_start3A_87 : memref<25x144xf32, #tpu.memory_space<vmem_shared>>) target_semaphore(%run_scoped3A : memref<!tpu.dma_semaphore, #tpu.memory_space<semaphore_mem>>)
        %dma_wait3A_88 = arith.constant 0 : i32
        %dma_wait3A_89 = tpu.memref_slice %arg18[%add3A_83, %dma_wait3A_88] : memref<10000x144xf32, #tpu.memory_space<vmem_shared>> -> memref<25x144xf32, #tpu.memory_space<vmem_shared>>
        %dma_wait3A_90 = arith.constant 0 : i32
        %dma_wait3A_91 = tpu.memref_slice %arg18[%add3A_83, %dma_wait3A_90] : memref<10000x144xf32, #tpu.memory_space<vmem_shared>> -> memref<25x144xf32, #tpu.memory_space<vmem_shared>>
        tpu.wait_dma2 semaphore(%run_scoped3A : memref<!tpu.dma_semaphore, #tpu.memory_space<semaphore_mem>>) src(%arg17 : memref<25x144xf32, #tpu.memory_space<vmem>>) dst(%dma_wait3A_91 : memref<25x144xf32, #tpu.memory_space<vmem_shared>>)
        tpu.yield
      }) : () -> ()
    }
    %scan3A_44 = arith.constant 25 : i32
    %add3A_45 = arith.constant 0 : i32
    %add3A_46 = arith.addi %mul3A_2, %add3A_45 : i32
    %dma_wait3A = arith.constant 0 : i32
    %dma_wait3A_47 = tpu.memref_slice %arg2[%add3A_46, %dma_wait3A] : memref<4000x80xi32, #tpu.memory_space<hbm>> -> memref<1x80xi32, #tpu.memory_space<hbm>>
    %dma_wait3A_48 = tpu.memref_squeeze %dma_wait3A_47 : memref<1x80xi32, #tpu.memory_space<hbm>> -> memref<80xi32, #tpu.memory_space<hbm>>
    %dma_wait3A_49 = arith.constant 0 : i32
    %dma_wait3A_50 = tpu.memref_slice %arg2[%add3A_46, %dma_wait3A_49] : memref<4000x80xi32, #tpu.memory_space<hbm>> -> memref<1x80xi32, #tpu.memory_space<hbm>>
    %dma_wait3A_51 = tpu.memref_squeeze %dma_wait3A_50 : memref<1x80xi32, #tpu.memory_space<hbm>> -> memref<80xi32, #tpu.memory_space<hbm>>
    tpu.wait_dma2 semaphore(%arg19 : memref<!tpu.dma_semaphore, #tpu.memory_space<semaphore_mem>>) src(%dma_wait3A_51 : memref<80xi32, #tpu.memory_space<hbm>>) dst(%arg7 : memref<80xi32, #tpu.memory_space<vmem>>)
    %add3A_52 = arith.constant 0 : i32
    %add3A_53 = arith.addi %mul3A_2, %add3A_52 : i32
    %dma_wait3A_54 = arith.constant 0 : i32
    %dma_wait3A_55 = tpu.memref_slice %arg3[%add3A_53, %dma_wait3A_54] : memref<4000x80xi32, #tpu.memory_space<hbm>> -> memref<1x80xi32, #tpu.memory_space<hbm>>
    %dma_wait3A_56 = tpu.memref_squeeze %dma_wait3A_55 : memref<1x80xi32, #tpu.memory_space<hbm>> -> memref<80xi32, #tpu.memory_space<hbm>>
    %dma_wait3A_57 = arith.constant 0 : i32
    %dma_wait3A_58 = tpu.memref_slice %arg3[%add3A_53, %dma_wait3A_57] : memref<4000x80xi32, #tpu.memory_space<hbm>> -> memref<1x80xi32, #tpu.memory_space<hbm>>
    %dma_wait3A_59 = tpu.memref_squeeze %dma_wait3A_58 : memref<1x80xi32, #tpu.memory_space<hbm>> -> memref<80xi32, #tpu.memory_space<hbm>>
    tpu.wait_dma2 semaphore(%arg21 : memref<!tpu.dma_semaphore, #tpu.memory_space<semaphore_mem>>) src(%dma_wait3A_59 : memref<80xi32, #tpu.memory_space<hbm>>) dst(%arg9 : memref<80xi32, #tpu.memory_space<vmem>>)
    %dma_start3A_60 = arith.constant 0 : i32
    %dma_start3A_61 = arith.constant 0 : i32
    %dma_start3A_62 = tpu.memref_slice %arg4[%dma_start3A_60, %dma_start3A_61] : memref<10000x144xf32, #tpu.memory_space<hbm>> -> memref<10000x144xf32, #tpu.memory_space<hbm>>
    tpu.enqueue_indirect_dma source(%dma_start3A_62 : memref<10000x144xf32, #tpu.memory_space<hbm>>) target(%arg13 : memref<80x144xf32, #tpu.memory_space<vmem>>) offsets(%arg7 : memref<80xi32, #tpu.memory_space<vmem>>) semaphore(%arg23 : memref<!tpu.dma_semaphore, #tpu.memory_space<semaphore_mem>>)
    %dma_start3A_63 = arith.constant 0 : i32
    %dma_start3A_64 = arith.constant 0 : i32
    %dma_start3A_65 = tpu.memref_slice %arg5[%dma_start3A_63, %dma_start3A_64] : memref<10000x16xf32, #tpu.memory_space<hbm>> -> memref<10000x16xf32, #tpu.memory_space<hbm>>
    tpu.enqueue_indirect_dma source(%dma_start3A_65 : memref<10000x16xf32, #tpu.memory_space<hbm>>) target(%arg15 : memref<80x16xf32, #tpu.memory_space<vmem>>) offsets(%arg9 : memref<80xi32, #tpu.memory_space<vmem>>) semaphore(%arg25 : memref<!tpu.dma_semaphore, #tpu.memory_space<semaphore_mem>>)
    %barrier3A = arith.constant 0 : index
    tpu.barrier barrier_id(%barrier3A)
    %scan3A_66 = arith.constant 0 : i32
    %scan3A_67 = arith.constant 0 : i32
    %scan3A_68 = arith.constant 63 : i32
    %scan3A_69 = arith.addi %scan3A_67, %scan3A_68 : i32
    %scan3A_70 = arith.constant 1 : i32
    scf.for %scan3A_78 = %scan3A_67 to %scan3A_69 step %scan3A_70  : i32 {
      %mul3A_79 = arith.constant 2 : i32
      %mul3A_80 = arith.muli %mul3A_79, %scan3A_78 : i32
      %add3A_81 = arith.constant 0 : i32
      %add3A_82 = arith.addi %mul3A_80, %add3A_81 : i32
      %lt3A = arith.constant 125 : i32
      %lt3A_83 = arith.cmpi slt, %add3A_82, %lt3A : i32
      %convert_element_type3A = arith.extui %lt3A_83 : i1 to i32
      %cond3A = arith.constant 0 : i32
      %cond3A_84 = arith.cmpi ne, %convert_element_type3A, %cond3A : i32
      scf.if %cond3A_84 {
        %ge3A = arith.constant 1 : i32
        %ge3A_94 = arith.cmpi sge, %add3A_82, %ge3A : i32
        %convert_element_type3A_95 = arith.extui %ge3A_94 : i1 to i32
        %cond3A_96 = arith.constant 0 : i32
        %cond3A_97 = arith.cmpi ne, %convert_element_type3A_95, %cond3A_96 : i32
        scf.if %cond3A_97 {
          %dma_wait3A_156 = arith.constant 0 : i32
          %dma_wait3A_157 = arith.constant 0 : i32
          %dma_wait3A_158 = tpu.memref_slice %arg18[%dma_wait3A_156, %dma_wait3A_157] : memref<10000x144xf32, #tpu.memory_space<vmem_shared>> -> memref<10000x144xf32, #tpu.memory_space<vmem_shared>>
          tpu.wait_indirect_dma semaphore(%arg28 : memref<!tpu.dma_semaphore, #tpu.memory_space<semaphore_mem>>) src(%arg14 : memref<80x144xf32, #tpu.memory_space<vmem>>) dst(%dma_wait3A_158 : memref<10000x144xf32, #tpu.memory_space<vmem_shared>>)
        } else {
        }
        %add3A_98 = arith.constant 1 : i32
        %add3A_99 = arith.addi %add3A_82, %add3A_98 : i32
        %lt3A_100 = arith.constant 125 : i32
        %lt3A_101 = arith.cmpi slt, %add3A_99, %lt3A_100 : i32
        %convert_element_type3A_102 = arith.extui %lt3A_101 : i1 to i32
        %cond3A_103 = arith.constant 0 : i32
        %cond3A_104 = arith.cmpi ne, %convert_element_type3A_102, %cond3A_103 : i32
        scf.if %cond3A_104 {
          %add3A_156 = arith.constant 1 : i32
          %add3A_157 = arith.addi %add3A_82, %add3A_156 : i32
          %add3A_158 = arith.addi %mul3A_2, %add3A_157 : i32
          %dma_wait3A_159 = arith.constant 0 : i32
          %dma_wait3A_160 = tpu.memref_slice %arg2[%add3A_158, %dma_wait3A_159] : memref<4000x80xi32, #tpu.memory_space<hbm>> -> memref<1x80xi32, #tpu.memory_space<hbm>>
          %dma_wait3A_161 = tpu.memref_squeeze %dma_wait3A_160 : memref<1x80xi32, #tpu.memory_space<hbm>> -> memref<80xi32, #tpu.memory_space<hbm>>
          %dma_wait3A_162 = arith.constant 0 : i32
          %dma_wait3A_163 = tpu.memref_slice %arg2[%add3A_158, %dma_wait3A_162] : memref<4000x80xi32, #tpu.memory_space<hbm>> -> memref<1x80xi32, #tpu.memory_space<hbm>>
          %dma_wait3A_164 = tpu.memref_squeeze %dma_wait3A_163 : memref<1x80xi32, #tpu.memory_space<hbm>> -> memref<80xi32, #tpu.memory_space<hbm>>
          tpu.wait_dma2 semaphore(%arg20 : memref<!tpu.dma_semaphore, #tpu.memory_space<semaphore_mem>>) src(%dma_wait3A_164 : memref<80xi32, #tpu.memory_space<hbm>>) dst(%arg8 : memref<80xi32, #tpu.memory_space<vmem>>)
          %add3A_165 = arith.addi %mul3A_2, %add3A_157 : i32
          %dma_wait3A_166 = arith.constant 0 : i32
          %dma_wait3A_167 = tpu.memref_slice %arg3[%add3A_165, %dma_wait3A_166] : memref<4000x80xi32, #tpu.memory_space<hbm>> -> memref<1x80xi32, #tpu.memory_space<hbm>>
          %dma_wait3A_168 = tpu.memref_squeeze %dma_wait3A_167 : memref<1x80xi32, #tpu.memory_space<hbm>> -> memref<80xi32, #tpu.memory_space<hbm>>
          %dma_wait3A_169 = arith.constant 0 : i32
          %dma_wait3A_170 = tpu.memref_slice %arg3[%add3A_165, %dma_wait3A_169] : memref<4000x80xi32, #tpu.memory_space<hbm>> -> memref<1x80xi32, #tpu.memory_space<hbm>>
          %dma_wait3A_171 = tpu.memref_squeeze %dma_wait3A_170 : memref<1x80xi32, #tpu.memory_space<hbm>> -> memref<80xi32, #tpu.memory_space<hbm>>
          tpu.wait_dma2 semaphore(%arg22 : memref<!tpu.dma_semaphore, #tpu.memory_space<semaphore_mem>>) src(%dma_wait3A_171 : memref<80xi32, #tpu.memory_space<hbm>>) dst(%arg10 : memref<80xi32, #tpu.memory_space<vmem>>)
          %dma_start3A_172 = arith.constant 0 : i32
          %dma_start3A_173 = arith.constant 0 : i32
          %dma_start3A_174 = tpu.memref_slice %arg4[%dma_start3A_172, %dma_start3A_173] : memref<10000x144xf32, #tpu.memory_space<hbm>> -> memref<10000x144xf32, #tpu.memory_space<hbm>>
          tpu.enqueue_indirect_dma source(%dma_start3A_174 : memref<10000x144xf32, #tpu.memory_space<hbm>>) target(%arg14 : memref<80x144xf32, #tpu.memory_space<vmem>>) offsets(%arg8 : memref<80xi32, #tpu.memory_space<vmem>>) semaphore(%arg24 : memref<!tpu.dma_semaphore, #tpu.memory_space<semaphore_mem>>)
          %dma_start3A_175 = arith.constant 0 : i32
          %dma_start3A_176 = arith.constant 0 : i32
          %dma_start3A_177 = tpu.memref_slice %arg5[%dma_start3A_175, %dma_start3A_176] : memref<10000x16xf32, #tpu.memory_space<hbm>> -> memref<10000x16xf32, #tpu.memory_space<hbm>>
          tpu.enqueue_indirect_dma source(%dma_start3A_177 : memref<10000x16xf32, #tpu.memory_space<hbm>>) target(%arg16 : memref<80x16xf32, #tpu.memory_space<vmem>>) offsets(%arg10 : memref<80xi32, #tpu.memory_space<vmem>>) semaphore(%arg26 : memref<!tpu.dma_semaphore, #tpu.memory_space<semaphore_mem>>)
        } else {
        }
        %dma_wait3A_105 = arith.constant 0 : i32
        %dma_wait3A_106 = arith.constant 0 : i32
        %dma_wait3A_107 = tpu.memref_slice %arg4[%dma_wait3A_105, %dma_wait3A_106] : memref<10000x144xf32, #tpu.memory_space<hbm>> -> memref<10000x144xf32, #tpu.memory_space<hbm>>
        tpu.wait_indirect_dma semaphore(%arg23 : memref<!tpu.dma_semaphore, #tpu.memory_space<semaphore_mem>>) src(%dma_wait3A_107 : memref<10000x144xf32, #tpu.memory_space<hbm>>) dst(%arg13 : memref<80x144xf32, #tpu.memory_space<vmem>>)
        %dma_wait3A_108 = arith.constant 0 : i32
        %dma_wait3A_109 = arith.constant 0 : i32
        %dma_wait3A_110 = tpu.memref_slice %arg5[%dma_wait3A_108, %dma_wait3A_109] : memref<10000x16xf32, #tpu.memory_space<hbm>> -> memref<10000x16xf32, #tpu.memory_space<hbm>>
        tpu.wait_indirect_dma semaphore(%arg25 : memref<!tpu.dma_semaphore, #tpu.memory_space<semaphore_mem>>) src(%dma_wait3A_110 : memref<10000x16xf32, #tpu.memory_space<hbm>>) dst(%arg15 : memref<80x16xf32, #tpu.memory_space<vmem>>)
        %get3A = arith.constant 0 : index
        %get3A_111 = tpu.vector_load %arg9[%get3A] {strides = array<i32>} : memref<80xi32, #tpu.memory_space<vmem>>, vector<16xi32>,
        %get3A_112 = vector.shape_cast %get3A_111 : vector<16xi32> to vector<16xi32>
        %swap3A = arith.constant 0 : index
        %swap3A_113 = tpu.vector_load %arg11[%swap3A] {strides = array<i32>} : memref<80xi32, #tpu.memory_space<vmem>>, vector<16xi32>,
        %swap3A_114 = vector.shape_cast %swap3A_113 : vector<16xi32> to vector<16xi32>
        %swap3A_115 = vector.shape_cast %get3A_112 : vector<16xi32> to vector<16xi32>
        tpu.vector_store %arg11[%swap3A], %swap3A_115 {strides = array<i32>} : memref<80xi32, #tpu.memory_space<vmem>>, vector<16xi32>,
        %get3A_116 = arith.constant 16 : index
        %get3A_117 = tpu.vector_load %arg9[%get3A_116] {strides = array<i32>} : memref<80xi32, #tpu.memory_space<vmem>>, vector<16xi32>,
        %get3A_118 = vector.shape_cast %get3A_117 : vector<16xi32> to vector<16xi32>
        %swap3A_119 = arith.constant 16 : index
        %swap3A_120 = tpu.vector_load %arg11[%swap3A_119] {strides = array<i32>} : memref<80xi32, #tpu.memory_space<vmem>>, vector<16xi32>,
        %swap3A_121 = vector.shape_cast %swap3A_120 : vector<16xi32> to vector<16xi32>
        %swap3A_122 = vector.shape_cast %get3A_118 : vector<16xi32> to vector<16xi32>
        tpu.vector_store %arg11[%swap3A_119], %swap3A_122 {strides = array<i32>} : memref<80xi32, #tpu.memory_space<vmem>>, vector<16xi32>,
        %get3A_123 = arith.constant 32 : index
        %get3A_124 = tpu.vector_load %arg9[%get3A_123] {strides = array<i32>} : memref<80xi32, #tpu.memory_space<vmem>>, vector<16xi32>,
        %get3A_125 = vector.shape_cast %get3A_124 : vector<16xi32> to vector<16xi32>
        %swap3A_126 = arith.constant 32 : index
        %swap3A_127 = tpu.vector_load %arg11[%swap3A_126] {strides = array<i32>} : memref<80xi32, #tpu.memory_space<vmem>>, vector<16xi32>,
        %swap3A_128 = vector.shape_cast %swap3A_127 : vector<16xi32> to vector<16xi32>
        %swap3A_129 = vector.shape_cast %get3A_125 : vector<16xi32> to vector<16xi32>
        tpu.vector_store %arg11[%swap3A_126], %swap3A_129 {strides = array<i32>} : memref<80xi32, #tpu.memory_space<vmem>>, vector<16xi32>,
        %get3A_130 = arith.constant 48 : index
        %get3A_131 = tpu.vector_load %arg9[%get3A_130] {strides = array<i32>} : memref<80xi32, #tpu.memory_space<vmem>>, vector<16xi32>,
        %get3A_132 = vector.shape_cast %get3A_131 : vector<16xi32> to vector<16xi32>
        %swap3A_133 = arith.constant 48 : index
        %swap3A_134 = tpu.vector_load %arg11[%swap3A_133] {strides = array<i32>} : memref<80xi32, #tpu.memory_space<vmem>>, vector<16xi32>,
        %swap3A_135 = vector.shape_cast %swap3A_134 : vector<16xi32> to vector<16xi32>
        %swap3A_136 = vector.shape_cast %get3A_132 : vector<16xi32> to vector<16xi32>
        tpu.vector_store %arg11[%swap3A_133], %swap3A_136 {strides = array<i32>} : memref<80xi32, #tpu.memory_space<vmem>>, vector<16xi32>,
        %get3A_137 = arith.constant 64 : index
        %get3A_138 = tpu.vector_load %arg9[%get3A_137] {strides = array<i32>} : memref<80xi32, #tpu.memory_space<vmem>>, vector<16xi32>,
        %get3A_139 = vector.shape_cast %get3A_138 : vector<16xi32> to vector<16xi32>
        %swap3A_140 = arith.constant 64 : index
        %swap3A_141 = tpu.vector_load %arg11[%swap3A_140] {strides = array<i32>} : memref<80xi32, #tpu.memory_space<vmem>>, vector<16xi32>,
        %swap3A_142 = vector.shape_cast %swap3A_141 : vector<16xi32> to vector<16xi32>
        %swap3A_143 = vector.shape_cast %get3A_139 : vector<16xi32> to vector<16xi32>
        tpu.vector_store %arg11[%swap3A_140], %swap3A_143 {strides = array<i32>} : memref<80xi32, #tpu.memory_space<vmem>>, vector<16xi32>,
        %add3A_144 = arith.constant 2 : i32
        %add3A_145 = arith.addi %add3A_82, %add3A_144 : i32
        %lt3A_146 = arith.constant 125 : i32
        %lt3A_147 = arith.cmpi slt, %add3A_145, %lt3A_146 : i32
        %convert_element_type3A_148 = arith.extui %lt3A_147 : i1 to i32
        %cond3A_149 = arith.constant 0 : i32
        %cond3A_150 = arith.cmpi ne, %convert_element_type3A_148, %cond3A_149 : i32
        scf.if %cond3A_150 {
          %add3A_156 = arith.constant 2 : i32
          %add3A_157 = arith.addi %add3A_82, %add3A_156 : i32
          %add3A_158 = arith.addi %mul3A_2, %add3A_157 : i32
          %dma_start3A_159 = arith.constant 0 : i32
          %dma_start3A_160 = tpu.memref_slice %arg2[%add3A_158, %dma_start3A_159] : memref<4000x80xi32, #tpu.memory_space<hbm>> -> memref<1x80xi32, #tpu.memory_space<hbm>>
          %dma_start3A_161 = tpu.memref_squeeze %dma_start3A_160 : memref<1x80xi32, #tpu.memory_space<hbm>> -> memref<80xi32, #tpu.memory_space<hbm>>
          %dma_start3A_162 = arith.constant 0 : i32
          %dma_start3A_163 = tpu.memref_slice %arg2[%add3A_158, %dma_start3A_162] : memref<4000x80xi32, #tpu.memory_space<hbm>> -> memref<1x80xi32, #tpu.memory_space<hbm>>
          %dma_start3A_164 = tpu.memref_squeeze %dma_start3A_163 : memref<1x80xi32, #tpu.memory_space<hbm>> -> memref<80xi32, #tpu.memory_space<hbm>>
          tpu.enqueue_dma source(%dma_start3A_164 : memref<80xi32, #tpu.memory_space<hbm>>) target(%arg7 : memref<80xi32, #tpu.memory_space<vmem>>) target_semaphore(%arg19 : memref<!tpu.dma_semaphore, #tpu.memory_space<semaphore_mem>>)
          %add3A_165 = arith.addi %mul3A_2, %add3A_157 : i32
          %dma_start3A_166 = arith.constant 0 : i32
          %dma_start3A_167 = tpu.memref_slice %arg3[%add3A_165, %dma_start3A_166] : memref<4000x80xi32, #tpu.memory_space<hbm>> -> memref<1x80xi32, #tpu.memory_space<hbm>>
          %dma_start3A_168 = tpu.memref_squeeze %dma_start3A_167 : memref<1x80xi32, #tpu.memory_space<hbm>> -> memref<80xi32, #tpu.memory_space<hbm>>
          %dma_start3A_169 = arith.constant 0 : i32
          %dma_start3A_170 = tpu.memref_slice %arg3[%add3A_165, %dma_start3A_169] : memref<4000x80xi32, #tpu.memory_space<hbm>> -> memref<1x80xi32, #tpu.memory_space<hbm>>
          %dma_start3A_171 = tpu.memref_squeeze %dma_start3A_170 : memref<1x80xi32, #tpu.memory_space<hbm>> -> memref<80xi32, #tpu.memory_space<hbm>>
          tpu.enqueue_dma source(%dma_start3A_171 : memref<80xi32, #tpu.memory_space<hbm>>) target(%arg9 : memref<80xi32, #tpu.memory_space<vmem>>) target_semaphore(%arg21 : memref<!tpu.dma_semaphore, #tpu.memory_space<semaphore_mem>>)
        } else {
        }
        %parallel_loop3A = arith.constant 0 : i32
        %parallel_loop3A_151 = arith.constant 80 : i32
        %parallel_loop3A_152 = arith.constant 1 : i32
        scf.for %parallel_loop3A_156 = %parallel_loop3A to %parallel_loop3A_151 step %parallel_loop3A_152  : i32 {
          %parallel_loop3A_157 = arith.index_cast %parallel_loop3A_156 : i32 to index
          %parallel_loop3A_158 = arith.constant 128 : index
          %parallel_loop3A_159 = tpu.vector_load %arg13[%parallel_loop3A_157, %parallel_loop3A_158] {strides = array<i32>} : memref<80x144xf32, #tpu.memory_space<vmem>>, vector<1x16xf32>,
          %parallel_loop3A_160 = vector.shape_cast %parallel_loop3A_159 : vector<1x16xf32> to vector<16xf32>
          %parallel_loop3A_161 = arith.index_cast %parallel_loop3A_156 : i32 to index
          %parallel_loop3A_162 = arith.constant 0 : index
          %parallel_loop3A_163 = tpu.vector_load %arg15[%parallel_loop3A_161, %parallel_loop3A_162] {strides = array<i32>} : memref<80x16xf32, #tpu.memory_space<vmem>>, vector<1x16xf32>,
          %parallel_loop3A_164 = vector.shape_cast %parallel_loop3A_163 : vector<1x16xf32> to vector<16xf32>
          %parallel_loop3A_165 = arith.addf %parallel_loop3A_160, %parallel_loop3A_164 : vector<16xf32>
          %parallel_loop3A_166 = arith.constant 0.000000e+00 : f32
          %parallel_loop3A_167 = vector.broadcast %parallel_loop3A_166 : f32 to vector<16xf32>
          %parallel_loop3A_168 = arith.cmpf oge, %parallel_loop3A_165, %parallel_loop3A_167 : vector<16xf32>
          %parallel_loop3A_169 = arith.constant 2.000000e-01 : f32
          %parallel_loop3A_170 = vector.broadcast %parallel_loop3A_169 : f32 to vector<16xf32>
          %parallel_loop3A_171 = arith.mulf %parallel_loop3A_165, %parallel_loop3A_170 : vector<16xf32>
          %parallel_loop3A_172 = arith.select %parallel_loop3A_168, %parallel_loop3A_165, %parallel_loop3A_171 : vector<16xi1>, vector<16xf32>
          %parallel_loop3A_173 = math.exp %parallel_loop3A_172 : vector<16xf32>
          %parallel_loop3A_174 = arith.index_cast %parallel_loop3A_156 : i32 to index
          %parallel_loop3A_175 = arith.constant 128 : index
          %parallel_loop3A_176 = tpu.vector_load %arg13[%parallel_loop3A_174, %parallel_loop3A_175] {strides = array<i32>} : memref<80x144xf32, #tpu.memory_space<vmem>>, vector<1x16xf32>,
          %parallel_loop3A_177 = vector.shape_cast %parallel_loop3A_176 : vector<1x16xf32> to vector<16xf32>
          %parallel_loop3A_178 = vector.shape_cast %parallel_loop3A_173 : vector<16xf32> to vector<1x16xf32>
          tpu.vector_store %arg13[%parallel_loop3A_174, %parallel_loop3A_175], %parallel_loop3A_178 {strides = array<i32>} : memref<80x144xf32, #tpu.memory_space<vmem>>, vector<1x16xf32>,
          %parallel_loop3A_179 = arith.index_cast %parallel_loop3A_156 : i32 to index
          %parallel_loop3A_180 = arith.constant 0 : index
          %parallel_loop3A_181 = tpu.vector_load %arg13[%parallel_loop3A_179, %parallel_loop3A_180] {strides = array<i32>} : memref<80x144xf32, #tpu.memory_space<vmem>>, vector<1x16xf32>,
          %parallel_loop3A_182 = vector.shape_cast %parallel_loop3A_181 : vector<1x16xf32> to vector<16xf32>
          %parallel_loop3A_183 = vector.extract_strided_slice %parallel_loop3A_173 {offsets = [0], sizes = [1], strides = [1]} : vector<16xf32> to vector<1xf32>
          %parallel_loop3A_184 = vector.extract %parallel_loop3A_183[0] : f32 from vector<1xf32>
          %parallel_loop3A_185 = vector.broadcast %parallel_loop3A_184 : f32 to vector<16xf32>
          %parallel_loop3A_186 = arith.mulf %parallel_loop3A_182, %parallel_loop3A_185 : vector<16xf32>
          %parallel_loop3A_187 = arith.index_cast %parallel_loop3A_156 : i32 to index
          %parallel_loop3A_188 = arith.constant 0 : index
          %parallel_loop3A_189 = tpu.vector_load %arg13[%parallel_loop3A_187, %parallel_loop3A_188] {strides = array<i32>} : memref<80x144xf32, #tpu.memory_space<vmem>>, vector<1x16xf32>,
          %parallel_loop3A_190 = vector.shape_cast %parallel_loop3A_189 : vector<1x16xf32> to vector<16xf32>
          %parallel_loop3A_191 = vector.shape_cast %parallel_loop3A_186 : vector<16xf32> to vector<1x16xf32>
          tpu.vector_store %arg13[%parallel_loop3A_187, %parallel_loop3A_188], %parallel_loop3A_191 {strides = array<i32>} : memref<80x144xf32, #tpu.memory_space<vmem>>, vector<1x16xf32>,
          %parallel_loop3A_192 = arith.index_cast %parallel_loop3A_156 : i32 to index
          %parallel_loop3A_193 = arith.constant 16 : index
          %parallel_loop3A_194 = tpu.vector_load %arg13[%parallel_loop3A_192, %parallel_loop3A_193] {strides = array<i32>} : memref<80x144xf32, #tpu.memory_space<vmem>>, vector<1x16xf32>,
          %parallel_loop3A_195 = vector.shape_cast %parallel_loop3A_194 : vector<1x16xf32> to vector<16xf32>
          %parallel_loop3A_196 = vector.extract_strided_slice %parallel_loop3A_173 {offsets = [1], sizes = [1], strides = [1]} : vector<16xf32> to vector<1xf32>
          %parallel_loop3A_197 = vector.extract %parallel_loop3A_196[0] : f32 from vector<1xf32>
          %parallel_loop3A_198 = vector.broadcast %parallel_loop3A_197 : f32 to vector<16xf32>
          %parallel_loop3A_199 = arith.mulf %parallel_loop3A_195, %parallel_loop3A_198 : vector<16xf32>
          %parallel_loop3A_200 = arith.index_cast %parallel_loop3A_156 : i32 to index
          %parallel_loop3A_201 = arith.constant 16 : index
          %parallel_loop3A_202 = tpu.vector_load %arg13[%parallel_loop3A_200, %parallel_loop3A_201] {strides = array<i32>} : memref<80x144xf32, #tpu.memory_space<vmem>>, vector<1x16xf32>,
          %parallel_loop3A_203 = vector.shape_cast %parallel_loop3A_202 : vector<1x16xf32> to vector<16xf32>
          %parallel_loop3A_204 = vector.shape_cast %parallel_loop3A_199 : vector<16xf32> to vector<1x16xf32>
          tpu.vector_store %arg13[%parallel_loop3A_200, %parallel_loop3A_201], %parallel_loop3A_204 {strides = array<i32>} : memref<80x144xf32, #tpu.memory_space<vmem>>, vector<1x16xf32>,
          %parallel_loop3A_205 = arith.index_cast %parallel_loop3A_156 : i32 to index
          %parallel_loop3A_206 = arith.constant 32 : index
          %parallel_loop3A_207 = tpu.vector_load %arg13[%parallel_loop3A_205, %parallel_loop3A_206] {strides = array<i32>} : memref<80x144xf32, #tpu.memory_space<vmem>>, vector<1x16xf32>,
          %parallel_loop3A_208 = vector.shape_cast %parallel_loop3A_207 : vector<1x16xf32> to vector<16xf32>
          %parallel_loop3A_209 = vector.extract_strided_slice %parallel_loop3A_173 {offsets = [2], sizes = [1], strides = [1]} : vector<16xf32> to vector<1xf32>
          %parallel_loop3A_210 = vector.extract %parallel_loop3A_209[0] : f32 from vector<1xf32>
          %parallel_loop3A_211 = vector.broadcast %parallel_loop3A_210 : f32 to vector<16xf32>
          %parallel_loop3A_212 = arith.mulf %parallel_loop3A_208, %parallel_loop3A_211 : vector<16xf32>
          %parallel_loop3A_213 = arith.index_cast %parallel_loop3A_156 : i32 to index
          %parallel_loop3A_214 = arith.constant 32 : index
          %parallel_loop3A_215 = tpu.vector_load %arg13[%parallel_loop3A_213, %parallel_loop3A_214] {strides = array<i32>} : memref<80x144xf32, #tpu.memory_space<vmem>>, vector<1x16xf32>,
          %parallel_loop3A_216 = vector.shape_cast %parallel_loop3A_215 : vector<1x16xf32> to vector<16xf32>
          %parallel_loop3A_217 = vector.shape_cast %parallel_loop3A_212 : vector<16xf32> to vector<1x16xf32>
          tpu.vector_store %arg13[%parallel_loop3A_213, %parallel_loop3A_214], %parallel_loop3A_217 {strides = array<i32>} : memref<80x144xf32, #tpu.memory_space<vmem>>, vector<1x16xf32>,
          %parallel_loop3A_218 = arith.index_cast %parallel_loop3A_156 : i32 to index
          %parallel_loop3A_219 = arith.constant 48 : index
          %parallel_loop3A_220 = tpu.vector_load %arg13[%parallel_loop3A_218, %parallel_loop3A_219] {strides = array<i32>} : memref<80x144xf32, #tpu.memory_space<vmem>>, vector<1x16xf32>,
          %parallel_loop3A_221 = vector.shape_cast %parallel_loop3A_220 : vector<1x16xf32> to vector<16xf32>
          %parallel_loop3A_222 = vector.extract_strided_slice %parallel_loop3A_173 {offsets = [3], sizes = [1], strides = [1]} : vector<16xf32> to vector<1xf32>
          %parallel_loop3A_223 = vector.extract %parallel_loop3A_222[0] : f32 from vector<1xf32>
          %parallel_loop3A_224 = vector.broadcast %parallel_loop3A_223 : f32 to vector<16xf32>
          %parallel_loop3A_225 = arith.mulf %parallel_loop3A_221, %parallel_loop3A_224 : vector<16xf32>
          %parallel_loop3A_226 = arith.index_cast %parallel_loop3A_156 : i32 to index
          %parallel_loop3A_227 = arith.constant 48 : index
          %parallel_loop3A_228 = tpu.vector_load %arg13[%parallel_loop3A_226, %parallel_loop3A_227] {strides = array<i32>} : memref<80x144xf32, #tpu.memory_space<vmem>>, vector<1x16xf32>,
          %parallel_loop3A_229 = vector.shape_cast %parallel_loop3A_228 : vector<1x16xf32> to vector<16xf32>
          %parallel_loop3A_230 = vector.shape_cast %parallel_loop3A_225 : vector<16xf32> to vector<1x16xf32>
          tpu.vector_store %arg13[%parallel_loop3A_226, %parallel_loop3A_227], %parallel_loop3A_230 {strides = array<i32>} : memref<80x144xf32, #tpu.memory_space<vmem>>, vector<1x16xf32>,
          %parallel_loop3A_231 = arith.index_cast %parallel_loop3A_156 : i32 to index
          %parallel_loop3A_232 = arith.constant 64 : index
          %parallel_loop3A_233 = tpu.vector_load %arg13[%parallel_loop3A_231, %parallel_loop3A_232] {strides = array<i32>} : memref<80x144xf32, #tpu.memory_space<vmem>>, vector<1x16xf32>,
          %parallel_loop3A_234 = vector.shape_cast %parallel_loop3A_233 : vector<1x16xf32> to vector<16xf32>
          %parallel_loop3A_235 = vector.extract_strided_slice %parallel_loop3A_173 {offsets = [4], sizes = [1], strides = [1]} : vector<16xf32> to vector<1xf32>
          %parallel_loop3A_236 = vector.extract %parallel_loop3A_235[0] : f32 from vector<1xf32>
          %parallel_loop3A_237 = vector.broadcast %parallel_loop3A_236 : f32 to vector<16xf32>
          %parallel_loop3A_238 = arith.mulf %parallel_loop3A_234, %parallel_loop3A_237 : vector<16xf32>
          %parallel_loop3A_239 = arith.index_cast %parallel_loop3A_156 : i32 to index
          %parallel_loop3A_240 = arith.constant 64 : index
          %parallel_loop3A_241 = tpu.vector_load %arg13[%parallel_loop3A_239, %parallel_loop3A_240] {strides = array<i32>} : memref<80x144xf32, #tpu.memory_space<vmem>>, vector<1x16xf32>,
          %parallel_loop3A_242 = vector.shape_cast %parallel_loop3A_241 : vector<1x16xf32> to vector<16xf32>
          %parallel_loop3A_243 = vector.shape_cast %parallel_loop3A_238 : vector<16xf32> to vector<1x16xf32>
          tpu.vector_store %arg13[%parallel_loop3A_239, %parallel_loop3A_240], %parallel_loop3A_243 {strides = array<i32>} : memref<80x144xf32, #tpu.memory_space<vmem>>, vector<1x16xf32>,
          %parallel_loop3A_244 = arith.index_cast %parallel_loop3A_156 : i32 to index
          %parallel_loop3A_245 = arith.constant 80 : index
          %parallel_loop3A_246 = tpu.vector_load %arg13[%parallel_loop3A_244, %parallel_loop3A_245] {strides = array<i32>} : memref<80x144xf32, #tpu.memory_space<vmem>>, vector<1x16xf32>,
          %parallel_loop3A_247 = vector.shape_cast %parallel_loop3A_246 : vector<1x16xf32> to vector<16xf32>
          %parallel_loop3A_248 = vector.extract_strided_slice %parallel_loop3A_173 {offsets = [5], sizes = [1], strides = [1]} : vector<16xf32> to vector<1xf32>
          %parallel_loop3A_249 = vector.extract %parallel_loop3A_248[0] : f32 from vector<1xf32>
          %parallel_loop3A_250 = vector.broadcast %parallel_loop3A_249 : f32 to vector<16xf32>
          %parallel_loop3A_251 = arith.mulf %parallel_loop3A_247, %parallel_loop3A_250 : vector<16xf32>
          %parallel_loop3A_252 = arith.index_cast %parallel_loop3A_156 : i32 to index
          %parallel_loop3A_253 = arith.constant 80 : index
          %parallel_loop3A_254 = tpu.vector_load %arg13[%parallel_loop3A_252, %parallel_loop3A_253] {strides = array<i32>} : memref<80x144xf32, #tpu.memory_space<vmem>>, vector<1x16xf32>,
          %parallel_loop3A_255 = vector.shape_cast %parallel_loop3A_254 : vector<1x16xf32> to vector<16xf32>
          %parallel_loop3A_256 = vector.shape_cast %parallel_loop3A_251 : vector<16xf32> to vector<1x16xf32>
          tpu.vector_store %arg13[%parallel_loop3A_252, %parallel_loop3A_253], %parallel_loop3A_256 {strides = array<i32>} : memref<80x144xf32, #tpu.memory_space<vmem>>, vector<1x16xf32>,
          %parallel_loop3A_257 = arith.index_cast %parallel_loop3A_156 : i32 to index
          %parallel_loop3A_258 = arith.constant 96 : index
          %parallel_loop3A_259 = tpu.vector_load %arg13[%parallel_loop3A_257, %parallel_loop3A_258] {strides = array<i32>} : memref<80x144xf32, #tpu.memory_space<vmem>>, vector<1x16xf32>,
          %parallel_loop3A_260 = vector.shape_cast %parallel_loop3A_259 : vector<1x16xf32> to vector<16xf32>
          %parallel_loop3A_261 = vector.extract_strided_slice %parallel_loop3A_173 {offsets = [6], sizes = [1], strides = [1]} : vector<16xf32> to vector<1xf32>
          %parallel_loop3A_262 = vector.extract %parallel_loop3A_261[0] : f32 from vector<1xf32>
          %parallel_loop3A_263 = vector.broadcast %parallel_loop3A_262 : f32 to vector<16xf32>
          %parallel_loop3A_264 = arith.mulf %parallel_loop3A_260, %parallel_loop3A_263 : vector<16xf32>
          %parallel_loop3A_265 = arith.index_cast %parallel_loop3A_156 : i32 to index
          %parallel_loop3A_266 = arith.constant 96 : index
          %parallel_loop3A_267 = tpu.vector_load %arg13[%parallel_loop3A_265, %parallel_loop3A_266] {strides = array<i32>} : memref<80x144xf32, #tpu.memory_space<vmem>>, vector<1x16xf32>,
          %parallel_loop3A_268 = vector.shape_cast %parallel_loop3A_267 : vector<1x16xf32> to vector<16xf32>
          %parallel_loop3A_269 = vector.shape_cast %parallel_loop3A_264 : vector<16xf32> to vector<1x16xf32>
          tpu.vector_store %arg13[%parallel_loop3A_265, %parallel_loop3A_266], %parallel_loop3A_269 {strides = array<i32>} : memref<80x144xf32, #tpu.memory_space<vmem>>, vector<1x16xf32>,
          %parallel_loop3A_270 = arith.index_cast %parallel_loop3A_156 : i32 to index
          %parallel_loop3A_271 = arith.constant 112 : index
          %parallel_loop3A_272 = tpu.vector_load %arg13[%parallel_loop3A_270, %parallel_loop3A_271] {strides = array<i32>} : memref<80x144xf32, #tpu.memory_space<vmem>>, vector<1x16xf32>,
          %parallel_loop3A_273 = vector.shape_cast %parallel_loop3A_272 : vector<1x16xf32> to vector<16xf32>
          %parallel_loop3A_274 = vector.extract_strided_slice %parallel_loop3A_173 {offsets = [7], sizes = [1], strides = [1]} : vector<16xf32> to vector<1xf32>
          %parallel_loop3A_275 = vector.extract %parallel_loop3A_274[0] : f32 from vector<1xf32>
          %parallel_loop3A_276 = vector.broadcast %parallel_loop3A_275 : f32 to vector<16xf32>
          %parallel_loop3A_277 = arith.mulf %parallel_loop3A_273, %parallel_loop3A_276 : vector<16xf32>
          %parallel_loop3A_278 = arith.index_cast %parallel_loop3A_156 : i32 to index
          %parallel_loop3A_279 = arith.constant 112 : index
          %parallel_loop3A_280 = tpu.vector_load %arg13[%parallel_loop3A_278, %parallel_loop3A_279] {strides = array<i32>} : memref<80x144xf32, #tpu.memory_space<vmem>>, vector<1x16xf32>,
          %parallel_loop3A_281 = vector.shape_cast %parallel_loop3A_280 : vector<1x16xf32> to vector<16xf32>
          %parallel_loop3A_282 = vector.shape_cast %parallel_loop3A_277 : vector<16xf32> to vector<1x16xf32>
          tpu.vector_store %arg13[%parallel_loop3A_278, %parallel_loop3A_279], %parallel_loop3A_282 {strides = array<i32>} : memref<80x144xf32, #tpu.memory_space<vmem>>, vector<1x16xf32>,
        } {sc.loop_unroll_factor = 4 : i64, sc.parallel_access}
        %dma_start3A_153 = arith.constant 0 : i32
        %dma_start3A_154 = arith.constant 0 : i32
        %dma_start3A_155 = tpu.memref_slice %arg18[%dma_start3A_153, %dma_start3A_154] : memref<10000x144xf32, #tpu.memory_space<vmem_shared>> -> memref<10000x144xf32, #tpu.memory_space<vmem_shared>>
        tpu.enqueue_indirect_dma source(%arg13 : memref<80x144xf32, #tpu.memory_space<vmem>>) target(%dma_start3A_155 : memref<10000x144xf32, #tpu.memory_space<vmem_shared>>) offsets(%arg11 : memref<80xi32, #tpu.memory_space<vmem>>) semaphore(%arg27 : memref<!tpu.dma_semaphore, #tpu.memory_space<semaphore_mem>>) {add = true}
      } else {
      }
      %mul3A_85 = arith.constant 2 : i32
      %mul3A_86 = arith.muli %mul3A_85, %scan3A_78 : i32
      %add3A_87 = arith.constant 1 : i32
      %add3A_88 = arith.addi %mul3A_86, %add3A_87 : i32
      %lt3A_89 = arith.constant 125 : i32
      %lt3A_90 = arith.cmpi slt, %add3A_88, %lt3A_89 : i32
      %convert_element_type3A_91 = arith.extui %lt3A_90 : i1 to i32
      %cond3A_92 = arith.constant 0 : i32
      %cond3A_93 = arith.cmpi ne, %convert_element_type3A_91, %cond3A_92 : i32
      scf.if %cond3A_93 {
        %ge3A = arith.constant 1 : i32
        %ge3A_94 = arith.cmpi sge, %add3A_88, %ge3A : i32
        %convert_element_type3A_95 = arith.extui %ge3A_94 : i1 to i32
        %cond3A_96 = arith.constant 0 : i32
        %cond3A_97 = arith.cmpi ne, %convert_element_type3A_95, %cond3A_96 : i32
        scf.if %cond3A_97 {
          %dma_wait3A_156 = arith.constant 0 : i32
          %dma_wait3A_157 = arith.constant 0 : i32
          %dma_wait3A_158 = tpu.memref_slice %arg18[%dma_wait3A_156, %dma_wait3A_157] : memref<10000x144xf32, #tpu.memory_space<vmem_shared>> -> memref<10000x144xf32, #tpu.memory_space<vmem_shared>>
          tpu.wait_indirect_dma semaphore(%arg27 : memref<!tpu.dma_semaphore, #tpu.memory_space<semaphore_mem>>) src(%arg13 : memref<80x144xf32, #tpu.memory_space<vmem>>) dst(%dma_wait3A_158 : memref<10000x144xf32, #tpu.memory_space<vmem_shared>>)
        } else {
        }
        %add3A_98 = arith.constant 1 : i32
        %add3A_99 = arith.addi %add3A_88, %add3A_98 : i32
        %lt3A_100 = arith.constant 125 : i32
        %lt3A_101 = arith.cmpi slt, %add3A_99, %lt3A_100 : i32
        %convert_element_type3A_102 = arith.extui %lt3A_101 : i1 to i32
        %cond3A_103 = arith.constant 0 : i32
        %cond3A_104 = arith.cmpi ne, %convert_element_type3A_102, %cond3A_103 : i32
        scf.if %cond3A_104 {
          %add3A_156 = arith.constant 1 : i32
          %add3A_157 = arith.addi %add3A_88, %add3A_156 : i32
          %add3A_158 = arith.addi %mul3A_2, %add3A_157 : i32
          %dma_wait3A_159 = arith.constant 0 : i32
          %dma_wait3A_160 = tpu.memref_slice %arg2[%add3A_158, %dma_wait3A_159] : memref<4000x80xi32, #tpu.memory_space<hbm>> -> memref<1x80xi32, #tpu.memory_space<hbm>>
          %dma_wait3A_161 = tpu.memref_squeeze %dma_wait3A_160 : memref<1x80xi32, #tpu.memory_space<hbm>> -> memref<80xi32, #tpu.memory_space<hbm>>
          %dma_wait3A_162 = arith.constant 0 : i32
          %dma_wait3A_163 = tpu.memref_slice %arg2[%add3A_158, %dma_wait3A_162] : memref<4000x80xi32, #tpu.memory_space<hbm>> -> memref<1x80xi32, #tpu.memory_space<hbm>>
          %dma_wait3A_164 = tpu.memref_squeeze %dma_wait3A_163 : memref<1x80xi32, #tpu.memory_space<hbm>> -> memref<80xi32, #tpu.memory_space<hbm>>
          tpu.wait_dma2 semaphore(%arg19 : memref<!tpu.dma_semaphore, #tpu.memory_space<semaphore_mem>>) src(%dma_wait3A_164 : memref<80xi32, #tpu.memory_space<hbm>>) dst(%arg7 : memref<80xi32, #tpu.memory_space<vmem>>)
          %add3A_165 = arith.addi %mul3A_2, %add3A_157 : i32
          %dma_wait3A_166 = arith.constant 0 : i32
          %dma_wait3A_167 = tpu.memref_slice %arg3[%add3A_165, %dma_wait3A_166] : memref<4000x80xi32, #tpu.memory_space<hbm>> -> memref<1x80xi32, #tpu.memory_space<hbm>>
          %dma_wait3A_168 = tpu.memref_squeeze %dma_wait3A_167 : memref<1x80xi32, #tpu.memory_space<hbm>> -> memref<80xi32, #tpu.memory_space<hbm>>
          %dma_wait3A_169 = arith.constant 0 : i32
          %dma_wait3A_170 = tpu.memref_slice %arg3[%add3A_165, %dma_wait3A_169] : memref<4000x80xi32, #tpu.memory_space<hbm>> -> memref<1x80xi32, #tpu.memory_space<hbm>>
          %dma_wait3A_171 = tpu.memref_squeeze %dma_wait3A_170 : memref<1x80xi32, #tpu.memory_space<hbm>> -> memref<80xi32, #tpu.memory_space<hbm>>
          tpu.wait_dma2 semaphore(%arg21 : memref<!tpu.dma_semaphore, #tpu.memory_space<semaphore_mem>>) src(%dma_wait3A_171 : memref<80xi32, #tpu.memory_space<hbm>>) dst(%arg9 : memref<80xi32, #tpu.memory_space<vmem>>)
          %dma_start3A_172 = arith.constant 0 : i32
          %dma_start3A_173 = arith.constant 0 : i32
          %dma_start3A_174 = tpu.memref_slice %arg4[%dma_start3A_172, %dma_start3A_173] : memref<10000x144xf32, #tpu.memory_space<hbm>> -> memref<10000x144xf32, #tpu.memory_space<hbm>>
          tpu.enqueue_indirect_dma source(%dma_start3A_174 : memref<10000x144xf32, #tpu.memory_space<hbm>>) target(%arg13 : memref<80x144xf32, #tpu.memory_space<vmem>>) offsets(%arg7 : memref<80xi32, #tpu.memory_space<vmem>>) semaphore(%arg23 : memref<!tpu.dma_semaphore, #tpu.memory_space<semaphore_mem>>)
          %dma_start3A_175 = arith.constant 0 : i32
          %dma_start3A_176 = arith.constant 0 : i32
          %dma_start3A_177 = tpu.memref_slice %arg5[%dma_start3A_175, %dma_start3A_176] : memref<10000x16xf32, #tpu.memory_space<hbm>> -> memref<10000x16xf32, #tpu.memory_space<hbm>>
          tpu.enqueue_indirect_dma source(%dma_start3A_177 : memref<10000x16xf32, #tpu.memory_space<hbm>>) target(%arg15 : memref<80x16xf32, #tpu.memory_space<vmem>>) offsets(%arg9 : memref<80xi32, #tpu.memory_space<vmem>>) semaphore(%arg25 : memref<!tpu.dma_semaphore, #tpu.memory_space<semaphore_mem>>)
        } else {
        }
        %dma_wait3A_105 = arith.constant 0 : i32
        %dma_wait3A_106 = arith.constant 0 : i32
        %dma_wait3A_107 = tpu.memref_slice %arg4[%dma_wait3A_105, %dma_wait3A_106] : memref<10000x144xf32, #tpu.memory_space<hbm>> -> memref<10000x144xf32, #tpu.memory_space<hbm>>
        tpu.wait_indirect_dma semaphore(%arg24 : memref<!tpu.dma_semaphore, #tpu.memory_space<semaphore_mem>>) src(%dma_wait3A_107 : memref<10000x144xf32, #tpu.memory_space<hbm>>) dst(%arg14 : memref<80x144xf32, #tpu.memory_space<vmem>>)
        %dma_wait3A_108 = arith.constant 0 : i32
        %dma_wait3A_109 = arith.constant 0 : i32
        %dma_wait3A_110 = tpu.memref_slice %arg5[%dma_wait3A_108, %dma_wait3A_109] : memref<10000x16xf32, #tpu.memory_space<hbm>> -> memref<10000x16xf32, #tpu.memory_space<hbm>>
        tpu.wait_indirect_dma semaphore(%arg26 : memref<!tpu.dma_semaphore, #tpu.memory_space<semaphore_mem>>) src(%dma_wait3A_110 : memref<10000x16xf32, #tpu.memory_space<hbm>>) dst(%arg16 : memref<80x16xf32, #tpu.memory_space<vmem>>)
        %get3A = arith.constant 0 : index
        %get3A_111 = tpu.vector_load %arg10[%get3A] {strides = array<i32>} : memref<80xi32, #tpu.memory_space<vmem>>, vector<16xi32>,
        %get3A_112 = vector.shape_cast %get3A_111 : vector<16xi32> to vector<16xi32>
        %swap3A = arith.constant 0 : index
        %swap3A_113 = tpu.vector_load %arg12[%swap3A] {strides = array<i32>} : memref<80xi32, #tpu.memory_space<vmem>>, vector<16xi32>,
        %swap3A_114 = vector.shape_cast %swap3A_113 : vector<16xi32> to vector<16xi32>
        %swap3A_115 = vector.shape_cast %get3A_112 : vector<16xi32> to vector<16xi32>
        tpu.vector_store %arg12[%swap3A], %swap3A_115 {strides = array<i32>} : memref<80xi32, #tpu.memory_space<vmem>>, vector<16xi32>,
        %get3A_116 = arith.constant 16 : index
        %get3A_117 = tpu.vector_load %arg10[%get3A_116] {strides = array<i32>} : memref<80xi32, #tpu.memory_space<vmem>>, vector<16xi32>,
        %get3A_118 = vector.shape_cast %get3A_117 : vector<16xi32> to vector<16xi32>
        %swap3A_119 = arith.constant 16 : index
        %swap3A_120 = tpu.vector_load %arg12[%swap3A_119] {strides = array<i32>} : memref<80xi32, #tpu.memory_space<vmem>>, vector<16xi32>,
        %swap3A_121 = vector.shape_cast %swap3A_120 : vector<16xi32> to vector<16xi32>
        %swap3A_122 = vector.shape_cast %get3A_118 : vector<16xi32> to vector<16xi32>
        tpu.vector_store %arg12[%swap3A_119], %swap3A_122 {strides = array<i32>} : memref<80xi32, #tpu.memory_space<vmem>>, vector<16xi32>,
        %get3A_123 = arith.constant 32 : index
        %get3A_124 = tpu.vector_load %arg10[%get3A_123] {strides = array<i32>} : memref<80xi32, #tpu.memory_space<vmem>>, vector<16xi32>,
        %get3A_125 = vector.shape_cast %get3A_124 : vector<16xi32> to vector<16xi32>
        %swap3A_126 = arith.constant 32 : index
        %swap3A_127 = tpu.vector_load %arg12[%swap3A_126] {strides = array<i32>} : memref<80xi32, #tpu.memory_space<vmem>>, vector<16xi32>,
        %swap3A_128 = vector.shape_cast %swap3A_127 : vector<16xi32> to vector<16xi32>
        %swap3A_129 = vector.shape_cast %get3A_125 : vector<16xi32> to vector<16xi32>
        tpu.vector_store %arg12[%swap3A_126], %swap3A_129 {strides = array<i32>} : memref<80xi32, #tpu.memory_space<vmem>>, vector<16xi32>,
        %get3A_130 = arith.constant 48 : index
        %get3A_131 = tpu.vector_load %arg10[%get3A_130] {strides = array<i32>} : memref<80xi32, #tpu.memory_space<vmem>>, vector<16xi32>,
        %get3A_132 = vector.shape_cast %get3A_131 : vector<16xi32> to vector<16xi32>
        %swap3A_133 = arith.constant 48 : index
        %swap3A_134 = tpu.vector_load %arg12[%swap3A_133] {strides = array<i32>} : memref<80xi32, #tpu.memory_space<vmem>>, vector<16xi32>,
        %swap3A_135 = vector.shape_cast %swap3A_134 : vector<16xi32> to vector<16xi32>
        %swap3A_136 = vector.shape_cast %get3A_132 : vector<16xi32> to vector<16xi32>
        tpu.vector_store %arg12[%swap3A_133], %swap3A_136 {strides = array<i32>} : memref<80xi32, #tpu.memory_space<vmem>>, vector<16xi32>,
        %get3A_137 = arith.constant 64 : index
        %get3A_138 = tpu.vector_load %arg10[%get3A_137] {strides = array<i32>} : memref<80xi32, #tpu.memory_space<vmem>>, vector<16xi32>,
        %get3A_139 = vector.shape_cast %get3A_138 : vector<16xi32> to vector<16xi32>
        %swap3A_140 = arith.constant 64 : index
        %swap3A_141 = tpu.vector_load %arg12[%swap3A_140] {strides = array<i32>} : memref<80xi32, #tpu.memory_space<vmem>>, vector<16xi32>,
        %swap3A_142 = vector.shape_cast %swap3A_141 : vector<16xi32> to vector<16xi32>
        %swap3A_143 = vector.shape_cast %get3A_139 : vector<16xi32> to vector<16xi32>
        tpu.vector_store %arg12[%swap3A_140], %swap3A_143 {strides = array<i32>} : memref<80xi32, #tpu.memory_space<vmem>>, vector<16xi32>,
        %add3A_144 = arith.constant 2 : i32
        %add3A_145 = arith.addi %add3A_88, %add3A_144 : i32
        %lt3A_146 = arith.constant 125 : i32
        %lt3A_147 = arith.cmpi slt, %add3A_145, %lt3A_146 : i32
        %convert_element_type3A_148 = arith.extui %lt3A_147 : i1 to i32
        %cond3A_149 = arith.constant 0 : i32
        %cond3A_150 = arith.cmpi ne, %convert_element_type3A_148, %cond3A_149 : i32
        scf.if %cond3A_150 {
          %add3A_156 = arith.constant 2 : i32
          %add3A_157 = arith.addi %add3A_88, %add3A_156 : i32
          %add3A_158 = arith.addi %mul3A_2, %add3A_157 : i32
          %dma_start3A_159 = arith.constant 0 : i32
          %dma_start3A_160 = tpu.memref_slice %arg2[%add3A_158, %dma_start3A_159] : memref<4000x80xi32, #tpu.memory_space<hbm>> -> memref<1x80xi32, #tpu.memory_space<hbm>>
          %dma_start3A_161 = tpu.memref_squeeze %dma_start3A_160 : memref<1x80xi32, #tpu.memory_space<hbm>> -> memref<80xi32, #tpu.memory_space<hbm>>
          %dma_start3A_162 = arith.constant 0 : i32
          %dma_start3A_163 = tpu.memref_slice %arg2[%add3A_158, %dma_start3A_162] : memref<4000x80xi32, #tpu.memory_space<hbm>> -> memref<1x80xi32, #tpu.memory_space<hbm>>
          %dma_start3A_164 = tpu.memref_squeeze %dma_start3A_163 : memref<1x80xi32, #tpu.memory_space<hbm>> -> memref<80xi32, #tpu.memory_space<hbm>>
          tpu.enqueue_dma source(%dma_start3A_164 : memref<80xi32, #tpu.memory_space<hbm>>) target(%arg8 : memref<80xi32, #tpu.memory_space<vmem>>) target_semaphore(%arg20 : memref<!tpu.dma_semaphore, #tpu.memory_space<semaphore_mem>>)
          %add3A_165 = arith.addi %mul3A_2, %add3A_157 : i32
          %dma_start3A_166 = arith.constant 0 : i32
          %dma_start3A_167 = tpu.memref_slice %arg3[%add3A_165, %dma_start3A_166] : memref<4000x80xi32, #tpu.memory_space<hbm>> -> memref<1x80xi32, #tpu.memory_space<hbm>>
          %dma_start3A_168 = tpu.memref_squeeze %dma_start3A_167 : memref<1x80xi32, #tpu.memory_space<hbm>> -> memref<80xi32, #tpu.memory_space<hbm>>
          %dma_start3A_169 = arith.constant 0 : i32
          %dma_start3A_170 = tpu.memref_slice %arg3[%add3A_165, %dma_start3A_169] : memref<4000x80xi32, #tpu.memory_space<hbm>> -> memref<1x80xi32, #tpu.memory_space<hbm>>
          %dma_start3A_171 = tpu.memref_squeeze %dma_start3A_170 : memref<1x80xi32, #tpu.memory_space<hbm>> -> memref<80xi32, #tpu.memory_space<hbm>>
          tpu.enqueue_dma source(%dma_start3A_171 : memref<80xi32, #tpu.memory_space<hbm>>) target(%arg10 : memref<80xi32, #tpu.memory_space<vmem>>) target_semaphore(%arg22 : memref<!tpu.dma_semaphore, #tpu.memory_space<semaphore_mem>>)
        } else {
        }
        %parallel_loop3A = arith.constant 0 : i32
        %parallel_loop3A_151 = arith.constant 80 : i32
        %parallel_loop3A_152 = arith.constant 1 : i32
        scf.for %parallel_loop3A_156 = %parallel_loop3A to %parallel_loop3A_151 step %parallel_loop3A_152  : i32 {
          %parallel_loop3A_157 = arith.index_cast %parallel_loop3A_156 : i32 to index
          %parallel_loop3A_158 = arith.constant 128 : index
          %parallel_loop3A_159 = tpu.vector_load %arg14[%parallel_loop3A_157, %parallel_loop3A_158] {strides = array<i32>} : memref<80x144xf32, #tpu.memory_space<vmem>>, vector<1x16xf32>,
          %parallel_loop3A_160 = vector.shape_cast %parallel_loop3A_159 : vector<1x16xf32> to vector<16xf32>
          %parallel_loop3A_161 = arith.index_cast %parallel_loop3A_156 : i32 to index
          %parallel_loop3A_162 = arith.constant 0 : index
          %parallel_loop3A_163 = tpu.vector_load %arg16[%parallel_loop3A_161, %parallel_loop3A_162] {strides = array<i32>} : memref<80x16xf32, #tpu.memory_space<vmem>>, vector<1x16xf32>,
          %parallel_loop3A_164 = vector.shape_cast %parallel_loop3A_163 : vector<1x16xf32> to vector<16xf32>
          %parallel_loop3A_165 = arith.addf %parallel_loop3A_160, %parallel_loop3A_164 : vector<16xf32>
          %parallel_loop3A_166 = arith.constant 0.000000e+00 : f32
          %parallel_loop3A_167 = vector.broadcast %parallel_loop3A_166 : f32 to vector<16xf32>
          %parallel_loop3A_168 = arith.cmpf oge, %parallel_loop3A_165, %parallel_loop3A_167 : vector<16xf32>
          %parallel_loop3A_169 = arith.constant 2.000000e-01 : f32
          %parallel_loop3A_170 = vector.broadcast %parallel_loop3A_169 : f32 to vector<16xf32>
          %parallel_loop3A_171 = arith.mulf %parallel_loop3A_165, %parallel_loop3A_170 : vector<16xf32>
          %parallel_loop3A_172 = arith.select %parallel_loop3A_168, %parallel_loop3A_165, %parallel_loop3A_171 : vector<16xi1>, vector<16xf32>
          %parallel_loop3A_173 = math.exp %parallel_loop3A_172 : vector<16xf32>
          %parallel_loop3A_174 = arith.index_cast %parallel_loop3A_156 : i32 to index
          %parallel_loop3A_175 = arith.constant 128 : index
          %parallel_loop3A_176 = tpu.vector_load %arg14[%parallel_loop3A_174, %parallel_loop3A_175] {strides = array<i32>} : memref<80x144xf32, #tpu.memory_space<vmem>>, vector<1x16xf32>,
          %parallel_loop3A_177 = vector.shape_cast %parallel_loop3A_176 : vector<1x16xf32> to vector<16xf32>
          %parallel_loop3A_178 = vector.shape_cast %parallel_loop3A_173 : vector<16xf32> to vector<1x16xf32>
          tpu.vector_store %arg14[%parallel_loop3A_174, %parallel_loop3A_175], %parallel_loop3A_178 {strides = array<i32>} : memref<80x144xf32, #tpu.memory_space<vmem>>, vector<1x16xf32>,
          %parallel_loop3A_179 = arith.index_cast %parallel_loop3A_156 : i32 to index
          %parallel_loop3A_180 = arith.constant 0 : index
          %parallel_loop3A_181 = tpu.vector_load %arg14[%parallel_loop3A_179, %parallel_loop3A_180] {strides = array<i32>} : memref<80x144xf32, #tpu.memory_space<vmem>>, vector<1x16xf32>,
          %parallel_loop3A_182 = vector.shape_cast %parallel_loop3A_181 : vector<1x16xf32> to vector<16xf32>
          %parallel_loop3A_183 = vector.extract_strided_slice %parallel_loop3A_173 {offsets = [0], sizes = [1], strides = [1]} : vector<16xf32> to vector<1xf32>
          %parallel_loop3A_184 = vector.extract %parallel_loop3A_183[0] : f32 from vector<1xf32>
          %parallel_loop3A_185 = vector.broadcast %parallel_loop3A_184 : f32 to vector<16xf32>
          %parallel_loop3A_186 = arith.mulf %parallel_loop3A_182, %parallel_loop3A_185 : vector<16xf32>
          %parallel_loop3A_187 = arith.index_cast %parallel_loop3A_156 : i32 to index
          %parallel_loop3A_188 = arith.constant 0 : index
          %parallel_loop3A_189 = tpu.vector_load %arg14[%parallel_loop3A_187, %parallel_loop3A_188] {strides = array<i32>} : memref<80x144xf32, #tpu.memory_space<vmem>>, vector<1x16xf32>,
          %parallel_loop3A_190 = vector.shape_cast %parallel_loop3A_189 : vector<1x16xf32> to vector<16xf32>
          %parallel_loop3A_191 = vector.shape_cast %parallel_loop3A_186 : vector<16xf32> to vector<1x16xf32>
          tpu.vector_store %arg14[%parallel_loop3A_187, %parallel_loop3A_188], %parallel_loop3A_191 {strides = array<i32>} : memref<80x144xf32, #tpu.memory_space<vmem>>, vector<1x16xf32>,
          %parallel_loop3A_192 = arith.index_cast %parallel_loop3A_156 : i32 to index
          %parallel_loop3A_193 = arith.constant 16 : index
          %parallel_loop3A_194 = tpu.vector_load %arg14[%parallel_loop3A_192, %parallel_loop3A_193] {strides = array<i32>} : memref<80x144xf32, #tpu.memory_space<vmem>>, vector<1x16xf32>,
          %parallel_loop3A_195 = vector.shape_cast %parallel_loop3A_194 : vector<1x16xf32> to vector<16xf32>
          %parallel_loop3A_196 = vector.extract_strided_slice %parallel_loop3A_173 {offsets = [1], sizes = [1], strides = [1]} : vector<16xf32> to vector<1xf32>
          %parallel_loop3A_197 = vector.extract %parallel_loop3A_196[0] : f32 from vector<1xf32>
          %parallel_loop3A_198 = vector.broadcast %parallel_loop3A_197 : f32 to vector<16xf32>
          %parallel_loop3A_199 = arith.mulf %parallel_loop3A_195, %parallel_loop3A_198 : vector<16xf32>
          %parallel_loop3A_200 = arith.index_cast %parallel_loop3A_156 : i32 to index
          %parallel_loop3A_201 = arith.constant 16 : index
          %parallel_loop3A_202 = tpu.vector_load %arg14[%parallel_loop3A_200, %parallel_loop3A_201] {strides = array<i32>} : memref<80x144xf32, #tpu.memory_space<vmem>>, vector<1x16xf32>,
          %parallel_loop3A_203 = vector.shape_cast %parallel_loop3A_202 : vector<1x16xf32> to vector<16xf32>
          %parallel_loop3A_204 = vector.shape_cast %parallel_loop3A_199 : vector<16xf32> to vector<1x16xf32>
          tpu.vector_store %arg14[%parallel_loop3A_200, %parallel_loop3A_201], %parallel_loop3A_204 {strides = array<i32>} : memref<80x144xf32, #tpu.memory_space<vmem>>, vector<1x16xf32>,
          %parallel_loop3A_205 = arith.index_cast %parallel_loop3A_156 : i32 to index
          %parallel_loop3A_206 = arith.constant 32 : index
          %parallel_loop3A_207 = tpu.vector_load %arg14[%parallel_loop3A_205, %parallel_loop3A_206] {strides = array<i32>} : memref<80x144xf32, #tpu.memory_space<vmem>>, vector<1x16xf32>,
          %parallel_loop3A_208 = vector.shape_cast %parallel_loop3A_207 : vector<1x16xf32> to vector<16xf32>
          %parallel_loop3A_209 = vector.extract_strided_slice %parallel_loop3A_173 {offsets = [2], sizes = [1], strides = [1]} : vector<16xf32> to vector<1xf32>
          %parallel_loop3A_210 = vector.extract %parallel_loop3A_209[0] : f32 from vector<1xf32>
          %parallel_loop3A_211 = vector.broadcast %parallel_loop3A_210 : f32 to vector<16xf32>
          %parallel_loop3A_212 = arith.mulf %parallel_loop3A_208, %parallel_loop3A_211 : vector<16xf32>
          %parallel_loop3A_213 = arith.index_cast %parallel_loop3A_156 : i32 to index
          %parallel_loop3A_214 = arith.constant 32 : index
          %parallel_loop3A_215 = tpu.vector_load %arg14[%parallel_loop3A_213, %parallel_loop3A_214] {strides = array<i32>} : memref<80x144xf32, #tpu.memory_space<vmem>>, vector<1x16xf32>,
          %parallel_loop3A_216 = vector.shape_cast %parallel_loop3A_215 : vector<1x16xf32> to vector<16xf32>
          %parallel_loop3A_217 = vector.shape_cast %parallel_loop3A_212 : vector<16xf32> to vector<1x16xf32>
          tpu.vector_store %arg14[%parallel_loop3A_213, %parallel_loop3A_214], %parallel_loop3A_217 {strides = array<i32>} : memref<80x144xf32, #tpu.memory_space<vmem>>, vector<1x16xf32>,
          %parallel_loop3A_218 = arith.index_cast %parallel_loop3A_156 : i32 to index
          %parallel_loop3A_219 = arith.constant 48 : index
          %parallel_loop3A_220 = tpu.vector_load %arg14[%parallel_loop3A_218, %parallel_loop3A_219] {strides = array<i32>} : memref<80x144xf32, #tpu.memory_space<vmem>>, vector<1x16xf32>,
          %parallel_loop3A_221 = vector.shape_cast %parallel_loop3A_220 : vector<1x16xf32> to vector<16xf32>
          %parallel_loop3A_222 = vector.extract_strided_slice %parallel_loop3A_173 {offsets = [3], sizes = [1], strides = [1]} : vector<16xf32> to vector<1xf32>
          %parallel_loop3A_223 = vector.extract %parallel_loop3A_222[0] : f32 from vector<1xf32>
          %parallel_loop3A_224 = vector.broadcast %parallel_loop3A_223 : f32 to vector<16xf32>
          %parallel_loop3A_225 = arith.mulf %parallel_loop3A_221, %parallel_loop3A_224 : vector<16xf32>
          %parallel_loop3A_226 = arith.index_cast %parallel_loop3A_156 : i32 to index
          %parallel_loop3A_227 = arith.constant 48 : index
          %parallel_loop3A_228 = tpu.vector_load %arg14[%parallel_loop3A_226, %parallel_loop3A_227] {strides = array<i32>} : memref<80x144xf32, #tpu.memory_space<vmem>>, vector<1x16xf32>,
          %parallel_loop3A_229 = vector.shape_cast %parallel_loop3A_228 : vector<1x16xf32> to vector<16xf32>
          %parallel_loop3A_230 = vector.shape_cast %parallel_loop3A_225 : vector<16xf32> to vector<1x16xf32>
          tpu.vector_store %arg14[%parallel_loop3A_226, %parallel_loop3A_227], %parallel_loop3A_230 {strides = array<i32>} : memref<80x144xf32, #tpu.memory_space<vmem>>, vector<1x16xf32>,
          %parallel_loop3A_231 = arith.index_cast %parallel_loop3A_156 : i32 to index
          %parallel_loop3A_232 = arith.constant 64 : index
          %parallel_loop3A_233 = tpu.vector_load %arg14[%parallel_loop3A_231, %parallel_loop3A_232] {strides = array<i32>} : memref<80x144xf32, #tpu.memory_space<vmem>>, vector<1x16xf32>,
          %parallel_loop3A_234 = vector.shape_cast %parallel_loop3A_233 : vector<1x16xf32> to vector<16xf32>
          %parallel_loop3A_235 = vector.extract_strided_slice %parallel_loop3A_173 {offsets = [4], sizes = [1], strides = [1]} : vector<16xf32> to vector<1xf32>
          %parallel_loop3A_236 = vector.extract %parallel_loop3A_235[0] : f32 from vector<1xf32>
          %parallel_loop3A_237 = vector.broadcast %parallel_loop3A_236 : f32 to vector<16xf32>
          %parallel_loop3A_238 = arith.mulf %parallel_loop3A_234, %parallel_loop3A_237 : vector<16xf32>
          %parallel_loop3A_239 = arith.index_cast %parallel_loop3A_156 : i32 to index
          %parallel_loop3A_240 = arith.constant 64 : index
          %parallel_loop3A_241 = tpu.vector_load %arg14[%parallel_loop3A_239, %parallel_loop3A_240] {strides = array<i32>} : memref<80x144xf32, #tpu.memory_space<vmem>>, vector<1x16xf32>,
          %parallel_loop3A_242 = vector.shape_cast %parallel_loop3A_241 : vector<1x16xf32> to vector<16xf32>
          %parallel_loop3A_243 = vector.shape_cast %parallel_loop3A_238 : vector<16xf32> to vector<1x16xf32>
          tpu.vector_store %arg14[%parallel_loop3A_239, %parallel_loop3A_240], %parallel_loop3A_243 {strides = array<i32>} : memref<80x144xf32, #tpu.memory_space<vmem>>, vector<1x16xf32>,
          %parallel_loop3A_244 = arith.index_cast %parallel_loop3A_156 : i32 to index
          %parallel_loop3A_245 = arith.constant 80 : index
          %parallel_loop3A_246 = tpu.vector_load %arg14[%parallel_loop3A_244, %parallel_loop3A_245] {strides = array<i32>} : memref<80x144xf32, #tpu.memory_space<vmem>>, vector<1x16xf32>,
          %parallel_loop3A_247 = vector.shape_cast %parallel_loop3A_246 : vector<1x16xf32> to vector<16xf32>
          %parallel_loop3A_248 = vector.extract_strided_slice %parallel_loop3A_173 {offsets = [5], sizes = [1], strides = [1]} : vector<16xf32> to vector<1xf32>
          %parallel_loop3A_249 = vector.extract %parallel_loop3A_248[0] : f32 from vector<1xf32>
          %parallel_loop3A_250 = vector.broadcast %parallel_loop3A_249 : f32 to vector<16xf32>
          %parallel_loop3A_251 = arith.mulf %parallel_loop3A_247, %parallel_loop3A_250 : vector<16xf32>
          %parallel_loop3A_252 = arith.index_cast %parallel_loop3A_156 : i32 to index
          %parallel_loop3A_253 = arith.constant 80 : index
          %parallel_loop3A_254 = tpu.vector_load %arg14[%parallel_loop3A_252, %parallel_loop3A_253] {strides = array<i32>} : memref<80x144xf32, #tpu.memory_space<vmem>>, vector<1x16xf32>,
          %parallel_loop3A_255 = vector.shape_cast %parallel_loop3A_254 : vector<1x16xf32> to vector<16xf32>
          %parallel_loop3A_256 = vector.shape_cast %parallel_loop3A_251 : vector<16xf32> to vector<1x16xf32>
          tpu.vector_store %arg14[%parallel_loop3A_252, %parallel_loop3A_253], %parallel_loop3A_256 {strides = array<i32>} : memref<80x144xf32, #tpu.memory_space<vmem>>, vector<1x16xf32>,
          %parallel_loop3A_257 = arith.index_cast %parallel_loop3A_156 : i32 to index
          %parallel_loop3A_258 = arith.constant 96 : index
          %parallel_loop3A_259 = tpu.vector_load %arg14[%parallel_loop3A_257, %parallel_loop3A_258] {strides = array<i32>} : memref<80x144xf32, #tpu.memory_space<vmem>>, vector<1x16xf32>,
          %parallel_loop3A_260 = vector.shape_cast %parallel_loop3A_259 : vector<1x16xf32> to vector<16xf32>
          %parallel_loop3A_261 = vector.extract_strided_slice %parallel_loop3A_173 {offsets = [6], sizes = [1], strides = [1]} : vector<16xf32> to vector<1xf32>
          %parallel_loop3A_262 = vector.extract %parallel_loop3A_261[0] : f32 from vector<1xf32>
          %parallel_loop3A_263 = vector.broadcast %parallel_loop3A_262 : f32 to vector<16xf32>
          %parallel_loop3A_264 = arith.mulf %parallel_loop3A_260, %parallel_loop3A_263 : vector<16xf32>
          %parallel_loop3A_265 = arith.index_cast %parallel_loop3A_156 : i32 to index
          %parallel_loop3A_266 = arith.constant 96 : index
          %parallel_loop3A_267 = tpu.vector_load %arg14[%parallel_loop3A_265, %parallel_loop3A_266] {strides = array<i32>} : memref<80x144xf32, #tpu.memory_space<vmem>>, vector<1x16xf32>,
          %parallel_loop3A_268 = vector.shape_cast %parallel_loop3A_267 : vector<1x16xf32> to vector<16xf32>
          %parallel_loop3A_269 = vector.shape_cast %parallel_loop3A_264 : vector<16xf32> to vector<1x16xf32>
          tpu.vector_store %arg14[%parallel_loop3A_265, %parallel_loop3A_266], %parallel_loop3A_269 {strides = array<i32>} : memref<80x144xf32, #tpu.memory_space<vmem>>, vector<1x16xf32>,
          %parallel_loop3A_270 = arith.index_cast %parallel_loop3A_156 : i32 to index
          %parallel_loop3A_271 = arith.constant 112 : index
          %parallel_loop3A_272 = tpu.vector_load %arg14[%parallel_loop3A_270, %parallel_loop3A_271] {strides = array<i32>} : memref<80x144xf32, #tpu.memory_space<vmem>>, vector<1x16xf32>,
          %parallel_loop3A_273 = vector.shape_cast %parallel_loop3A_272 : vector<1x16xf32> to vector<16xf32>
          %parallel_loop3A_274 = vector.extract_strided_slice %parallel_loop3A_173 {offsets = [7], sizes = [1], strides = [1]} : vector<16xf32> to vector<1xf32>
          %parallel_loop3A_275 = vector.extract %parallel_loop3A_274[0] : f32 from vector<1xf32>
          %parallel_loop3A_276 = vector.broadcast %parallel_loop3A_275 : f32 to vector<16xf32>
          %parallel_loop3A_277 = arith.mulf %parallel_loop3A_273, %parallel_loop3A_276 : vector<16xf32>
          %parallel_loop3A_278 = arith.index_cast %parallel_loop3A_156 : i32 to index
          %parallel_loop3A_279 = arith.constant 112 : index
          %parallel_loop3A_280 = tpu.vector_load %arg14[%parallel_loop3A_278, %parallel_loop3A_279] {strides = array<i32>} : memref<80x144xf32, #tpu.memory_space<vmem>>, vector<1x16xf32>,
          %parallel_loop3A_281 = vector.shape_cast %parallel_loop3A_280 : vector<1x16xf32> to vector<16xf32>
          %parallel_loop3A_282 = vector.shape_cast %parallel_loop3A_277 : vector<16xf32> to vector<1x16xf32>
          tpu.vector_store %arg14[%parallel_loop3A_278, %parallel_loop3A_279], %parallel_loop3A_282 {strides = array<i32>} : memref<80x144xf32, #tpu.memory_space<vmem>>, vector<1x16xf32>,
        } {sc.loop_unroll_factor = 4 : i64, sc.parallel_access}
        %dma_start3A_153 = arith.constant 0 : i32
        %dma_start3A_154 = arith.constant 0 : i32
        %dma_start3A_155 = tpu.memref_slice %arg18[%dma_start3A_153, %dma_start3A_154] : memref<10000x144xf32, #tpu.memory_space<vmem_shared>> -> memref<10000x144xf32, #tpu.memory_space<vmem_shared>>
        tpu.enqueue_indirect_dma source(%arg14 : memref<80x144xf32, #tpu.memory_space<vmem>>) target(%dma_start3A_155 : memref<10000x144xf32, #tpu.memory_space<vmem_shared>>) offsets(%arg12 : memref<80xi32, #tpu.memory_space<vmem>>) semaphore(%arg28 : memref<!tpu.dma_semaphore, #tpu.memory_space<semaphore_mem>>) {add = true}
      } else {
      }
    }
    %scan3A_71 = arith.constant 63 : i32
    %dma_wait3A_72 = arith.constant 0 : i32
    %dma_wait3A_73 = arith.constant 0 : i32
    %dma_wait3A_74 = tpu.memref_slice %arg18[%dma_wait3A_72, %dma_wait3A_73] : memref<10000x144xf32, #tpu.memory_space<vmem_shared>> -> memref<10000x144xf32, #tpu.memory_space<vmem_shared>>
    tpu.wait_indirect_dma semaphore(%arg27 : memref<!tpu.dma_semaphore, #tpu.memory_space<semaphore_mem>>) src(%arg13 : memref<80x144xf32, #tpu.memory_space<vmem>>) dst(%dma_wait3A_74 : memref<10000x144xf32, #tpu.memory_space<vmem_shared>>)
    %barrier3A_75 = arith.constant 0 : index
    tpu.barrier barrier_id(%barrier3A_75)
    %mul3A_76 = arith.constant 625 : i32
    %mul3A_77 = arith.muli %arg1, %mul3A_76 : i32
    "tpu.region"() ({
      %run_scoped3A = tpu.sem_alloc : memref<!tpu.dma_semaphore, #tpu.memory_space<semaphore_mem>>
      %dma_start3A_78 = arith.constant 0 : i32
      %dma_start3A_79 = tpu.memref_slice %arg6[%arg0, %mul3A_77, %dma_start3A_78] : memref<2x10000x144xf32, #tpu.memory_space<hbm>> -> memref<1x625x144xf32, #tpu.memory_space<hbm>>
      %dma_start3A_80 = tpu.memref_squeeze %dma_start3A_79 : memref<1x625x144xf32, #tpu.memory_space<hbm>> -> memref<625x144xf32, #tpu.memory_space<hbm>>
      %dma_start3A_81 = arith.constant 0 : i32
      %dma_start3A_82 = tpu.memref_slice %arg18[%mul3A_77, %dma_start3A_81] : memref<10000x144xf32, #tpu.memory_space<vmem_shared>> -> memref<625x144xf32, #tpu.memory_space<vmem_shared>>
      tpu.enqueue_dma source(%dma_start3A_82 : memref<625x144xf32, #tpu.memory_space<vmem_shared>>) target(%dma_start3A_80 : memref<625x144xf32, #tpu.memory_space<hbm>>) target_semaphore(%run_scoped3A : memref<!tpu.dma_semaphore, #tpu.memory_space<semaphore_mem>>)
      %dma_wait3A_83 = arith.constant 0 : i32
      %dma_wait3A_84 = tpu.memref_slice %arg6[%arg0, %mul3A_77, %dma_wait3A_83] : memref<2x10000x144xf32, #tpu.memory_space<hbm>> -> memref<1x625x144xf32, #tpu.memory_space<hbm>>
      %dma_wait3A_85 = tpu.memref_squeeze %dma_wait3A_84 : memref<1x625x144xf32, #tpu.memory_space<hbm>> -> memref<625x144xf32, #tpu.memory_space<hbm>>
      %dma_wait3A_86 = arith.constant 0 : i32
      %dma_wait3A_87 = tpu.memref_slice %arg18[%mul3A_77, %dma_wait3A_86] : memref<10000x144xf32, #tpu.memory_space<vmem_shared>> -> memref<625x144xf32, #tpu.memory_space<vmem_shared>>
      tpu.wait_dma2 semaphore(%run_scoped3A : memref<!tpu.dma_semaphore, #tpu.memory_space<semaphore_mem>>) src(%dma_wait3A_87 : memref<625x144xf32, #tpu.memory_space<vmem_shared>>) dst(%dma_wait3A_85 : memref<625x144xf32, #tpu.memory_space<hbm>>)
      tpu.yield
    }) : () -> ()
    return
  }
}

#map = affine_map<(d0, d1) -> (0, 0)>
#map1 = affine_map<(d0, d1) -> (0, 0, 0)>
module attributes {stable_mosaic.version = 14 : i64} {
  func.func @body(%arg0: i32, %arg1: i32, %arg2: memref<4000x80xi32, #tpu.memory_space<hbm>>, %arg3: memref<4000x80xi32, #tpu.memory_space<hbm>>, %arg4: memref<10000x48xf32, #tpu.memory_space<hbm>>, %arg5: memref<10000x16xf32, #tpu.memory_space<hbm>>, %arg6: memref<2x10000x48xf32, #tpu.memory_space<hbm>>, %arg7: memref<80xi32, #tpu.memory_space<vmem>>, %arg8: memref<80xi32, #tpu.memory_space<vmem>>, %arg9: memref<80xi32, #tpu.memory_space<vmem>>, %arg10: memref<80xi32, #tpu.memory_space<vmem>>, %arg11: memref<80xi32, #tpu.memory_space<vmem>>, %arg12: memref<80xi32, #tpu.memory_space<vmem>>, %arg13: memref<80x48xf32, #tpu.memory_space<vmem>>, %arg14: memref<80x48xf32, #tpu.memory_space<vmem>>, %arg15: memref<80x16xf32, #tpu.memory_space<vmem>>, %arg16: memref<80x16xf32, #tpu.memory_space<vmem>>, %arg17: memref<25x48xf32, #tpu.memory_space<vmem>>, %arg18: memref<10000x48xf32, #tpu.memory_space<vmem_shared>>, %arg19: memref<!tpu.dma_semaphore, #tpu.memory_space<semaphore_mem>>, %arg20: memref<!tpu.dma_semaphore, #tpu.memory_space<semaphore_mem>>, %arg21: memref<!tpu.dma_semaphore, #tpu.memory_space<semaphore_mem>>, %arg22: memref<!tpu.dma_semaphore, #tpu.memory_space<semaphore_mem>>, %arg23: memref<!tpu.dma_semaphore, #tpu.memory_space<semaphore_mem>>, %arg24: memref<!tpu.dma_semaphore, #tpu.memory_space<semaphore_mem>>, %arg25: memref<!tpu.dma_semaphore, #tpu.memory_space<semaphore_mem>>, %arg26: memref<!tpu.dma_semaphore, #tpu.memory_space<semaphore_mem>>, %arg27: memref<!tpu.dma_semaphore, #tpu.memory_space<semaphore_mem>>, %arg28: memref<!tpu.dma_semaphore, #tpu.memory_space<semaphore_mem>>) attributes {dimension_semantics = [#tpu.dimension_semantics<core_parallel>, #tpu.dimension_semantics<subcore_parallel>], iteration_bounds = array<i64: 2, 16>, scalar_prefetch = 0 : i64, scratch_operands = 22 : i64, tpu.core_type = #tpu.core_type<sc_vector_subcore>, window_params = [{transform_indices = #map}, {transform_indices = #map}, {transform_indices = #map}, {transform_indices = #map}, {transform_indices = #map1}]} {
    %mul3A = arith.constant 2 : i32
    %mul3A_0 = arith.muli %arg1, %mul3A : i32
    %add3A = arith.addi %mul3A_0, %arg0 : i32
    %mul3A_1 = arith.constant 125 : i32
    %mul3A_2 = arith.muli %add3A, %mul3A_1 : i32
    %add3A_3 = arith.constant 0 : i32
    %add3A_4 = arith.addi %mul3A_2, %add3A_3 : i32
    %dma_start3A = arith.constant 0 : i32
    %dma_start3A_5 = tpu.memref_slice %arg2[%add3A_4, %dma_start3A] : memref<4000x80xi32, #tpu.memory_space<hbm>> -> memref<1x80xi32, #tpu.memory_space<hbm>>
    %dma_start3A_6 = tpu.memref_squeeze %dma_start3A_5 : memref<1x80xi32, #tpu.memory_space<hbm>> -> memref<80xi32, #tpu.memory_space<hbm>>
    %dma_start3A_7 = arith.constant 0 : i32
    %dma_start3A_8 = tpu.memref_slice %arg2[%add3A_4, %dma_start3A_7] : memref<4000x80xi32, #tpu.memory_space<hbm>> -> memref<1x80xi32, #tpu.memory_space<hbm>>
    %dma_start3A_9 = tpu.memref_squeeze %dma_start3A_8 : memref<1x80xi32, #tpu.memory_space<hbm>> -> memref<80xi32, #tpu.memory_space<hbm>>
    tpu.enqueue_dma source(%dma_start3A_9 : memref<80xi32, #tpu.memory_space<hbm>>) target(%arg7 : memref<80xi32, #tpu.memory_space<vmem>>) target_semaphore(%arg19 : memref<!tpu.dma_semaphore, #tpu.memory_space<semaphore_mem>>)
    %add3A_10 = arith.constant 0 : i32
    %add3A_11 = arith.addi %mul3A_2, %add3A_10 : i32
    %dma_start3A_12 = arith.constant 0 : i32
    %dma_start3A_13 = tpu.memref_slice %arg3[%add3A_11, %dma_start3A_12] : memref<4000x80xi32, #tpu.memory_space<hbm>> -> memref<1x80xi32, #tpu.memory_space<hbm>>
    %dma_start3A_14 = tpu.memref_squeeze %dma_start3A_13 : memref<1x80xi32, #tpu.memory_space<hbm>> -> memref<80xi32, #tpu.memory_space<hbm>>
    %dma_start3A_15 = arith.constant 0 : i32
    %dma_start3A_16 = tpu.memref_slice %arg3[%add3A_11, %dma_start3A_15] : memref<4000x80xi32, #tpu.memory_space<hbm>> -> memref<1x80xi32, #tpu.memory_space<hbm>>
    %dma_start3A_17 = tpu.memref_squeeze %dma_start3A_16 : memref<1x80xi32, #tpu.memory_space<hbm>> -> memref<80xi32, #tpu.memory_space<hbm>>
    tpu.enqueue_dma source(%dma_start3A_17 : memref<80xi32, #tpu.memory_space<hbm>>) target(%arg9 : memref<80xi32, #tpu.memory_space<vmem>>) target_semaphore(%arg21 : memref<!tpu.dma_semaphore, #tpu.memory_space<semaphore_mem>>)
    %add3A_18 = arith.constant 1 : i32
    %add3A_19 = arith.addi %mul3A_2, %add3A_18 : i32
    %dma_start3A_20 = arith.constant 0 : i32
    %dma_start3A_21 = tpu.memref_slice %arg2[%add3A_19, %dma_start3A_20] : memref<4000x80xi32, #tpu.memory_space<hbm>> -> memref<1x80xi32, #tpu.memory_space<hbm>>
    %dma_start3A_22 = tpu.memref_squeeze %dma_start3A_21 : memref<1x80xi32, #tpu.memory_space<hbm>> -> memref<80xi32, #tpu.memory_space<hbm>>
    %dma_start3A_23 = arith.constant 0 : i32
    %dma_start3A_24 = tpu.memref_slice %arg2[%add3A_19, %dma_start3A_23] : memref<4000x80xi32, #tpu.memory_space<hbm>> -> memref<1x80xi32, #tpu.memory_space<hbm>>
    %dma_start3A_25 = tpu.memref_squeeze %dma_start3A_24 : memref<1x80xi32, #tpu.memory_space<hbm>> -> memref<80xi32, #tpu.memory_space<hbm>>
    tpu.enqueue_dma source(%dma_start3A_25 : memref<80xi32, #tpu.memory_space<hbm>>) target(%arg8 : memref<80xi32, #tpu.memory_space<vmem>>) target_semaphore(%arg20 : memref<!tpu.dma_semaphore, #tpu.memory_space<semaphore_mem>>)
    %add3A_26 = arith.constant 1 : i32
    %add3A_27 = arith.addi %mul3A_2, %add3A_26 : i32
    %dma_start3A_28 = arith.constant 0 : i32
    %dma_start3A_29 = tpu.memref_slice %arg3[%add3A_27, %dma_start3A_28] : memref<4000x80xi32, #tpu.memory_space<hbm>> -> memref<1x80xi32, #tpu.memory_space<hbm>>
    %dma_start3A_30 = tpu.memref_squeeze %dma_start3A_29 : memref<1x80xi32, #tpu.memory_space<hbm>> -> memref<80xi32, #tpu.memory_space<hbm>>
    %dma_start3A_31 = arith.constant 0 : i32
    %dma_start3A_32 = tpu.memref_slice %arg3[%add3A_27, %dma_start3A_31] : memref<4000x80xi32, #tpu.memory_space<hbm>> -> memref<1x80xi32, #tpu.memory_space<hbm>>
    %dma_start3A_33 = tpu.memref_squeeze %dma_start3A_32 : memref<1x80xi32, #tpu.memory_space<hbm>> -> memref<80xi32, #tpu.memory_space<hbm>>
    tpu.enqueue_dma source(%dma_start3A_33 : memref<80xi32, #tpu.memory_space<hbm>>) target(%arg10 : memref<80xi32, #tpu.memory_space<vmem>>) target_semaphore(%arg22 : memref<!tpu.dma_semaphore, #tpu.memory_space<semaphore_mem>>)
    %scan3A = arith.constant 0 : i32
    %scan3A_34 = arith.constant 0 : i32
    %scan3A_35 = arith.constant 25 : i32
    %scan3A_36 = arith.addi %scan3A_34, %scan3A_35 : i32
    %scan3A_37 = arith.constant 1 : i32
    scf.for %scan3A_78 = %scan3A_34 to %scan3A_36 step %scan3A_37  : i32 {
      %broadcast_in_dim3A = arith.constant 0.000000e+00 : f32
      %broadcast_in_dim3A_79 = vector.broadcast %broadcast_in_dim3A : f32 to vector<16xf32>
      %swap3A = arith.index_cast %scan3A_78 : i32 to index
      %swap3A_80 = arith.constant 0 : index
      %swap3A_81 = tpu.vector_load %arg17[%swap3A, %swap3A_80] {strides = array<i32>} : memref<25x48xf32, #tpu.memory_space<vmem>>, vector<1x16xf32>,
      %swap3A_82 = vector.shape_cast %swap3A_81 : vector<1x16xf32> to vector<16xf32>
      %swap3A_83 = vector.shape_cast %broadcast_in_dim3A_79 : vector<16xf32> to vector<1x16xf32>
      tpu.vector_store %arg17[%swap3A, %swap3A_80], %swap3A_83 {strides = array<i32>} : memref<25x48xf32, #tpu.memory_space<vmem>>, vector<1x16xf32>,
      %broadcast_in_dim3A_84 = arith.constant 0.000000e+00 : f32
      %broadcast_in_dim3A_85 = vector.broadcast %broadcast_in_dim3A_84 : f32 to vector<16xf32>
      %swap3A_86 = arith.index_cast %scan3A_78 : i32 to index
      %swap3A_87 = arith.constant 16 : index
      %swap3A_88 = tpu.vector_load %arg17[%swap3A_86, %swap3A_87] {strides = array<i32>} : memref<25x48xf32, #tpu.memory_space<vmem>>, vector<1x16xf32>,
      %swap3A_89 = vector.shape_cast %swap3A_88 : vector<1x16xf32> to vector<16xf32>
      %swap3A_90 = vector.shape_cast %broadcast_in_dim3A_85 : vector<16xf32> to vector<1x16xf32>
      tpu.vector_store %arg17[%swap3A_86, %swap3A_87], %swap3A_90 {strides = array<i32>} : memref<25x48xf32, #tpu.memory_space<vmem>>, vector<1x16xf32>,
      %broadcast_in_dim3A_91 = arith.constant 0.000000e+00 : f32
      %broadcast_in_dim3A_92 = vector.broadcast %broadcast_in_dim3A_91 : f32 to vector<16xf32>
      %swap3A_93 = arith.index_cast %scan3A_78 : i32 to index
      %swap3A_94 = arith.constant 32 : index
      %swap3A_95 = tpu.vector_load %arg17[%swap3A_93, %swap3A_94] {strides = array<i32>} : memref<25x48xf32, #tpu.memory_space<vmem>>, vector<1x16xf32>,
      %swap3A_96 = vector.shape_cast %swap3A_95 : vector<1x16xf32> to vector<16xf32>
      %swap3A_97 = vector.shape_cast %broadcast_in_dim3A_92 : vector<16xf32> to vector<1x16xf32>
      tpu.vector_store %arg17[%swap3A_93, %swap3A_94], %swap3A_97 {strides = array<i32>} : memref<25x48xf32, #tpu.memory_space<vmem>>, vector<1x16xf32>,
    }
    %scan3A_38 = arith.constant 25 : i32
    %scan3A_39 = arith.constant 0 : i32
    %scan3A_40 = arith.constant 0 : i32
    %scan3A_41 = arith.constant 25 : i32
    %scan3A_42 = arith.addi %scan3A_40, %scan3A_41 : i32
    %scan3A_43 = arith.constant 1 : i32
    scf.for %scan3A_78 = %scan3A_40 to %scan3A_42 step %scan3A_43  : i32 {
      %mul3A_79 = arith.constant 625 : i32
      %mul3A_80 = arith.muli %arg1, %mul3A_79 : i32
      %mul3A_81 = arith.constant 25 : i32
      %mul3A_82 = arith.muli %scan3A_78, %mul3A_81 : i32
      %add3A_83 = arith.addi %mul3A_80, %mul3A_82 : i32
      "tpu.region"() ({
        %run_scoped3A = tpu.sem_alloc : memref<!tpu.dma_semaphore, #tpu.memory_space<semaphore_mem>>
        %dma_start3A_84 = arith.constant 0 : i32
        %dma_start3A_85 = tpu.memref_slice %arg18[%add3A_83, %dma_start3A_84] : memref<10000x48xf32, #tpu.memory_space<vmem_shared>> -> memref<25x48xf32, #tpu.memory_space<vmem_shared>>
        %dma_start3A_86 = arith.constant 0 : i32
        %dma_start3A_87 = tpu.memref_slice %arg18[%add3A_83, %dma_start3A_86] : memref<10000x48xf32, #tpu.memory_space<vmem_shared>> -> memref<25x48xf32, #tpu.memory_space<vmem_shared>>
        tpu.enqueue_dma source(%arg17 : memref<25x48xf32, #tpu.memory_space<vmem>>) target(%dma_start3A_87 : memref<25x48xf32, #tpu.memory_space<vmem_shared>>) target_semaphore(%run_scoped3A : memref<!tpu.dma_semaphore, #tpu.memory_space<semaphore_mem>>)
        %dma_wait3A_88 = arith.constant 0 : i32
        %dma_wait3A_89 = tpu.memref_slice %arg18[%add3A_83, %dma_wait3A_88] : memref<10000x48xf32, #tpu.memory_space<vmem_shared>> -> memref<25x48xf32, #tpu.memory_space<vmem_shared>>
        %dma_wait3A_90 = arith.constant 0 : i32
        %dma_wait3A_91 = tpu.memref_slice %arg18[%add3A_83, %dma_wait3A_90] : memref<10000x48xf32, #tpu.memory_space<vmem_shared>> -> memref<25x48xf32, #tpu.memory_space<vmem_shared>>
        tpu.wait_dma2 semaphore(%run_scoped3A : memref<!tpu.dma_semaphore, #tpu.memory_space<semaphore_mem>>) src(%arg17 : memref<25x48xf32, #tpu.memory_space<vmem>>) dst(%dma_wait3A_91 : memref<25x48xf32, #tpu.memory_space<vmem_shared>>)
        tpu.yield
      }) : () -> ()
    }
    %scan3A_44 = arith.constant 25 : i32
    %add3A_45 = arith.constant 0 : i32
    %add3A_46 = arith.addi %mul3A_2, %add3A_45 : i32
    %dma_wait3A = arith.constant 0 : i32
    %dma_wait3A_47 = tpu.memref_slice %arg2[%add3A_46, %dma_wait3A] : memref<4000x80xi32, #tpu.memory_space<hbm>> -> memref<1x80xi32, #tpu.memory_space<hbm>>
    %dma_wait3A_48 = tpu.memref_squeeze %dma_wait3A_47 : memref<1x80xi32, #tpu.memory_space<hbm>> -> memref<80xi32, #tpu.memory_space<hbm>>
    %dma_wait3A_49 = arith.constant 0 : i32
    %dma_wait3A_50 = tpu.memref_slice %arg2[%add3A_46, %dma_wait3A_49] : memref<4000x80xi32, #tpu.memory_space<hbm>> -> memref<1x80xi32, #tpu.memory_space<hbm>>
    %dma_wait3A_51 = tpu.memref_squeeze %dma_wait3A_50 : memref<1x80xi32, #tpu.memory_space<hbm>> -> memref<80xi32, #tpu.memory_space<hbm>>
    tpu.wait_dma2 semaphore(%arg19 : memref<!tpu.dma_semaphore, #tpu.memory_space<semaphore_mem>>) src(%dma_wait3A_51 : memref<80xi32, #tpu.memory_space<hbm>>) dst(%arg7 : memref<80xi32, #tpu.memory_space<vmem>>)
    %add3A_52 = arith.constant 0 : i32
    %add3A_53 = arith.addi %mul3A_2, %add3A_52 : i32
    %dma_wait3A_54 = arith.constant 0 : i32
    %dma_wait3A_55 = tpu.memref_slice %arg3[%add3A_53, %dma_wait3A_54] : memref<4000x80xi32, #tpu.memory_space<hbm>> -> memref<1x80xi32, #tpu.memory_space<hbm>>
    %dma_wait3A_56 = tpu.memref_squeeze %dma_wait3A_55 : memref<1x80xi32, #tpu.memory_space<hbm>> -> memref<80xi32, #tpu.memory_space<hbm>>
    %dma_wait3A_57 = arith.constant 0 : i32
    %dma_wait3A_58 = tpu.memref_slice %arg3[%add3A_53, %dma_wait3A_57] : memref<4000x80xi32, #tpu.memory_space<hbm>> -> memref<1x80xi32, #tpu.memory_space<hbm>>
    %dma_wait3A_59 = tpu.memref_squeeze %dma_wait3A_58 : memref<1x80xi32, #tpu.memory_space<hbm>> -> memref<80xi32, #tpu.memory_space<hbm>>
    tpu.wait_dma2 semaphore(%arg21 : memref<!tpu.dma_semaphore, #tpu.memory_space<semaphore_mem>>) src(%dma_wait3A_59 : memref<80xi32, #tpu.memory_space<hbm>>) dst(%arg9 : memref<80xi32, #tpu.memory_space<vmem>>)
    %dma_start3A_60 = arith.constant 0 : i32
    %dma_start3A_61 = arith.constant 0 : i32
    %dma_start3A_62 = tpu.memref_slice %arg4[%dma_start3A_60, %dma_start3A_61] : memref<10000x48xf32, #tpu.memory_space<hbm>> -> memref<10000x48xf32, #tpu.memory_space<hbm>>
    tpu.enqueue_indirect_dma source(%dma_start3A_62 : memref<10000x48xf32, #tpu.memory_space<hbm>>) target(%arg13 : memref<80x48xf32, #tpu.memory_space<vmem>>) offsets(%arg7 : memref<80xi32, #tpu.memory_space<vmem>>) semaphore(%arg23 : memref<!tpu.dma_semaphore, #tpu.memory_space<semaphore_mem>>)
    %dma_start3A_63 = arith.constant 0 : i32
    %dma_start3A_64 = arith.constant 0 : i32
    %dma_start3A_65 = tpu.memref_slice %arg5[%dma_start3A_63, %dma_start3A_64] : memref<10000x16xf32, #tpu.memory_space<hbm>> -> memref<10000x16xf32, #tpu.memory_space<hbm>>
    tpu.enqueue_indirect_dma source(%dma_start3A_65 : memref<10000x16xf32, #tpu.memory_space<hbm>>) target(%arg15 : memref<80x16xf32, #tpu.memory_space<vmem>>) offsets(%arg9 : memref<80xi32, #tpu.memory_space<vmem>>) semaphore(%arg25 : memref<!tpu.dma_semaphore, #tpu.memory_space<semaphore_mem>>)
    %barrier3A = arith.constant 0 : index
    tpu.barrier barrier_id(%barrier3A)
    %scan3A_66 = arith.constant 0 : i32
    %scan3A_67 = arith.constant 0 : i32
    %scan3A_68 = arith.constant 63 : i32
    %scan3A_69 = arith.addi %scan3A_67, %scan3A_68 : i32
    %scan3A_70 = arith.constant 1 : i32
    scf.for %scan3A_78 = %scan3A_67 to %scan3A_69 step %scan3A_70  : i32 {
      %mul3A_79 = arith.constant 2 : i32
      %mul3A_80 = arith.muli %mul3A_79, %scan3A_78 : i32
      %add3A_81 = arith.constant 0 : i32
      %add3A_82 = arith.addi %mul3A_80, %add3A_81 : i32
      %lt3A = arith.constant 125 : i32
      %lt3A_83 = arith.cmpi slt, %add3A_82, %lt3A : i32
      %convert_element_type3A = arith.extui %lt3A_83 : i1 to i32
      %cond3A = arith.constant 0 : i32
      %cond3A_84 = arith.cmpi ne, %convert_element_type3A, %cond3A : i32
      scf.if %cond3A_84 {
        %ge3A = arith.constant 1 : i32
        %ge3A_94 = arith.cmpi sge, %add3A_82, %ge3A : i32
        %convert_element_type3A_95 = arith.extui %ge3A_94 : i1 to i32
        %cond3A_96 = arith.constant 0 : i32
        %cond3A_97 = arith.cmpi ne, %convert_element_type3A_95, %cond3A_96 : i32
        scf.if %cond3A_97 {
          %dma_wait3A_156 = arith.constant 0 : i32
          %dma_wait3A_157 = arith.constant 0 : i32
          %dma_wait3A_158 = tpu.memref_slice %arg18[%dma_wait3A_156, %dma_wait3A_157] : memref<10000x48xf32, #tpu.memory_space<vmem_shared>> -> memref<10000x48xf32, #tpu.memory_space<vmem_shared>>
          tpu.wait_indirect_dma semaphore(%arg28 : memref<!tpu.dma_semaphore, #tpu.memory_space<semaphore_mem>>) src(%arg14 : memref<80x48xf32, #tpu.memory_space<vmem>>) dst(%dma_wait3A_158 : memref<10000x48xf32, #tpu.memory_space<vmem_shared>>)
        } else {
        }
        %add3A_98 = arith.constant 1 : i32
        %add3A_99 = arith.addi %add3A_82, %add3A_98 : i32
        %lt3A_100 = arith.constant 125 : i32
        %lt3A_101 = arith.cmpi slt, %add3A_99, %lt3A_100 : i32
        %convert_element_type3A_102 = arith.extui %lt3A_101 : i1 to i32
        %cond3A_103 = arith.constant 0 : i32
        %cond3A_104 = arith.cmpi ne, %convert_element_type3A_102, %cond3A_103 : i32
        scf.if %cond3A_104 {
          %add3A_156 = arith.constant 1 : i32
          %add3A_157 = arith.addi %add3A_82, %add3A_156 : i32
          %add3A_158 = arith.addi %mul3A_2, %add3A_157 : i32
          %dma_wait3A_159 = arith.constant 0 : i32
          %dma_wait3A_160 = tpu.memref_slice %arg2[%add3A_158, %dma_wait3A_159] : memref<4000x80xi32, #tpu.memory_space<hbm>> -> memref<1x80xi32, #tpu.memory_space<hbm>>
          %dma_wait3A_161 = tpu.memref_squeeze %dma_wait3A_160 : memref<1x80xi32, #tpu.memory_space<hbm>> -> memref<80xi32, #tpu.memory_space<hbm>>
          %dma_wait3A_162 = arith.constant 0 : i32
          %dma_wait3A_163 = tpu.memref_slice %arg2[%add3A_158, %dma_wait3A_162] : memref<4000x80xi32, #tpu.memory_space<hbm>> -> memref<1x80xi32, #tpu.memory_space<hbm>>
          %dma_wait3A_164 = tpu.memref_squeeze %dma_wait3A_163 : memref<1x80xi32, #tpu.memory_space<hbm>> -> memref<80xi32, #tpu.memory_space<hbm>>
          tpu.wait_dma2 semaphore(%arg20 : memref<!tpu.dma_semaphore, #tpu.memory_space<semaphore_mem>>) src(%dma_wait3A_164 : memref<80xi32, #tpu.memory_space<hbm>>) dst(%arg8 : memref<80xi32, #tpu.memory_space<vmem>>)
          %add3A_165 = arith.addi %mul3A_2, %add3A_157 : i32
          %dma_wait3A_166 = arith.constant 0 : i32
          %dma_wait3A_167 = tpu.memref_slice %arg3[%add3A_165, %dma_wait3A_166] : memref<4000x80xi32, #tpu.memory_space<hbm>> -> memref<1x80xi32, #tpu.memory_space<hbm>>
          %dma_wait3A_168 = tpu.memref_squeeze %dma_wait3A_167 : memref<1x80xi32, #tpu.memory_space<hbm>> -> memref<80xi32, #tpu.memory_space<hbm>>
          %dma_wait3A_169 = arith.constant 0 : i32
          %dma_wait3A_170 = tpu.memref_slice %arg3[%add3A_165, %dma_wait3A_169] : memref<4000x80xi32, #tpu.memory_space<hbm>> -> memref<1x80xi32, #tpu.memory_space<hbm>>
          %dma_wait3A_171 = tpu.memref_squeeze %dma_wait3A_170 : memref<1x80xi32, #tpu.memory_space<hbm>> -> memref<80xi32, #tpu.memory_space<hbm>>
          tpu.wait_dma2 semaphore(%arg22 : memref<!tpu.dma_semaphore, #tpu.memory_space<semaphore_mem>>) src(%dma_wait3A_171 : memref<80xi32, #tpu.memory_space<hbm>>) dst(%arg10 : memref<80xi32, #tpu.memory_space<vmem>>)
          %dma_start3A_172 = arith.constant 0 : i32
          %dma_start3A_173 = arith.constant 0 : i32
          %dma_start3A_174 = tpu.memref_slice %arg4[%dma_start3A_172, %dma_start3A_173] : memref<10000x48xf32, #tpu.memory_space<hbm>> -> memref<10000x48xf32, #tpu.memory_space<hbm>>
          tpu.enqueue_indirect_dma source(%dma_start3A_174 : memref<10000x48xf32, #tpu.memory_space<hbm>>) target(%arg14 : memref<80x48xf32, #tpu.memory_space<vmem>>) offsets(%arg8 : memref<80xi32, #tpu.memory_space<vmem>>) semaphore(%arg24 : memref<!tpu.dma_semaphore, #tpu.memory_space<semaphore_mem>>)
          %dma_start3A_175 = arith.constant 0 : i32
          %dma_start3A_176 = arith.constant 0 : i32
          %dma_start3A_177 = tpu.memref_slice %arg5[%dma_start3A_175, %dma_start3A_176] : memref<10000x16xf32, #tpu.memory_space<hbm>> -> memref<10000x16xf32, #tpu.memory_space<hbm>>
          tpu.enqueue_indirect_dma source(%dma_start3A_177 : memref<10000x16xf32, #tpu.memory_space<hbm>>) target(%arg16 : memref<80x16xf32, #tpu.memory_space<vmem>>) offsets(%arg10 : memref<80xi32, #tpu.memory_space<vmem>>) semaphore(%arg26 : memref<!tpu.dma_semaphore, #tpu.memory_space<semaphore_mem>>)
        } else {
        }
        %dma_wait3A_105 = arith.constant 0 : i32
        %dma_wait3A_106 = arith.constant 0 : i32
        %dma_wait3A_107 = tpu.memref_slice %arg4[%dma_wait3A_105, %dma_wait3A_106] : memref<10000x48xf32, #tpu.memory_space<hbm>> -> memref<10000x48xf32, #tpu.memory_space<hbm>>
        tpu.wait_indirect_dma semaphore(%arg23 : memref<!tpu.dma_semaphore, #tpu.memory_space<semaphore_mem>>) src(%dma_wait3A_107 : memref<10000x48xf32, #tpu.memory_space<hbm>>) dst(%arg13 : memref<80x48xf32, #tpu.memory_space<vmem>>)
        %dma_wait3A_108 = arith.constant 0 : i32
        %dma_wait3A_109 = arith.constant 0 : i32
        %dma_wait3A_110 = tpu.memref_slice %arg5[%dma_wait3A_108, %dma_wait3A_109] : memref<10000x16xf32, #tpu.memory_space<hbm>> -> memref<10000x16xf32, #tpu.memory_space<hbm>>
        tpu.wait_indirect_dma semaphore(%arg25 : memref<!tpu.dma_semaphore, #tpu.memory_space<semaphore_mem>>) src(%dma_wait3A_110 : memref<10000x16xf32, #tpu.memory_space<hbm>>) dst(%arg15 : memref<80x16xf32, #tpu.memory_space<vmem>>)
        %get3A = arith.constant 0 : index
        %get3A_111 = tpu.vector_load %arg9[%get3A] {strides = array<i32>} : memref<80xi32, #tpu.memory_space<vmem>>, vector<16xi32>,
        %get3A_112 = vector.shape_cast %get3A_111 : vector<16xi32> to vector<16xi32>
        %swap3A = arith.constant 0 : index
        %swap3A_113 = tpu.vector_load %arg11[%swap3A] {strides = array<i32>} : memref<80xi32, #tpu.memory_space<vmem>>, vector<16xi32>,
        %swap3A_114 = vector.shape_cast %swap3A_113 : vector<16xi32> to vector<16xi32>
        %swap3A_115 = vector.shape_cast %get3A_112 : vector<16xi32> to vector<16xi32>
        tpu.vector_store %arg11[%swap3A], %swap3A_115 {strides = array<i32>} : memref<80xi32, #tpu.memory_space<vmem>>, vector<16xi32>,
        %get3A_116 = arith.constant 16 : index
        %get3A_117 = tpu.vector_load %arg9[%get3A_116] {strides = array<i32>} : memref<80xi32, #tpu.memory_space<vmem>>, vector<16xi32>,
        %get3A_118 = vector.shape_cast %get3A_117 : vector<16xi32> to vector<16xi32>
        %swap3A_119 = arith.constant 16 : index
        %swap3A_120 = tpu.vector_load %arg11[%swap3A_119] {strides = array<i32>} : memref<80xi32, #tpu.memory_space<vmem>>, vector<16xi32>,
        %swap3A_121 = vector.shape_cast %swap3A_120 : vector<16xi32> to vector<16xi32>
        %swap3A_122 = vector.shape_cast %get3A_118 : vector<16xi32> to vector<16xi32>
        tpu.vector_store %arg11[%swap3A_119], %swap3A_122 {strides = array<i32>} : memref<80xi32, #tpu.memory_space<vmem>>, vector<16xi32>,
        %get3A_123 = arith.constant 32 : index
        %get3A_124 = tpu.vector_load %arg9[%get3A_123] {strides = array<i32>} : memref<80xi32, #tpu.memory_space<vmem>>, vector<16xi32>,
        %get3A_125 = vector.shape_cast %get3A_124 : vector<16xi32> to vector<16xi32>
        %swap3A_126 = arith.constant 32 : index
        %swap3A_127 = tpu.vector_load %arg11[%swap3A_126] {strides = array<i32>} : memref<80xi32, #tpu.memory_space<vmem>>, vector<16xi32>,
        %swap3A_128 = vector.shape_cast %swap3A_127 : vector<16xi32> to vector<16xi32>
        %swap3A_129 = vector.shape_cast %get3A_125 : vector<16xi32> to vector<16xi32>
        tpu.vector_store %arg11[%swap3A_126], %swap3A_129 {strides = array<i32>} : memref<80xi32, #tpu.memory_space<vmem>>, vector<16xi32>,
        %get3A_130 = arith.constant 48 : index
        %get3A_131 = tpu.vector_load %arg9[%get3A_130] {strides = array<i32>} : memref<80xi32, #tpu.memory_space<vmem>>, vector<16xi32>,
        %get3A_132 = vector.shape_cast %get3A_131 : vector<16xi32> to vector<16xi32>
        %swap3A_133 = arith.constant 48 : index
        %swap3A_134 = tpu.vector_load %arg11[%swap3A_133] {strides = array<i32>} : memref<80xi32, #tpu.memory_space<vmem>>, vector<16xi32>,
        %swap3A_135 = vector.shape_cast %swap3A_134 : vector<16xi32> to vector<16xi32>
        %swap3A_136 = vector.shape_cast %get3A_132 : vector<16xi32> to vector<16xi32>
        tpu.vector_store %arg11[%swap3A_133], %swap3A_136 {strides = array<i32>} : memref<80xi32, #tpu.memory_space<vmem>>, vector<16xi32>,
        %get3A_137 = arith.constant 64 : index
        %get3A_138 = tpu.vector_load %arg9[%get3A_137] {strides = array<i32>} : memref<80xi32, #tpu.memory_space<vmem>>, vector<16xi32>,
        %get3A_139 = vector.shape_cast %get3A_138 : vector<16xi32> to vector<16xi32>
        %swap3A_140 = arith.constant 64 : index
        %swap3A_141 = tpu.vector_load %arg11[%swap3A_140] {strides = array<i32>} : memref<80xi32, #tpu.memory_space<vmem>>, vector<16xi32>,
        %swap3A_142 = vector.shape_cast %swap3A_141 : vector<16xi32> to vector<16xi32>
        %swap3A_143 = vector.shape_cast %get3A_139 : vector<16xi32> to vector<16xi32>
        tpu.vector_store %arg11[%swap3A_140], %swap3A_143 {strides = array<i32>} : memref<80xi32, #tpu.memory_space<vmem>>, vector<16xi32>,
        %add3A_144 = arith.constant 2 : i32
        %add3A_145 = arith.addi %add3A_82, %add3A_144 : i32
        %lt3A_146 = arith.constant 125 : i32
        %lt3A_147 = arith.cmpi slt, %add3A_145, %lt3A_146 : i32
        %convert_element_type3A_148 = arith.extui %lt3A_147 : i1 to i32
        %cond3A_149 = arith.constant 0 : i32
        %cond3A_150 = arith.cmpi ne, %convert_element_type3A_148, %cond3A_149 : i32
        scf.if %cond3A_150 {
          %add3A_156 = arith.constant 2 : i32
          %add3A_157 = arith.addi %add3A_82, %add3A_156 : i32
          %add3A_158 = arith.addi %mul3A_2, %add3A_157 : i32
          %dma_start3A_159 = arith.constant 0 : i32
          %dma_start3A_160 = tpu.memref_slice %arg2[%add3A_158, %dma_start3A_159] : memref<4000x80xi32, #tpu.memory_space<hbm>> -> memref<1x80xi32, #tpu.memory_space<hbm>>
          %dma_start3A_161 = tpu.memref_squeeze %dma_start3A_160 : memref<1x80xi32, #tpu.memory_space<hbm>> -> memref<80xi32, #tpu.memory_space<hbm>>
          %dma_start3A_162 = arith.constant 0 : i32
          %dma_start3A_163 = tpu.memref_slice %arg2[%add3A_158, %dma_start3A_162] : memref<4000x80xi32, #tpu.memory_space<hbm>> -> memref<1x80xi32, #tpu.memory_space<hbm>>
          %dma_start3A_164 = tpu.memref_squeeze %dma_start3A_163 : memref<1x80xi32, #tpu.memory_space<hbm>> -> memref<80xi32, #tpu.memory_space<hbm>>
          tpu.enqueue_dma source(%dma_start3A_164 : memref<80xi32, #tpu.memory_space<hbm>>) target(%arg7 : memref<80xi32, #tpu.memory_space<vmem>>) target_semaphore(%arg19 : memref<!tpu.dma_semaphore, #tpu.memory_space<semaphore_mem>>)
          %add3A_165 = arith.addi %mul3A_2, %add3A_157 : i32
          %dma_start3A_166 = arith.constant 0 : i32
          %dma_start3A_167 = tpu.memref_slice %arg3[%add3A_165, %dma_start3A_166] : memref<4000x80xi32, #tpu.memory_space<hbm>> -> memref<1x80xi32, #tpu.memory_space<hbm>>
          %dma_start3A_168 = tpu.memref_squeeze %dma_start3A_167 : memref<1x80xi32, #tpu.memory_space<hbm>> -> memref<80xi32, #tpu.memory_space<hbm>>
          %dma_start3A_169 = arith.constant 0 : i32
          %dma_start3A_170 = tpu.memref_slice %arg3[%add3A_165, %dma_start3A_169] : memref<4000x80xi32, #tpu.memory_space<hbm>> -> memref<1x80xi32, #tpu.memory_space<hbm>>
          %dma_start3A_171 = tpu.memref_squeeze %dma_start3A_170 : memref<1x80xi32, #tpu.memory_space<hbm>> -> memref<80xi32, #tpu.memory_space<hbm>>
          tpu.enqueue_dma source(%dma_start3A_171 : memref<80xi32, #tpu.memory_space<hbm>>) target(%arg9 : memref<80xi32, #tpu.memory_space<vmem>>) target_semaphore(%arg21 : memref<!tpu.dma_semaphore, #tpu.memory_space<semaphore_mem>>)
        } else {
        }
        %parallel_loop3A = arith.constant 0 : i32
        %parallel_loop3A_151 = arith.constant 80 : i32
        %parallel_loop3A_152 = arith.constant 1 : i32
        scf.for %parallel_loop3A_156 = %parallel_loop3A to %parallel_loop3A_151 step %parallel_loop3A_152  : i32 {
          %parallel_loop3A_157 = arith.index_cast %parallel_loop3A_156 : i32 to index
          %parallel_loop3A_158 = arith.constant 32 : index
          %parallel_loop3A_159 = tpu.vector_load %arg13[%parallel_loop3A_157, %parallel_loop3A_158] {strides = array<i32>} : memref<80x48xf32, #tpu.memory_space<vmem>>, vector<1x16xf32>,
          %parallel_loop3A_160 = vector.shape_cast %parallel_loop3A_159 : vector<1x16xf32> to vector<16xf32>
          %parallel_loop3A_161 = arith.index_cast %parallel_loop3A_156 : i32 to index
          %parallel_loop3A_162 = arith.constant 0 : index
          %parallel_loop3A_163 = tpu.vector_load %arg15[%parallel_loop3A_161, %parallel_loop3A_162] {strides = array<i32>} : memref<80x16xf32, #tpu.memory_space<vmem>>, vector<1x16xf32>,
          %parallel_loop3A_164 = vector.shape_cast %parallel_loop3A_163 : vector<1x16xf32> to vector<16xf32>
          %parallel_loop3A_165 = arith.addf %parallel_loop3A_160, %parallel_loop3A_164 : vector<16xf32>
          %parallel_loop3A_166 = arith.constant 0.000000e+00 : f32
          %parallel_loop3A_167 = vector.broadcast %parallel_loop3A_166 : f32 to vector<16xf32>
          %parallel_loop3A_168 = arith.cmpf oge, %parallel_loop3A_165, %parallel_loop3A_167 : vector<16xf32>
          %parallel_loop3A_169 = arith.constant 2.000000e-01 : f32
          %parallel_loop3A_170 = vector.broadcast %parallel_loop3A_169 : f32 to vector<16xf32>
          %parallel_loop3A_171 = arith.mulf %parallel_loop3A_165, %parallel_loop3A_170 : vector<16xf32>
          %parallel_loop3A_172 = arith.select %parallel_loop3A_168, %parallel_loop3A_165, %parallel_loop3A_171 : vector<16xi1>, vector<16xf32>
          %parallel_loop3A_173 = math.exp %parallel_loop3A_172 : vector<16xf32>
          %parallel_loop3A_174 = vector.extract_strided_slice %parallel_loop3A_173 {offsets = [9], sizes = [1], strides = [1]} : vector<16xf32> to vector<1xf32>
          %parallel_loop3A_175 = vector.extract %parallel_loop3A_174[0] : f32 from vector<1xf32>
          %parallel_loop3A_176 = arith.index_cast %parallel_loop3A_156 : i32 to index
          %parallel_loop3A_177 = arith.constant 0 : index
          %parallel_loop3A_178 = tpu.vector_load %arg13[%parallel_loop3A_176, %parallel_loop3A_177] {strides = array<i32>} : memref<80x48xf32, #tpu.memory_space<vmem>>, vector<1x16xf32>,
          %parallel_loop3A_179 = vector.shape_cast %parallel_loop3A_178 : vector<1x16xf32> to vector<16xf32>
          %parallel_loop3A_180 = vector.broadcast %parallel_loop3A_175 : f32 to vector<16xf32>
          %parallel_loop3A_181 = arith.mulf %parallel_loop3A_179, %parallel_loop3A_180 : vector<16xf32>
          %parallel_loop3A_182 = arith.index_cast %parallel_loop3A_156 : i32 to index
          %parallel_loop3A_183 = arith.constant 0 : index
          %parallel_loop3A_184 = tpu.vector_load %arg13[%parallel_loop3A_182, %parallel_loop3A_183] {strides = array<i32>} : memref<80x48xf32, #tpu.memory_space<vmem>>, vector<1x16xf32>,
          %parallel_loop3A_185 = vector.shape_cast %parallel_loop3A_184 : vector<1x16xf32> to vector<16xf32>
          %parallel_loop3A_186 = vector.shape_cast %parallel_loop3A_181 : vector<16xf32> to vector<1x16xf32>
          tpu.vector_store %arg13[%parallel_loop3A_182, %parallel_loop3A_183], %parallel_loop3A_186 {strides = array<i32>} : memref<80x48xf32, #tpu.memory_space<vmem>>, vector<1x16xf32>,
          %parallel_loop3A_187 = arith.index_cast %parallel_loop3A_156 : i32 to index
          %parallel_loop3A_188 = arith.constant 16 : index
          %parallel_loop3A_189 = tpu.vector_load %arg13[%parallel_loop3A_187, %parallel_loop3A_188] {strides = array<i32>} : memref<80x48xf32, #tpu.memory_space<vmem>>, vector<1x16xf32>,
          %parallel_loop3A_190 = vector.shape_cast %parallel_loop3A_189 : vector<1x16xf32> to vector<16xf32>
          %parallel_loop3A_191 = vector.broadcast %parallel_loop3A_175 : f32 to vector<16xf32>
          %parallel_loop3A_192 = arith.mulf %parallel_loop3A_190, %parallel_loop3A_191 : vector<16xf32>
          %parallel_loop3A_193 = arith.index_cast %parallel_loop3A_156 : i32 to index
          %parallel_loop3A_194 = arith.constant 16 : index
          %parallel_loop3A_195 = tpu.vector_load %arg13[%parallel_loop3A_193, %parallel_loop3A_194] {strides = array<i32>} : memref<80x48xf32, #tpu.memory_space<vmem>>, vector<1x16xf32>,
          %parallel_loop3A_196 = vector.shape_cast %parallel_loop3A_195 : vector<1x16xf32> to vector<16xf32>
          %parallel_loop3A_197 = vector.shape_cast %parallel_loop3A_192 : vector<16xf32> to vector<1x16xf32>
          tpu.vector_store %arg13[%parallel_loop3A_193, %parallel_loop3A_194], %parallel_loop3A_197 {strides = array<i32>} : memref<80x48xf32, #tpu.memory_space<vmem>>, vector<1x16xf32>,
          %parallel_loop3A_198 = vector.broadcast %parallel_loop3A_175 : f32 to vector<16xf32>
          %parallel_loop3A_199 = arith.mulf %parallel_loop3A_160, %parallel_loop3A_198 : vector<16xf32>
          %parallel_loop3A_200 = arith.index_cast %parallel_loop3A_156 : i32 to index
          %parallel_loop3A_201 = arith.constant 32 : index
          %parallel_loop3A_202 = tpu.vector_load %arg13[%parallel_loop3A_200, %parallel_loop3A_201] {strides = array<i32>} : memref<80x48xf32, #tpu.memory_space<vmem>>, vector<1x16xf32>,
          %parallel_loop3A_203 = vector.shape_cast %parallel_loop3A_202 : vector<1x16xf32> to vector<16xf32>
          %parallel_loop3A_204 = vector.shape_cast %parallel_loop3A_199 : vector<16xf32> to vector<1x16xf32>
          tpu.vector_store %arg13[%parallel_loop3A_200, %parallel_loop3A_201], %parallel_loop3A_204 {strides = array<i32>} : memref<80x48xf32, #tpu.memory_space<vmem>>, vector<1x16xf32>,
        } {sc.loop_unroll_factor = 8 : i64, sc.parallel_access}
        %dma_start3A_153 = arith.constant 0 : i32
        %dma_start3A_154 = arith.constant 0 : i32
        %dma_start3A_155 = tpu.memref_slice %arg18[%dma_start3A_153, %dma_start3A_154] : memref<10000x48xf32, #tpu.memory_space<vmem_shared>> -> memref<10000x48xf32, #tpu.memory_space<vmem_shared>>
        tpu.enqueue_indirect_dma source(%arg13 : memref<80x48xf32, #tpu.memory_space<vmem>>) target(%dma_start3A_155 : memref<10000x48xf32, #tpu.memory_space<vmem_shared>>) offsets(%arg11 : memref<80xi32, #tpu.memory_space<vmem>>) semaphore(%arg27 : memref<!tpu.dma_semaphore, #tpu.memory_space<semaphore_mem>>) {add = true}
      } else {
      }
      %mul3A_85 = arith.constant 2 : i32
      %mul3A_86 = arith.muli %mul3A_85, %scan3A_78 : i32
      %add3A_87 = arith.constant 1 : i32
      %add3A_88 = arith.addi %mul3A_86, %add3A_87 : i32
      %lt3A_89 = arith.constant 125 : i32
      %lt3A_90 = arith.cmpi slt, %add3A_88, %lt3A_89 : i32
      %convert_element_type3A_91 = arith.extui %lt3A_90 : i1 to i32
      %cond3A_92 = arith.constant 0 : i32
      %cond3A_93 = arith.cmpi ne, %convert_element_type3A_91, %cond3A_92 : i32
      scf.if %cond3A_93 {
        %ge3A = arith.constant 1 : i32
        %ge3A_94 = arith.cmpi sge, %add3A_88, %ge3A : i32
        %convert_element_type3A_95 = arith.extui %ge3A_94 : i1 to i32
        %cond3A_96 = arith.constant 0 : i32
        %cond3A_97 = arith.cmpi ne, %convert_element_type3A_95, %cond3A_96 : i32
        scf.if %cond3A_97 {
          %dma_wait3A_156 = arith.constant 0 : i32
          %dma_wait3A_157 = arith.constant 0 : i32
          %dma_wait3A_158 = tpu.memref_slice %arg18[%dma_wait3A_156, %dma_wait3A_157] : memref<10000x48xf32, #tpu.memory_space<vmem_shared>> -> memref<10000x48xf32, #tpu.memory_space<vmem_shared>>
          tpu.wait_indirect_dma semaphore(%arg27 : memref<!tpu.dma_semaphore, #tpu.memory_space<semaphore_mem>>) src(%arg13 : memref<80x48xf32, #tpu.memory_space<vmem>>) dst(%dma_wait3A_158 : memref<10000x48xf32, #tpu.memory_space<vmem_shared>>)
        } else {
        }
        %add3A_98 = arith.constant 1 : i32
        %add3A_99 = arith.addi %add3A_88, %add3A_98 : i32
        %lt3A_100 = arith.constant 125 : i32
        %lt3A_101 = arith.cmpi slt, %add3A_99, %lt3A_100 : i32
        %convert_element_type3A_102 = arith.extui %lt3A_101 : i1 to i32
        %cond3A_103 = arith.constant 0 : i32
        %cond3A_104 = arith.cmpi ne, %convert_element_type3A_102, %cond3A_103 : i32
        scf.if %cond3A_104 {
          %add3A_156 = arith.constant 1 : i32
          %add3A_157 = arith.addi %add3A_88, %add3A_156 : i32
          %add3A_158 = arith.addi %mul3A_2, %add3A_157 : i32
          %dma_wait3A_159 = arith.constant 0 : i32
          %dma_wait3A_160 = tpu.memref_slice %arg2[%add3A_158, %dma_wait3A_159] : memref<4000x80xi32, #tpu.memory_space<hbm>> -> memref<1x80xi32, #tpu.memory_space<hbm>>
          %dma_wait3A_161 = tpu.memref_squeeze %dma_wait3A_160 : memref<1x80xi32, #tpu.memory_space<hbm>> -> memref<80xi32, #tpu.memory_space<hbm>>
          %dma_wait3A_162 = arith.constant 0 : i32
          %dma_wait3A_163 = tpu.memref_slice %arg2[%add3A_158, %dma_wait3A_162] : memref<4000x80xi32, #tpu.memory_space<hbm>> -> memref<1x80xi32, #tpu.memory_space<hbm>>
          %dma_wait3A_164 = tpu.memref_squeeze %dma_wait3A_163 : memref<1x80xi32, #tpu.memory_space<hbm>> -> memref<80xi32, #tpu.memory_space<hbm>>
          tpu.wait_dma2 semaphore(%arg19 : memref<!tpu.dma_semaphore, #tpu.memory_space<semaphore_mem>>) src(%dma_wait3A_164 : memref<80xi32, #tpu.memory_space<hbm>>) dst(%arg7 : memref<80xi32, #tpu.memory_space<vmem>>)
          %add3A_165 = arith.addi %mul3A_2, %add3A_157 : i32
          %dma_wait3A_166 = arith.constant 0 : i32
          %dma_wait3A_167 = tpu.memref_slice %arg3[%add3A_165, %dma_wait3A_166] : memref<4000x80xi32, #tpu.memory_space<hbm>> -> memref<1x80xi32, #tpu.memory_space<hbm>>
          %dma_wait3A_168 = tpu.memref_squeeze %dma_wait3A_167 : memref<1x80xi32, #tpu.memory_space<hbm>> -> memref<80xi32, #tpu.memory_space<hbm>>
          %dma_wait3A_169 = arith.constant 0 : i32
          %dma_wait3A_170 = tpu.memref_slice %arg3[%add3A_165, %dma_wait3A_169] : memref<4000x80xi32, #tpu.memory_space<hbm>> -> memref<1x80xi32, #tpu.memory_space<hbm>>
          %dma_wait3A_171 = tpu.memref_squeeze %dma_wait3A_170 : memref<1x80xi32, #tpu.memory_space<hbm>> -> memref<80xi32, #tpu.memory_space<hbm>>
          tpu.wait_dma2 semaphore(%arg21 : memref<!tpu.dma_semaphore, #tpu.memory_space<semaphore_mem>>) src(%dma_wait3A_171 : memref<80xi32, #tpu.memory_space<hbm>>) dst(%arg9 : memref<80xi32, #tpu.memory_space<vmem>>)
          %dma_start3A_172 = arith.constant 0 : i32
          %dma_start3A_173 = arith.constant 0 : i32
          %dma_start3A_174 = tpu.memref_slice %arg4[%dma_start3A_172, %dma_start3A_173] : memref<10000x48xf32, #tpu.memory_space<hbm>> -> memref<10000x48xf32, #tpu.memory_space<hbm>>
          tpu.enqueue_indirect_dma source(%dma_start3A_174 : memref<10000x48xf32, #tpu.memory_space<hbm>>) target(%arg13 : memref<80x48xf32, #tpu.memory_space<vmem>>) offsets(%arg7 : memref<80xi32, #tpu.memory_space<vmem>>) semaphore(%arg23 : memref<!tpu.dma_semaphore, #tpu.memory_space<semaphore_mem>>)
          %dma_start3A_175 = arith.constant 0 : i32
          %dma_start3A_176 = arith.constant 0 : i32
          %dma_start3A_177 = tpu.memref_slice %arg5[%dma_start3A_175, %dma_start3A_176] : memref<10000x16xf32, #tpu.memory_space<hbm>> -> memref<10000x16xf32, #tpu.memory_space<hbm>>
          tpu.enqueue_indirect_dma source(%dma_start3A_177 : memref<10000x16xf32, #tpu.memory_space<hbm>>) target(%arg15 : memref<80x16xf32, #tpu.memory_space<vmem>>) offsets(%arg9 : memref<80xi32, #tpu.memory_space<vmem>>) semaphore(%arg25 : memref<!tpu.dma_semaphore, #tpu.memory_space<semaphore_mem>>)
        } else {
        }
        %dma_wait3A_105 = arith.constant 0 : i32
        %dma_wait3A_106 = arith.constant 0 : i32
        %dma_wait3A_107 = tpu.memref_slice %arg4[%dma_wait3A_105, %dma_wait3A_106] : memref<10000x48xf32, #tpu.memory_space<hbm>> -> memref<10000x48xf32, #tpu.memory_space<hbm>>
        tpu.wait_indirect_dma semaphore(%arg24 : memref<!tpu.dma_semaphore, #tpu.memory_space<semaphore_mem>>) src(%dma_wait3A_107 : memref<10000x48xf32, #tpu.memory_space<hbm>>) dst(%arg14 : memref<80x48xf32, #tpu.memory_space<vmem>>)
        %dma_wait3A_108 = arith.constant 0 : i32
        %dma_wait3A_109 = arith.constant 0 : i32
        %dma_wait3A_110 = tpu.memref_slice %arg5[%dma_wait3A_108, %dma_wait3A_109] : memref<10000x16xf32, #tpu.memory_space<hbm>> -> memref<10000x16xf32, #tpu.memory_space<hbm>>
        tpu.wait_indirect_dma semaphore(%arg26 : memref<!tpu.dma_semaphore, #tpu.memory_space<semaphore_mem>>) src(%dma_wait3A_110 : memref<10000x16xf32, #tpu.memory_space<hbm>>) dst(%arg16 : memref<80x16xf32, #tpu.memory_space<vmem>>)
        %get3A = arith.constant 0 : index
        %get3A_111 = tpu.vector_load %arg10[%get3A] {strides = array<i32>} : memref<80xi32, #tpu.memory_space<vmem>>, vector<16xi32>,
        %get3A_112 = vector.shape_cast %get3A_111 : vector<16xi32> to vector<16xi32>
        %swap3A = arith.constant 0 : index
        %swap3A_113 = tpu.vector_load %arg12[%swap3A] {strides = array<i32>} : memref<80xi32, #tpu.memory_space<vmem>>, vector<16xi32>,
        %swap3A_114 = vector.shape_cast %swap3A_113 : vector<16xi32> to vector<16xi32>
        %swap3A_115 = vector.shape_cast %get3A_112 : vector<16xi32> to vector<16xi32>
        tpu.vector_store %arg12[%swap3A], %swap3A_115 {strides = array<i32>} : memref<80xi32, #tpu.memory_space<vmem>>, vector<16xi32>,
        %get3A_116 = arith.constant 16 : index
        %get3A_117 = tpu.vector_load %arg10[%get3A_116] {strides = array<i32>} : memref<80xi32, #tpu.memory_space<vmem>>, vector<16xi32>,
        %get3A_118 = vector.shape_cast %get3A_117 : vector<16xi32> to vector<16xi32>
        %swap3A_119 = arith.constant 16 : index
        %swap3A_120 = tpu.vector_load %arg12[%swap3A_119] {strides = array<i32>} : memref<80xi32, #tpu.memory_space<vmem>>, vector<16xi32>,
        %swap3A_121 = vector.shape_cast %swap3A_120 : vector<16xi32> to vector<16xi32>
        %swap3A_122 = vector.shape_cast %get3A_118 : vector<16xi32> to vector<16xi32>
        tpu.vector_store %arg12[%swap3A_119], %swap3A_122 {strides = array<i32>} : memref<80xi32, #tpu.memory_space<vmem>>, vector<16xi32>,
        %get3A_123 = arith.constant 32 : index
        %get3A_124 = tpu.vector_load %arg10[%get3A_123] {strides = array<i32>} : memref<80xi32, #tpu.memory_space<vmem>>, vector<16xi32>,
        %get3A_125 = vector.shape_cast %get3A_124 : vector<16xi32> to vector<16xi32>
        %swap3A_126 = arith.constant 32 : index
        %swap3A_127 = tpu.vector_load %arg12[%swap3A_126] {strides = array<i32>} : memref<80xi32, #tpu.memory_space<vmem>>, vector<16xi32>,
        %swap3A_128 = vector.shape_cast %swap3A_127 : vector<16xi32> to vector<16xi32>
        %swap3A_129 = vector.shape_cast %get3A_125 : vector<16xi32> to vector<16xi32>
        tpu.vector_store %arg12[%swap3A_126], %swap3A_129 {strides = array<i32>} : memref<80xi32, #tpu.memory_space<vmem>>, vector<16xi32>,
        %get3A_130 = arith.constant 48 : index
        %get3A_131 = tpu.vector_load %arg10[%get3A_130] {strides = array<i32>} : memref<80xi32, #tpu.memory_space<vmem>>, vector<16xi32>,
        %get3A_132 = vector.shape_cast %get3A_131 : vector<16xi32> to vector<16xi32>
        %swap3A_133 = arith.constant 48 : index
        %swap3A_134 = tpu.vector_load %arg12[%swap3A_133] {strides = array<i32>} : memref<80xi32, #tpu.memory_space<vmem>>, vector<16xi32>,
        %swap3A_135 = vector.shape_cast %swap3A_134 : vector<16xi32> to vector<16xi32>
        %swap3A_136 = vector.shape_cast %get3A_132 : vector<16xi32> to vector<16xi32>
        tpu.vector_store %arg12[%swap3A_133], %swap3A_136 {strides = array<i32>} : memref<80xi32, #tpu.memory_space<vmem>>, vector<16xi32>,
        %get3A_137 = arith.constant 64 : index
        %get3A_138 = tpu.vector_load %arg10[%get3A_137] {strides = array<i32>} : memref<80xi32, #tpu.memory_space<vmem>>, vector<16xi32>,
        %get3A_139 = vector.shape_cast %get3A_138 : vector<16xi32> to vector<16xi32>
        %swap3A_140 = arith.constant 64 : index
        %swap3A_141 = tpu.vector_load %arg12[%swap3A_140] {strides = array<i32>} : memref<80xi32, #tpu.memory_space<vmem>>, vector<16xi32>,
        %swap3A_142 = vector.shape_cast %swap3A_141 : vector<16xi32> to vector<16xi32>
        %swap3A_143 = vector.shape_cast %get3A_139 : vector<16xi32> to vector<16xi32>
        tpu.vector_store %arg12[%swap3A_140], %swap3A_143 {strides = array<i32>} : memref<80xi32, #tpu.memory_space<vmem>>, vector<16xi32>,
        %add3A_144 = arith.constant 2 : i32
        %add3A_145 = arith.addi %add3A_88, %add3A_144 : i32
        %lt3A_146 = arith.constant 125 : i32
        %lt3A_147 = arith.cmpi slt, %add3A_145, %lt3A_146 : i32
        %convert_element_type3A_148 = arith.extui %lt3A_147 : i1 to i32
        %cond3A_149 = arith.constant 0 : i32
        %cond3A_150 = arith.cmpi ne, %convert_element_type3A_148, %cond3A_149 : i32
        scf.if %cond3A_150 {
          %add3A_156 = arith.constant 2 : i32
          %add3A_157 = arith.addi %add3A_88, %add3A_156 : i32
          %add3A_158 = arith.addi %mul3A_2, %add3A_157 : i32
          %dma_start3A_159 = arith.constant 0 : i32
          %dma_start3A_160 = tpu.memref_slice %arg2[%add3A_158, %dma_start3A_159] : memref<4000x80xi32, #tpu.memory_space<hbm>> -> memref<1x80xi32, #tpu.memory_space<hbm>>
          %dma_start3A_161 = tpu.memref_squeeze %dma_start3A_160 : memref<1x80xi32, #tpu.memory_space<hbm>> -> memref<80xi32, #tpu.memory_space<hbm>>
          %dma_start3A_162 = arith.constant 0 : i32
          %dma_start3A_163 = tpu.memref_slice %arg2[%add3A_158, %dma_start3A_162] : memref<4000x80xi32, #tpu.memory_space<hbm>> -> memref<1x80xi32, #tpu.memory_space<hbm>>
          %dma_start3A_164 = tpu.memref_squeeze %dma_start3A_163 : memref<1x80xi32, #tpu.memory_space<hbm>> -> memref<80xi32, #tpu.memory_space<hbm>>
          tpu.enqueue_dma source(%dma_start3A_164 : memref<80xi32, #tpu.memory_space<hbm>>) target(%arg8 : memref<80xi32, #tpu.memory_space<vmem>>) target_semaphore(%arg20 : memref<!tpu.dma_semaphore, #tpu.memory_space<semaphore_mem>>)
          %add3A_165 = arith.addi %mul3A_2, %add3A_157 : i32
          %dma_start3A_166 = arith.constant 0 : i32
          %dma_start3A_167 = tpu.memref_slice %arg3[%add3A_165, %dma_start3A_166] : memref<4000x80xi32, #tpu.memory_space<hbm>> -> memref<1x80xi32, #tpu.memory_space<hbm>>
          %dma_start3A_168 = tpu.memref_squeeze %dma_start3A_167 : memref<1x80xi32, #tpu.memory_space<hbm>> -> memref<80xi32, #tpu.memory_space<hbm>>
          %dma_start3A_169 = arith.constant 0 : i32
          %dma_start3A_170 = tpu.memref_slice %arg3[%add3A_165, %dma_start3A_169] : memref<4000x80xi32, #tpu.memory_space<hbm>> -> memref<1x80xi32, #tpu.memory_space<hbm>>
          %dma_start3A_171 = tpu.memref_squeeze %dma_start3A_170 : memref<1x80xi32, #tpu.memory_space<hbm>> -> memref<80xi32, #tpu.memory_space<hbm>>
          tpu.enqueue_dma source(%dma_start3A_171 : memref<80xi32, #tpu.memory_space<hbm>>) target(%arg10 : memref<80xi32, #tpu.memory_space<vmem>>) target_semaphore(%arg22 : memref<!tpu.dma_semaphore, #tpu.memory_space<semaphore_mem>>)
        } else {
        }
        %parallel_loop3A = arith.constant 0 : i32
        %parallel_loop3A_151 = arith.constant 80 : i32
        %parallel_loop3A_152 = arith.constant 1 : i32
        scf.for %parallel_loop3A_156 = %parallel_loop3A to %parallel_loop3A_151 step %parallel_loop3A_152  : i32 {
          %parallel_loop3A_157 = arith.index_cast %parallel_loop3A_156 : i32 to index
          %parallel_loop3A_158 = arith.constant 32 : index
          %parallel_loop3A_159 = tpu.vector_load %arg14[%parallel_loop3A_157, %parallel_loop3A_158] {strides = array<i32>} : memref<80x48xf32, #tpu.memory_space<vmem>>, vector<1x16xf32>,
          %parallel_loop3A_160 = vector.shape_cast %parallel_loop3A_159 : vector<1x16xf32> to vector<16xf32>
          %parallel_loop3A_161 = arith.index_cast %parallel_loop3A_156 : i32 to index
          %parallel_loop3A_162 = arith.constant 0 : index
          %parallel_loop3A_163 = tpu.vector_load %arg16[%parallel_loop3A_161, %parallel_loop3A_162] {strides = array<i32>} : memref<80x16xf32, #tpu.memory_space<vmem>>, vector<1x16xf32>,
          %parallel_loop3A_164 = vector.shape_cast %parallel_loop3A_163 : vector<1x16xf32> to vector<16xf32>
          %parallel_loop3A_165 = arith.addf %parallel_loop3A_160, %parallel_loop3A_164 : vector<16xf32>
          %parallel_loop3A_166 = arith.constant 0.000000e+00 : f32
          %parallel_loop3A_167 = vector.broadcast %parallel_loop3A_166 : f32 to vector<16xf32>
          %parallel_loop3A_168 = arith.cmpf oge, %parallel_loop3A_165, %parallel_loop3A_167 : vector<16xf32>
          %parallel_loop3A_169 = arith.constant 2.000000e-01 : f32
          %parallel_loop3A_170 = vector.broadcast %parallel_loop3A_169 : f32 to vector<16xf32>
          %parallel_loop3A_171 = arith.mulf %parallel_loop3A_165, %parallel_loop3A_170 : vector<16xf32>
          %parallel_loop3A_172 = arith.select %parallel_loop3A_168, %parallel_loop3A_165, %parallel_loop3A_171 : vector<16xi1>, vector<16xf32>
          %parallel_loop3A_173 = math.exp %parallel_loop3A_172 : vector<16xf32>
          %parallel_loop3A_174 = vector.extract_strided_slice %parallel_loop3A_173 {offsets = [9], sizes = [1], strides = [1]} : vector<16xf32> to vector<1xf32>
          %parallel_loop3A_175 = vector.extract %parallel_loop3A_174[0] : f32 from vector<1xf32>
          %parallel_loop3A_176 = arith.index_cast %parallel_loop3A_156 : i32 to index
          %parallel_loop3A_177 = arith.constant 0 : index
          %parallel_loop3A_178 = tpu.vector_load %arg14[%parallel_loop3A_176, %parallel_loop3A_177] {strides = array<i32>} : memref<80x48xf32, #tpu.memory_space<vmem>>, vector<1x16xf32>,
          %parallel_loop3A_179 = vector.shape_cast %parallel_loop3A_178 : vector<1x16xf32> to vector<16xf32>
          %parallel_loop3A_180 = vector.broadcast %parallel_loop3A_175 : f32 to vector<16xf32>
          %parallel_loop3A_181 = arith.mulf %parallel_loop3A_179, %parallel_loop3A_180 : vector<16xf32>
          %parallel_loop3A_182 = arith.index_cast %parallel_loop3A_156 : i32 to index
          %parallel_loop3A_183 = arith.constant 0 : index
          %parallel_loop3A_184 = tpu.vector_load %arg14[%parallel_loop3A_182, %parallel_loop3A_183] {strides = array<i32>} : memref<80x48xf32, #tpu.memory_space<vmem>>, vector<1x16xf32>,
          %parallel_loop3A_185 = vector.shape_cast %parallel_loop3A_184 : vector<1x16xf32> to vector<16xf32>
          %parallel_loop3A_186 = vector.shape_cast %parallel_loop3A_181 : vector<16xf32> to vector<1x16xf32>
          tpu.vector_store %arg14[%parallel_loop3A_182, %parallel_loop3A_183], %parallel_loop3A_186 {strides = array<i32>} : memref<80x48xf32, #tpu.memory_space<vmem>>, vector<1x16xf32>,
          %parallel_loop3A_187 = arith.index_cast %parallel_loop3A_156 : i32 to index
          %parallel_loop3A_188 = arith.constant 16 : index
          %parallel_loop3A_189 = tpu.vector_load %arg14[%parallel_loop3A_187, %parallel_loop3A_188] {strides = array<i32>} : memref<80x48xf32, #tpu.memory_space<vmem>>, vector<1x16xf32>,
          %parallel_loop3A_190 = vector.shape_cast %parallel_loop3A_189 : vector<1x16xf32> to vector<16xf32>
          %parallel_loop3A_191 = vector.broadcast %parallel_loop3A_175 : f32 to vector<16xf32>
          %parallel_loop3A_192 = arith.mulf %parallel_loop3A_190, %parallel_loop3A_191 : vector<16xf32>
          %parallel_loop3A_193 = arith.index_cast %parallel_loop3A_156 : i32 to index
          %parallel_loop3A_194 = arith.constant 16 : index
          %parallel_loop3A_195 = tpu.vector_load %arg14[%parallel_loop3A_193, %parallel_loop3A_194] {strides = array<i32>} : memref<80x48xf32, #tpu.memory_space<vmem>>, vector<1x16xf32>,
          %parallel_loop3A_196 = vector.shape_cast %parallel_loop3A_195 : vector<1x16xf32> to vector<16xf32>
          %parallel_loop3A_197 = vector.shape_cast %parallel_loop3A_192 : vector<16xf32> to vector<1x16xf32>
          tpu.vector_store %arg14[%parallel_loop3A_193, %parallel_loop3A_194], %parallel_loop3A_197 {strides = array<i32>} : memref<80x48xf32, #tpu.memory_space<vmem>>, vector<1x16xf32>,
          %parallel_loop3A_198 = vector.broadcast %parallel_loop3A_175 : f32 to vector<16xf32>
          %parallel_loop3A_199 = arith.mulf %parallel_loop3A_160, %parallel_loop3A_198 : vector<16xf32>
          %parallel_loop3A_200 = arith.index_cast %parallel_loop3A_156 : i32 to index
          %parallel_loop3A_201 = arith.constant 32 : index
          %parallel_loop3A_202 = tpu.vector_load %arg14[%parallel_loop3A_200, %parallel_loop3A_201] {strides = array<i32>} : memref<80x48xf32, #tpu.memory_space<vmem>>, vector<1x16xf32>,
          %parallel_loop3A_203 = vector.shape_cast %parallel_loop3A_202 : vector<1x16xf32> to vector<16xf32>
          %parallel_loop3A_204 = vector.shape_cast %parallel_loop3A_199 : vector<16xf32> to vector<1x16xf32>
          tpu.vector_store %arg14[%parallel_loop3A_200, %parallel_loop3A_201], %parallel_loop3A_204 {strides = array<i32>} : memref<80x48xf32, #tpu.memory_space<vmem>>, vector<1x16xf32>,
        } {sc.loop_unroll_factor = 8 : i64, sc.parallel_access}
        %dma_start3A_153 = arith.constant 0 : i32
        %dma_start3A_154 = arith.constant 0 : i32
        %dma_start3A_155 = tpu.memref_slice %arg18[%dma_start3A_153, %dma_start3A_154] : memref<10000x48xf32, #tpu.memory_space<vmem_shared>> -> memref<10000x48xf32, #tpu.memory_space<vmem_shared>>
        tpu.enqueue_indirect_dma source(%arg14 : memref<80x48xf32, #tpu.memory_space<vmem>>) target(%dma_start3A_155 : memref<10000x48xf32, #tpu.memory_space<vmem_shared>>) offsets(%arg12 : memref<80xi32, #tpu.memory_space<vmem>>) semaphore(%arg28 : memref<!tpu.dma_semaphore, #tpu.memory_space<semaphore_mem>>) {add = true}
      } else {
      }
    }
    %scan3A_71 = arith.constant 63 : i32
    %dma_wait3A_72 = arith.constant 0 : i32
    %dma_wait3A_73 = arith.constant 0 : i32
    %dma_wait3A_74 = tpu.memref_slice %arg18[%dma_wait3A_72, %dma_wait3A_73] : memref<10000x48xf32, #tpu.memory_space<vmem_shared>> -> memref<10000x48xf32, #tpu.memory_space<vmem_shared>>
    tpu.wait_indirect_dma semaphore(%arg27 : memref<!tpu.dma_semaphore, #tpu.memory_space<semaphore_mem>>) src(%arg13 : memref<80x48xf32, #tpu.memory_space<vmem>>) dst(%dma_wait3A_74 : memref<10000x48xf32, #tpu.memory_space<vmem_shared>>)
    %barrier3A_75 = arith.constant 0 : index
    tpu.barrier barrier_id(%barrier3A_75)
    %mul3A_76 = arith.constant 625 : i32
    %mul3A_77 = arith.muli %arg1, %mul3A_76 : i32
    "tpu.region"() ({
      %run_scoped3A = tpu.sem_alloc : memref<!tpu.dma_semaphore, #tpu.memory_space<semaphore_mem>>
      %dma_start3A_78 = arith.constant 0 : i32
      %dma_start3A_79 = tpu.memref_slice %arg6[%arg0, %mul3A_77, %dma_start3A_78] : memref<2x10000x48xf32, #tpu.memory_space<hbm>> -> memref<1x625x48xf32, #tpu.memory_space<hbm>>
      %dma_start3A_80 = tpu.memref_squeeze %dma_start3A_79 : memref<1x625x48xf32, #tpu.memory_space<hbm>> -> memref<625x48xf32, #tpu.memory_space<hbm>>
      %dma_start3A_81 = arith.constant 0 : i32
      %dma_start3A_82 = tpu.memref_slice %arg18[%mul3A_77, %dma_start3A_81] : memref<10000x48xf32, #tpu.memory_space<vmem_shared>> -> memref<625x48xf32, #tpu.memory_space<vmem_shared>>
      tpu.enqueue_dma source(%dma_start3A_82 : memref<625x48xf32, #tpu.memory_space<vmem_shared>>) target(%dma_start3A_80 : memref<625x48xf32, #tpu.memory_space<hbm>>) target_semaphore(%run_scoped3A : memref<!tpu.dma_semaphore, #tpu.memory_space<semaphore_mem>>)
      %dma_wait3A_83 = arith.constant 0 : i32
      %dma_wait3A_84 = tpu.memref_slice %arg6[%arg0, %mul3A_77, %dma_wait3A_83] : memref<2x10000x48xf32, #tpu.memory_space<hbm>> -> memref<1x625x48xf32, #tpu.memory_space<hbm>>
      %dma_wait3A_85 = tpu.memref_squeeze %dma_wait3A_84 : memref<1x625x48xf32, #tpu.memory_space<hbm>> -> memref<625x48xf32, #tpu.memory_space<hbm>>
      %dma_wait3A_86 = arith.constant 0 : i32
      %dma_wait3A_87 = tpu.memref_slice %arg18[%mul3A_77, %dma_wait3A_86] : memref<10000x48xf32, #tpu.memory_space<vmem_shared>> -> memref<625x48xf32, #tpu.memory_space<vmem_shared>>
      tpu.wait_dma2 semaphore(%run_scoped3A : memref<!tpu.dma_semaphore, #tpu.memory_space<semaphore_mem>>) src(%dma_wait3A_87 : memref<625x48xf32, #tpu.memory_space<vmem_shared>>) dst(%dma_wait3A_85 : memref<625x48xf32, #tpu.memory_space<hbm>>)
      tpu.yield
    }) : () -> ()
    return
  }
}

module attributes {stable_mosaic.version = 14 : i64} {
  func.func @_tc_a_body(%arg0: i32, %arg1: memref<1000x128xf32, #tpu.memory_space<vmem>>, %arg2: memref<128x128xf32, #tpu.memory_space<vmem>>, %arg3: memref<128x8xf32, #tpu.memory_space<vmem>>, %arg4: memref<128x8xf32, #tpu.memory_space<vmem>>, %arg5: memref<1000x144xf32, #tpu.memory_space<vmem>>, %arg6: memref<1000x16xf32, #tpu.memory_space<vmem>>) attributes {dimension_semantics = [#tpu.dimension_semantics<arbitrary>], iteration_bounds = array<i64: 10>, scalar_prefetch = 0 : i64, scratch_operands = 0 : i64, tpu.core_type = #tpu.core_type<tc>, window_params = [{transform_indices = @transform_0, window_bounds = array<i64: 1000, 128>}, {pipeline_mode = #tpu.pipeline_mode<synchronous>, transform_indices = @transform_1, window_bounds = array<i64: 128, 128>}, {pipeline_mode = #tpu.pipeline_mode<synchronous>, transform_indices = @transform_2, window_bounds = array<i64: 128, 8>}, {pipeline_mode = #tpu.pipeline_mode<synchronous>, transform_indices = @transform_3, window_bounds = array<i64: 128, 8>}, {transform_indices = @transform_4, window_bounds = array<i64: 1000, 144>}, {transform_indices = @transform_5, window_bounds = array<i64: 1000, 16>}]} {
    %get3A = arith.constant 0 : index
    %get3A_0 = arith.constant 0 : index
    %get3A_1 = vector.load %arg1[%get3A, %get3A_0] : memref<1000x128xf32, #tpu.memory_space<vmem>>, vector<1000x128xf32>
    %get3A_2 = arith.constant 0 : index
    %get3A_3 = arith.constant 0 : index
    %get3A_4 = vector.load %arg2[%get3A_2, %get3A_3] : memref<128x128xf32, #tpu.memory_space<vmem>>, vector<128x128xf32>
    %dot_general3A = arith.constant dense<0.000000e+00> : vector<1000x128xf32>
    %dot_general3A_5 = tpu.matmul %get3A_1, %get3A_4, %dot_general3A {dimension_numbers = #tpu.dot_dimension_numbers<[1], [0], [0], [1], [0, 0, 1, 1], [], []>, transpose_lhs_hint = false} : vector<1000x128xf32>, vector<128x128xf32>, vector<1000x128xf32> -> vector<1000x128xf32>
    %get3A_6 = arith.constant 0 : index
    %get3A_7 = arith.constant 0 : index
    %get3A_8 = vector.load %arg3[%get3A_6, %get3A_7] : memref<128x8xf32, #tpu.memory_space<vmem>>, vector<128x8xf32>
    %dot_general3A_9 = arith.constant dense<0.000000e+00> : vector<1000x8xf32>
    %dot_general3A_10 = tpu.matmul %dot_general3A_5, %get3A_8, %dot_general3A_9 {dimension_numbers = #tpu.dot_dimension_numbers<[1], [0], [0], [1], [0, 0, 1, 1], [], []>, transpose_lhs_hint = false} : vector<1000x128xf32>, vector<128x8xf32>, vector<1000x8xf32> -> vector<1000x8xf32>
    %get3A_11 = arith.constant 0 : index
    %get3A_12 = arith.constant 0 : index
    %get3A_13 = vector.load %arg4[%get3A_11, %get3A_12] : memref<128x8xf32, #tpu.memory_space<vmem>>, vector<128x8xf32>
    %dot_general3A_14 = arith.constant dense<0.000000e+00> : vector<1000x8xf32>
    %dot_general3A_15 = tpu.matmul %dot_general3A_5, %get3A_13, %dot_general3A_14 {dimension_numbers = #tpu.dot_dimension_numbers<[1], [0], [0], [1], [0, 0, 1, 1], [], []>, transpose_lhs_hint = false} : vector<1000x128xf32>, vector<128x8xf32>, vector<1000x8xf32> -> vector<1000x8xf32>
    %broadcast_in_dim3A = arith.constant 0.000000e+00 : f32
    %broadcast_in_dim3A_16 = vector.broadcast %broadcast_in_dim3A : f32 to vector<1000x8xf32>
    %swap3A = arith.constant 0 : index
    %swap3A_17 = arith.constant 0 : index
    %swap3A_18 = vector.load %arg5[%swap3A, %swap3A_17] : memref<1000x144xf32, #tpu.memory_space<vmem>>, vector<1000x128xf32>
    tpu.vector_store %arg5[%swap3A, %swap3A_17], %dot_general3A_5 {strides = array<i32>} : memref<1000x144xf32, #tpu.memory_space<vmem>>, vector<1000x128xf32>,
    %concatenate3A = tpu.concatenate %dot_general3A_10, %broadcast_in_dim3A_16 in 1 : vector<1000x8xf32>, vector<1000x8xf32> -> vector<1000x16xf32>
    %swap3A_19 = arith.constant 0 : index
    %swap3A_20 = arith.constant 128 : index
    %swap3A_21 = vector.load %arg5[%swap3A_19, %swap3A_20] : memref<1000x144xf32, #tpu.memory_space<vmem>>, vector<1000x16xf32>
    tpu.vector_store %arg5[%swap3A_19, %swap3A_20], %concatenate3A {strides = array<i32>} : memref<1000x144xf32, #tpu.memory_space<vmem>>, vector<1000x16xf32>,
    %concatenate3A_22 = tpu.concatenate %dot_general3A_15, %broadcast_in_dim3A_16 in 1 : vector<1000x8xf32>, vector<1000x8xf32> -> vector<1000x16xf32>
    %swap3A_23 = arith.constant 0 : index
    %swap3A_24 = arith.constant 0 : index
    %swap3A_25 = vector.load %arg6[%swap3A_23, %swap3A_24] : memref<1000x16xf32, #tpu.memory_space<vmem>>, vector<1000x16xf32>
    tpu.vector_store %arg6[%swap3A_23, %swap3A_24], %concatenate3A_22 {strides = array<i32>} : memref<1000x16xf32, #tpu.memory_space<vmem>>, vector<1000x16xf32>,
    return
  }
  func.func @transform_0(%arg0: i32) -> (i32, i32) {
    %c0_i32 = arith.constant 0 : i32
    %c0_i32_0 = arith.constant 0 : i32
    return %arg0, %c0_i32 : i32, i32
  }
  func.func @transform_1(%arg0: i32) -> (i32, i32) {
    %c0_i32 = arith.constant 0 : i32
    %c0_i32_0 = arith.constant 0 : i32
    %c0_i32_1 = arith.constant 0 : i32
    return %c0_i32, %c0_i32_0 : i32, i32
  }
  func.func @transform_2(%arg0: i32) -> (i32, i32) {
    %c0_i32 = arith.constant 0 : i32
    %c0_i32_0 = arith.constant 0 : i32
    %c0_i32_1 = arith.constant 0 : i32
    return %c0_i32, %c0_i32_0 : i32, i32
  }
  func.func @transform_3(%arg0: i32) -> (i32, i32) {
    %c0_i32 = arith.constant 0 : i32
    %c0_i32_0 = arith.constant 0 : i32
    %c0_i32_1 = arith.constant 0 : i32
    return %c0_i32, %c0_i32_0 : i32, i32
  }
  func.func @transform_4(%arg0: i32) -> (i32, i32) {
    %c0_i32 = arith.constant 0 : i32
    %c0_i32_0 = arith.constant 0 : i32
    return %arg0, %c0_i32 : i32, i32
  }
  func.func @transform_5(%arg0: i32) -> (i32, i32) {
    %c0_i32 = arith.constant 0 : i32
    %c0_i32_0 = arith.constant 0 : i32
    return %arg0, %c0_i32 : i32, i32
  }
}

module attributes {stable_mosaic.version = 14 : i64} {
  func.func @_tc_b_body(%arg0: i32, %arg1: memref<1000x144xf32, #tpu.memory_space<vmem>>, %arg2: memref<1000x144xf32, #tpu.memory_space<vmem>>, %arg3: memref<1x128xf32, #tpu.memory_space<vmem>>, %arg4: memref<128x40xf32, #tpu.memory_space<vmem>>, %arg5: memref<8x128xf32, #tpu.memory_space<vmem>>, %arg6: memref<40x1xf32, #tpu.memory_space<vmem>>, %arg7: memref<40x1xf32, #tpu.memory_space<vmem>>, %arg8: memref<1000x48xf32, #tpu.memory_space<vmem>>, %arg9: memref<1000x16xf32, #tpu.memory_space<vmem>>) attributes {dimension_semantics = [#tpu.dimension_semantics<arbitrary>], iteration_bounds = array<i64: 10>, scalar_prefetch = 0 : i64, scratch_operands = 0 : i64, tpu.core_type = #tpu.core_type<tc>, window_params = [{transform_indices = @transform_0, window_bounds = array<i64: 1000, 144>}, {transform_indices = @transform_1, window_bounds = array<i64: 1000, 144>}, {pipeline_mode = #tpu.pipeline_mode<synchronous>, transform_indices = @transform_2, window_bounds = array<i64: 1, 128>}, {pipeline_mode = #tpu.pipeline_mode<synchronous>, transform_indices = @transform_3, window_bounds = array<i64: 128, 40>}, {pipeline_mode = #tpu.pipeline_mode<synchronous>, transform_indices = @transform_4, window_bounds = array<i64: 8, 128>}, {pipeline_mode = #tpu.pipeline_mode<synchronous>, transform_indices = @transform_5, window_bounds = array<i64: 40, 1>}, {pipeline_mode = #tpu.pipeline_mode<synchronous>, transform_indices = @transform_6, window_bounds = array<i64: 40, 1>}, {transform_indices = @transform_7, window_bounds = array<i64: 1000, 48>}, {transform_indices = @transform_8, window_bounds = array<i64: 1000, 16>}]} {
    %get3A = arith.constant 0 : index
    %get3A_0 = arith.constant 0 : index
    %get3A_1 = vector.load %arg1[%get3A, %get3A_0] : memref<1000x144xf32, #tpu.memory_space<vmem>>, vector<1000x144xf32>
    %get3A_2 = arith.constant 0 : index
    %get3A_3 = arith.constant 0 : index
    %get3A_4 = vector.load %arg2[%get3A_2, %get3A_3] : memref<1000x144xf32, #tpu.memory_space<vmem>>, vector<1000x144xf32>
    %add3A = arith.addf %get3A_1, %get3A_4 : vector<1000x144xf32>
    %slice3A = vector.extract_strided_slice %add3A {offsets = [0, 128], sizes = [1000, 8], strides = [1, 1]} : vector<1000x144xf32> to vector<1000x8xf32>
    %add3A_5 = arith.constant 1.000000e-16 : f32
    %add3A_6 = vector.broadcast %add3A_5 : f32 to vector<1000x8xf32>
    %add3A_7 = arith.addf %slice3A, %add3A_6 : vector<1000x8xf32>
    %div3A = arith.constant 1.000000e+00 : f32
    %div3A_8 = vector.broadcast %div3A : f32 to vector<1000x8xf32>
    %div3A_9 = arith.divf %div3A_8, %add3A_7 : vector<1000x8xf32>
    %get3A_10 = arith.constant 0 : index
    %get3A_11 = arith.constant 0 : index
    %get3A_12 = vector.load %arg5[%get3A_10, %get3A_11] : memref<8x128xf32, #tpu.memory_space<vmem>>, vector<8x128xf32>
    %dot_general3A = arith.constant dense<0.000000e+00> : vector<1000x128xf32>
    %dot_general3A_13 = tpu.matmul %div3A_9, %get3A_12, %dot_general3A {dimension_numbers = #tpu.dot_dimension_numbers<[1], [0], [0], [1], [0, 0, 1, 1], [], []>, transpose_lhs_hint = false} : vector<1000x8xf32>, vector<8x128xf32>, vector<1000x128xf32> -> vector<1000x128xf32>
    %slice3A_14 = vector.extract_strided_slice %add3A {offsets = [0, 0], sizes = [1000, 128], strides = [1, 1]} : vector<1000x144xf32> to vector<1000x128xf32>
    %mul3A = arith.mulf %slice3A_14, %dot_general3A_13 : vector<1000x128xf32>
    %get3A_15 = arith.constant 0 : index
    %get3A_16 = arith.constant 0 : index
    %get3A_17 = vector.load %arg3[%get3A_15, %get3A_16] : memref<1x128xf32, #tpu.memory_space<vmem>>, vector<1x128xf32>
    %add3A_18 = vector.broadcast %get3A_17 : vector<1x128xf32> to vector<1000x128xf32>
    %add3A_19 = arith.addf %mul3A, %add3A_18 : vector<1000x128xf32>
    %max3A = arith.constant 0.000000e+00 : f32
    %max3A_20 = vector.broadcast %max3A : f32 to vector<1000x128xf32>
    %max3A_21 = arith.maximumf %add3A_19, %max3A_20 : vector<1000x128xf32>
    %get3A_22 = arith.constant 0 : index
    %get3A_23 = arith.constant 0 : index
    %get3A_24 = vector.load %arg4[%get3A_22, %get3A_23] : memref<128x40xf32, #tpu.memory_space<vmem>>, vector<128x40xf32>
    %dot_general3A_25 = arith.constant dense<0.000000e+00> : vector<1000x40xf32>
    %dot_general3A_26 = tpu.matmul %max3A_21, %get3A_24, %dot_general3A_25 {dimension_numbers = #tpu.dot_dimension_numbers<[1], [0], [0], [1], [0, 0, 1, 1], [], []>, transpose_lhs_hint = false} : vector<1000x128xf32>, vector<128x40xf32>, vector<1000x40xf32> -> vector<1000x40xf32>
    %get3A_27 = arith.constant 0 : index
    %get3A_28 = arith.constant 0 : index
    %get3A_29 = vector.load %arg6[%get3A_27, %get3A_28] : memref<40x1xf32, #tpu.memory_space<vmem>>, vector<40x1xf32>
    %dot_general3A_30 = arith.constant dense<0.000000e+00> : vector<1000x1xf32>
    %dot_general3A_31 = tpu.matmul %dot_general3A_26, %get3A_29, %dot_general3A_30 {dimension_numbers = #tpu.dot_dimension_numbers<[1], [0], [0], [1], [0, 0, 1, 1], [], []>, transpose_lhs_hint = false} : vector<1000x40xf32>, vector<40x1xf32>, vector<1000x1xf32> -> vector<1000x1xf32>
    %get3A_32 = arith.constant 0 : index
    %get3A_33 = arith.constant 0 : index
    %get3A_34 = vector.load %arg7[%get3A_32, %get3A_33] : memref<40x1xf32, #tpu.memory_space<vmem>>, vector<40x1xf32>
    %dot_general3A_35 = arith.constant dense<0.000000e+00> : vector<1000x1xf32>
    %dot_general3A_36 = tpu.matmul %dot_general3A_26, %get3A_34, %dot_general3A_35 {dimension_numbers = #tpu.dot_dimension_numbers<[1], [0], [0], [1], [0, 0, 1, 1], [], []>, transpose_lhs_hint = false} : vector<1000x40xf32>, vector<40x1xf32>, vector<1000x1xf32> -> vector<1000x1xf32>
    %broadcast_in_dim3A = arith.constant 1.000000e+00 : f32
    %broadcast_in_dim3A_37 = vector.broadcast %broadcast_in_dim3A : f32 to vector<1000x1xf32>
    %broadcast_in_dim3A_38 = arith.constant 0.000000e+00 : f32
    %broadcast_in_dim3A_39 = vector.broadcast %broadcast_in_dim3A_38 : f32 to vector<1000x6xf32>
    %concatenate3A = tpu.concatenate %dot_general3A_26, %broadcast_in_dim3A_37, %dot_general3A_31, %broadcast_in_dim3A_39 in 1 : vector<1000x40xf32>, vector<1000x1xf32>, vector<1000x1xf32>, vector<1000x6xf32> -> vector<1000x48xf32>
    %swap3A = arith.constant 0 : index
    %swap3A_40 = arith.constant 0 : index
    %swap3A_41 = vector.load %arg8[%swap3A, %swap3A_40] : memref<1000x48xf32, #tpu.memory_space<vmem>>, vector<1000x48xf32>
    tpu.vector_store %arg8[%swap3A, %swap3A_40], %concatenate3A {strides = array<i32>} : memref<1000x48xf32, #tpu.memory_space<vmem>>, vector<1000x48xf32>,
    %broadcast_in_dim3A_42 = vector.shape_cast %dot_general3A_36 : vector<1000x1xf32> to vector<1000x1xf32>
    %broadcast_in_dim3A_43 = vector.broadcast %broadcast_in_dim3A_42 : vector<1000x1xf32> to vector<1000x16xf32>
    %swap3A_44 = arith.constant 0 : index
    %swap3A_45 = arith.constant 0 : index
    %swap3A_46 = vector.load %arg9[%swap3A_44, %swap3A_45] : memref<1000x16xf32, #tpu.memory_space<vmem>>, vector<1000x16xf32>
    tpu.vector_store %arg9[%swap3A_44, %swap3A_45], %broadcast_in_dim3A_43 {strides = array<i32>} : memref<1000x16xf32, #tpu.memory_space<vmem>>, vector<1000x16xf32>,
    return
  }
  func.func @transform_0(%arg0: i32) -> (i32, i32) {
    %c0_i32 = arith.constant 0 : i32
    %c0_i32_0 = arith.constant 0 : i32
    return %arg0, %c0_i32 : i32, i32
  }
  func.func @transform_1(%arg0: i32) -> (i32, i32) {
    %c0_i32 = arith.constant 0 : i32
    %c0_i32_0 = arith.constant 0 : i32
    return %arg0, %c0_i32 : i32, i32
  }
  func.func @transform_2(%arg0: i32) -> (i32, i32) {
    %c0_i32 = arith.constant 0 : i32
    %c0_i32_0 = arith.constant 0 : i32
    %c0_i32_1 = arith.constant 0 : i32
    return %c0_i32, %c0_i32_0 : i32, i32
  }
  func.func @transform_3(%arg0: i32) -> (i32, i32) {
    %c0_i32 = arith.constant 0 : i32
    %c0_i32_0 = arith.constant 0 : i32
    %c0_i32_1 = arith.constant 0 : i32
    return %c0_i32, %c0_i32_0 : i32, i32
  }
  func.func @transform_4(%arg0: i32) -> (i32, i32) {
    %c0_i32 = arith.constant 0 : i32
    %c0_i32_0 = arith.constant 0 : i32
    %c0_i32_1 = arith.constant 0 : i32
    return %c0_i32, %c0_i32_0 : i32, i32
  }
  func.func @transform_5(%arg0: i32) -> (i32, i32) {
    %c0_i32 = arith.constant 0 : i32
    %c0_i32_0 = arith.constant 0 : i32
    %c0_i32_1 = arith.constant 0 : i32
    return %c0_i32, %c0_i32_0 : i32, i32
  }
  func.func @transform_6(%arg0: i32) -> (i32, i32) {
    %c0_i32 = arith.constant 0 : i32
    %c0_i32_0 = arith.constant 0 : i32
    %c0_i32_1 = arith.constant 0 : i32
    return %c0_i32, %c0_i32_0 : i32, i32
  }
  func.func @transform_7(%arg0: i32) -> (i32, i32) {
    %c0_i32 = arith.constant 0 : i32
    %c0_i32_0 = arith.constant 0 : i32
    return %arg0, %c0_i32 : i32, i32
  }
  func.func @transform_8(%arg0: i32) -> (i32, i32) {
    %c0_i32 = arith.constant 0 : i32
    %c0_i32_0 = arith.constant 0 : i32
    return %arg0, %c0_i32 : i32, i32
  }
}

module attributes {stable_mosaic.version = 14 : i64} {
  func.func @_tc_c_body(%arg0: i32, %arg1: memref<1000x48xf32, #tpu.memory_space<vmem>>, %arg2: memref<1000x48xf32, #tpu.memory_space<vmem>>, %arg3: memref<1x40xf32, #tpu.memory_space<vmem>>, %arg4: memref<1000x40xf32, #tpu.memory_space<vmem>>) attributes {dimension_semantics = [#tpu.dimension_semantics<arbitrary>], iteration_bounds = array<i64: 10>, scalar_prefetch = 0 : i64, scratch_operands = 0 : i64, tpu.core_type = #tpu.core_type<tc>, window_params = [{transform_indices = @transform_0, window_bounds = array<i64: 1000, 48>}, {transform_indices = @transform_1, window_bounds = array<i64: 1000, 48>}, {pipeline_mode = #tpu.pipeline_mode<synchronous>, transform_indices = @transform_2, window_bounds = array<i64: 1, 40>}, {transform_indices = @transform_3, window_bounds = array<i64: 1000, 40>}]} {
    %get3A = arith.constant 0 : index
    %get3A_0 = arith.constant 0 : index
    %get3A_1 = vector.load %arg1[%get3A, %get3A_0] : memref<1000x48xf32, #tpu.memory_space<vmem>>, vector<1000x48xf32>
    %get3A_2 = arith.constant 0 : index
    %get3A_3 = arith.constant 0 : index
    %get3A_4 = vector.load %arg2[%get3A_2, %get3A_3] : memref<1000x48xf32, #tpu.memory_space<vmem>>, vector<1000x48xf32>
    %add3A = arith.addf %get3A_1, %get3A_4 : vector<1000x48xf32>
    %slice3A = vector.extract_strided_slice %add3A {offsets = [0, 40], sizes = [1000, 1], strides = [1, 1]} : vector<1000x48xf32> to vector<1000x1xf32>
    %add3A_5 = arith.constant 1.000000e-16 : f32
    %add3A_6 = vector.broadcast %add3A_5 : f32 to vector<1000x1xf32>
    %add3A_7 = arith.addf %slice3A, %add3A_6 : vector<1000x1xf32>
    %slice3A_8 = vector.extract_strided_slice %add3A {offsets = [0, 0], sizes = [1000, 40], strides = [1, 1]} : vector<1000x48xf32> to vector<1000x40xf32>
    %div3A = vector.broadcast %add3A_7 : vector<1000x1xf32> to vector<1000x40xf32>
    %div3A_9 = arith.divf %slice3A_8, %div3A : vector<1000x40xf32>
    %get3A_10 = arith.constant 0 : index
    %get3A_11 = arith.constant 0 : index
    %get3A_12 = vector.load %arg3[%get3A_10, %get3A_11] : memref<1x40xf32, #tpu.memory_space<vmem>>, vector<1x40xf32>
    %add3A_13 = vector.broadcast %get3A_12 : vector<1x40xf32> to vector<1000x40xf32>
    %add3A_14 = arith.addf %div3A_9, %add3A_13 : vector<1000x40xf32>
    %swap3A = arith.constant 0 : index
    %swap3A_15 = arith.constant 0 : index
    %swap3A_16 = vector.load %arg4[%swap3A, %swap3A_15] : memref<1000x40xf32, #tpu.memory_space<vmem>>, vector<1000x40xf32>
    tpu.vector_store %arg4[%swap3A, %swap3A_15], %add3A_14 {strides = array<i32>} : memref<1000x40xf32, #tpu.memory_space<vmem>>, vector<1000x40xf32>,
    return
  }
  func.func @transform_0(%arg0: i32) -> (i32, i32) {
    %c0_i32 = arith.constant 0 : i32
    %c0_i32_0 = arith.constant 0 : i32
    return %arg0, %c0_i32 : i32, i32
  }
  func.func @transform_1(%arg0: i32) -> (i32, i32) {
    %c0_i32 = arith.constant 0 : i32
    %c0_i32_0 = arith.constant 0 : i32
    return %arg0, %c0_i32 : i32, i32
  }
  func.func @transform_2(%arg0: i32) -> (i32, i32) {
    %c0_i32 = arith.constant 0 : i32
    %c0_i32_0 = arith.constant 0 : i32
    %c0_i32_1 = arith.constant 0 : i32
    return %c0_i32, %c0_i32_0 : i32, i32
  }
  func.func @transform_3(%arg0: i32) -> (i32, i32) {
    %c0_i32 = arith.constant 0 : i32
    %c0_i32_0 = arith.constant 0 : i32
    return %arg0, %c0_i32 : i32, i32
  }
}

</mosaic_0001>

<sc_bundles>
// kernel: kernel.10.cloned.1.call-start
scs
__scs_entry_jumppad:
0x0: {  	(pc) =	sbr.rel $0x88, $3  }
0x1: {  	(tag) =	ssettag $0x0;
	lr =	simm.s32 $0x1  }
0x2: {  	[smem:$0x3F97] =	sst lr;
	_ =	strace $0xD0000000  }
0x3: {  	_ = 	snop  }
0x4: {  	_ = 	snop  }
0x5: {  	_ = 	snop  }
0x6: {  	_ = 	snop  }
0x7: {  	_ = 	snop  }
__scs_overlays_trampoline_lowered:
0x8: {  	[smem:$0x3FA6] =	sst s0  }
0x9: {  	[smem:$0x3FA7] =	sst s1  }
0xa: {  	[smem:$0x3FA8] =	sst s2  }
0xb: {  	[smem:$0x3FA9] =	sst s3  }
0xc: {  	[smem:$0x3FAA] =	sst s4  }
0xd: {  	[smem:$0x3FAB] =	sst s5  }
0xe: {  	[smem:$0x3FAC] =	sst s6  }
0xf: {  	[smem:$0x3FAD] =	sst s7  }
0x10: {  	[smem:$0x3FAE] =	sst s8  }
0x11: {  	[smem:$0x3FAF] =	sst s9;
	s0 =	simm.s32 @!p0 $0x0  }
0x12: {  	s1 =	sld [smem:$0x3F95];
	s0 =	simm.s32 @p0 $0x1  }
0x13: {  	[smem:$0x3FB0] =	sst s0;
	s0 =	simm.s32 @!p1 $0x0  }
0x14: {  	s2 =	sld [smem:$0x3F94];
	s0 =	simm.s32 @p1 $0x1  }
0x15: {  	[smem:$0x3FB1] =	sst s0;
	s0 =	simm.s32 @!p2 $0x0  }
0x16: {  	s3 =	sld [smem:$0x3FDB];
	s0 =	simm.s32 @p2 $0x1  }
0x17: {  	s4 =	simm.s32 $0x1BF5;
	[smem:$0x3FB3] =	sst s0  }
0x18: {  	s0 =	sld [smem:$0x3F96];
	_ =	swait.ge [sflag:s4], $0x0  }
0x19: {  	s7 =	sld [smem:$0x3F97]  }
0x1a: {  	s8 =	sadd.s32 $0xFFFFE003, lr  }
0x1b: {  	s9 =	sadd.s32 $0xFFFFFEF7, lr;
	s5 =	simm.s32 $0xFFFFFFFF;
	p2 =	slt.u32 s8, $0xFFFFF086  }
0x1c: {  	p1 =	slt.u32 s9, $0xF7A;
	s5 =	simm.s32 @!p2 $0x0  }
0x1d: {  	s5 =	simm.s32 @p1 $0x1;
	p0 =	seq.s32 s7, s2  }
0x1e: {  	s7 =	smul.u32 @!p0 $0xF7A, s2;
	p2 =	seq.s32 @!p0 s5, $0x0  }
0x1f: {  	s9 =	smul.u32 $0xF7A, s1;
	s8 =	simm.s32 @!p0 $0x1BF5;
	p2 =	por !p2, p0  }
0x20: {  	[sflag:s8] =	ssyncset.s32 @!p0 $0xFFFFF086;
	s6 =	sadd.s32 @!p0 s3, s7;
	s7 =	simm.s32 @!p0 $0x108  }
0x21: {  	s3 =	sadd.s32 s3, s9;
	s6 =	sadd.s32 @!p0 $0x88, s6;
	s7 =	simm.s32 @p2 $0x1082  }
0x22: {  	[simem:s7], [sflag:s8] =	dma.local @!p0 [hbm:s6], $0xF7A  }
0x23: {  	s9 =	sor.u32 $0xD0000000, s2;
	s6 =	simm.s32 $0x108;
	_ =	swait.ge @!p0 [sflag:s8], $0x0  }
0x24: {  	s3 =	sadd.s32 $0x88, s3;
	s6 =	simm.s32 @!p1 $0x1082;
	[sflag:s4] =	ssyncset.s32 $0xFFFFF086  }
0x25: {  	[simem:s6], [sflag:s4] =	dma.local [hbm:s3], $0xF7A  }
0x26: {  	[smem:$0x3F97] =	sst s1;
	(tag) =	ssettag s2;
	_ =	strace s9  }
0x27: {  	s1 =	sld [smem:$0x3FA7]  }
0x28: {  	s2 =	sld [smem:$0x3FA8]  }
0x29: {  	s4 =	sld [smem:$0x3FAA]  }
0x2a: {  	p0 =	seq.s32 s5, $0x0;
	s5 =	sld [smem:$0x3FAB]  }
0x2b: {  	s6 =	sld [smem:$0x3FAC]  }
0x2c: {  	s7 =	sld [smem:$0x3FAD]  }
0x2d: {  	s3 =	simm.s32 $0x108;
	s8 =	sld [smem:$0x3FAE]  }
0x2e: {  	s3 =	simm.s32 @!p0 $0x1082;
	s9 =	sld [smem:$0x3FAF]  }
0x2f: {  	lr =	sadd.s32 s0, s3;
	s0 =	sld [smem:$0x3FA6]  }
0x30: {  	s3 =	sld [smem:$0x3FA9]  }
0x31: {  	[smem:$0x3FB2] =	sst s10  }
0x32: {  	s10 =	sld [smem:$0x3FB0];
	_ =	sdelay $0x3  }
0x33: {  	p0 =	seq.s32 s10, $0x1;
	s10 =	sld [smem:$0x3FB2];
	_ =	sdelay $0x3  }
0x34: {  	[smem:$0x3FB2] =	sst s10  }
0x35: {  	s10 =	sld [smem:$0x3FB1];
	_ =	sdelay $0x3  }
0x36: {  	p1 =	seq.s32 s10, $0x1;
	s10 =	sld [smem:$0x3FB2];
	_ =	sdelay $0x3  }
0x37: {  	[smem:$0x3FB2] =	sst s10  }
0x38: {  	s10 =	sld [smem:$0x3FB3]  }
0x39: {  	_ = 	snop;
	(pc) =	sbr.ind lr, $3  }
0x3a: {  	_ = 	snop  }
0x3b: {  	_ = 	snop  }
0x3c: {  	p2 =	seq.s32 s10, $0x1;
	s10 =	sld [smem:$0x3FB2]  }
0x3d: {  	_ =	shalt  }
0x3e: {  	_ =	shalt  }
0x3f: {  	_ =	shalt  }
0x40: {  	_ =	shalt  }
0x41: {  	_ =	shalt  }
0x42: {  	_ =	shalt  }
0x43: {  	_ =	shalt  }
0x44: {  	_ =	shalt  }
0x45: {  	_ =	shalt  }
0x46: {  	_ =	shalt  }
0x47: {  	_ =	shalt  }
0x48: {  	_ =	shalt  }
0x49: {  	_ =	shalt  }
0x4a: {  	_ =	shalt  }
0x4b: {  	_ =	shalt  }
0x4c: {  	_ =	shalt  }
0x4d: {  	_ =	shalt  }
0x4e: {  	_ =	shalt  }
0x4f: {  	_ =	shalt  }
0x50: {  	_ =	shalt  }
0x51: {  	_ =	shalt  }
0x52: {  	_ =	shalt  }
0x53: {  	_ =	shalt  }
0x54: {  	_ =	shalt  }
0x55: {  	_ =	shalt  }
0x56: {  	_ =	shalt  }
0x57: {  	_ =	shalt  }
0x58: {  	_ =	shalt  }
0x59: {  	_ =	shalt  }
0x5a: {  	_ =	shalt  }
0x5b: {  	_ =	shalt  }
0x5c: {  	_ =	shalt  }
0x5d: {  	_ =	shalt  }
0x5e: {  	_ =	shalt  }
0x5f: {  	_ =	shalt  }
0x60: {  	_ =	shalt  }
0x61: {  	_ =	shalt  }
0x62: {  	_ =	shalt  }
0x63: {  	_ =	shalt  }
0x64: {  	_ =	shalt  }
0x65: {  	_ =	shalt  }
0x66: {  	_ =	shalt  }
0x67: {  	_ =	shalt  }
0x68: {  	_ =	shalt  }
0x69: {  	_ =	shalt  }
0x6a: {  	_ =	shalt  }
0x6b: {  	_ =	shalt  }
0x6c: {  	_ =	shalt  }
0x6d: {  	_ =	shalt  }
0x6e: {  	_ =	shalt  }
0x6f: {  	_ =	shalt  }
0x70: {  	_ =	shalt  }
0x71: {  	_ =	shalt  }
0x72: {  	_ =	shalt  }
0x73: {  	_ =	shalt  }
0x74: {  	_ =	shalt  }
0x75: {  	_ =	shalt  }
0x76: {  	_ =	shalt  }
0x77: {  	_ =	shalt  }
0x78: {  	_ =	shalt  }
0x79: {  	_ =	shalt  }
0x7a: {  	_ =	shalt  }
0x7b: {  	_ =	shalt  }
0x7c: {  	_ =	shalt  }
0x7d: {  	_ =	shalt  }
0x7e: {  	_ =	shalt  }
0x7f: {  	_ =	shalt  }
0x80: {  	_ =	shalt  }
0x81: {  	_ =	shalt  }
0x82: {  	_ =	shalt  }
0x83: {  	_ =	shalt  }
0x84: {  	_ =	shalt  }
0x85: {  	_ =	shalt  }
0x86: {  	_ =	shalt  }
0x87: {  	_ =	shalt  }
.Lfunc_end0:
.L_simem_size_0:
called_computation.1_lowered:
.L_overlay_start_0:
0x88: {  	s2 =	sld [smem:$0x3FD9]  }
0x89: {  	s3 =	sld [smem:$0x3FFE];
	_ =	sdelay $0x1  }
0x8a: {  	s1 =	srdreg.scid  }
0x8b: {  	s0 =	sand.u32 $0x1, s1  }
0x8c: {  	s17 =	sshll.u32 s0, $0xA;
	s2 =	sadd.s32 s3, s2  }
0x8d: {  	s2 =	sadd.s32 s2, s17  }
0x8e: {  	[smem:$0x3FBE] =	sst s2  }
0x8f: {  	_ = 	snop  }
0x90: {  	s2 =	sld [smem:$0x3FD0];
	(tm) =	ssettm $0x1  }
0x91: {  	s18 =	sld [smem:$0x3FFB];
	_ =	sdelay $0x3  }
0x92: {  	_ =	strace s18  }
0x93: {  	s3 =	sld [smem:$0x3FFC];
	_ =	sdelay $0x3  }
0x94: {  	_ =	strace s3  }
0x95: {  	s3 =	sld [smem:$0x3FFD];
	_ =	sdelay $0x3  }
0x96: {  	_ =	strace s3  }
0x97: {  	_ =	strace $0x8FFFFFFF  }
0x98: {  	s19 =	sld [smem:$0x3FDB];
	_ =	sdelay $0x1  }
0x99: {  	s4 =	simm.s32 $_scs_section_size  }
0x9a: {  	s5 =	simm.s32 $_size__tile_overlayer_lowered;
	s6 =	simm.s32 $_tile_overlayer_lowered  }
0x9b: {  	s22 =	simm.s32 $0x1BFF;
	s21 =	sshll.u32 s6, $0x1;
	s3 =	sadd.s32 s4, s19  }
0x9c: {  	s7 =	simm.s32 $0x0;
	s20 =	sshll.u32 s5, $0x1;
	s5 =	sadd.s32 s21, s3  }
0x9d: {  	[timem:s7], [sflag:s22] =	dma.local [hbm:s5], s20  }
0x9e: {  	_ =	swait.ge [sflag:s22], s20  }
0x9f: {  	s4 =	ssub.s32 $0x0, s20;
	[sflag:s22] =	ssyncset.done $0x0  }
0xa0: {  	[sflag:s22] =	ssyncadd.s32 s4;
	_ =	sdelay $0x1  }
0xa1: {  	s23 =	simm.s32 $0x1B8B  }
0xa2: {  	_ =	swait.ge [sflag:s23], $0x1  }
0xa3: {  	[sflag:s23] =	ssyncset.done $0x0  }
0xa4: {  	s25 =	simm.s32 $0x1B8E;
	s24 =	sld [smem:$0x3FFE];
	[sflag:s23] =	ssyncadd.s32 $0xFFFFFFFF  }
0xa5: {  	s26 =	simm.s32 $execute0_lowered;
	[smem:$0x3FD2] =	sst s25  }
0xa6: {  	s5 =	sshll.u32 s26, $0x1;
	_ =	strace $0x80000049;
	[dreg:$0x1] =	wrdreg $0xFFFFFFFF  }
0xa7: {  	s28 =	simm.s32 $_size_execute0_lowered;
	s3 =	sadd.s32 s3, s5;
	[dreg:$0x0] =	wrdreg $0x0  }
0xa8: {  	s5 =	sshll.u32 s28, $0x1;
	[dreg:$0x2] =	wrdreg s3  }
0xa9: {  	[dreg:$0x3] =	wrdreg s5  }
0xaa: {  	[dreg:$0x4] =	wrdreg $0xC0  }
0xab: {  	_ =	task [dreg:s7], $0x5FFFF  }
0xac: {  	[dreg:$0x1] =	wrdreg $0xFFFFFFFF  }
0xad: {  	[dreg:$0x0] =	wrdreg $0x60  }
0xae: {  	[dreg:$0x2] =	wrdreg s24  }
0xaf: {  	[dreg:$0x3] =	wrdreg s2  }
0xb0: {  	[dreg:$0x4] =	wrdreg $0x2E900  }
0xb1: {  	[dreg:$0x5] =	wrdreg $0x9  }
0xb2: {  	_ =	task.clear_ibuf [dreg:s7], $0x6FFFF;
	_ =	strace $0x90000049  }
0xb3: {  	s29 =	simm.s32 $0x9;
	_ =	strace $0x8000004B  }
0xb4: {  	_ =	swait.ge [sflag:s29], $0x1  }
0xb5: {  	[sflag:s29] =	ssyncadd.s32 $0xFFFFFFFF  }
0xb6: {  	_ =	strace $0x9000004B  }
0xb7: {  	_ =	sfence  }
0xb8: {  	s30 =	sld [smem:$0x0];
	_ =	sdelay $0x2  }
0xb9: {  	s31 =	sshll.u32 s1, $0xD;
	s1 =	sshrl.u32 s1, $0x2  }
0xba: {  	s3 =	sand.u32 $0x4000, s31;
	s1 =	sadd.s32 s1, s30  }
0xbb: {  	s0 =	sor.u32 s3, s0;
	s1 =	sshll.u32 s1, $0x11  }
0xbc: {  	s0 =	sor.u32 s1, s0  }
0xbd: {  	s0 =	sadd.s32 $0x8F2B, s0  }
0xbe: {  	[sflag:s0] =	ssyncadd.remote.s32 $0x1  }
0xbf: {  	_ =	sfence.sel $0xFFFF  }
0xc0: {  	[dreg:$0x0] =	wrdreg $0xFFFFFFFF;
	(pc) =	sbr.abs _section_cstart, $3  }
0xc1: {  	[dreg:$0x1] =	wrdreg $0xFFFFFFFF  }
0xc2: {  	_ =	task.clear_ibuf [dreg:s7], $0x2FFFF;
	_ =	strace $0x9FFFFFFF  }
0xc3: {  	(tm) =	ssettm $0x7FFFFFFF  }
tec
execute0_lowered:
.L_overlay_start_1:
0x0: {  	(tag) =	ssettag $0x1  }
0x1: {  	s0 =	rddreg [dreg:$0x0]  }
0x2: {  	s1 =	rddreg [dreg:$0x1]  }
0x3: {  	s2 =	rddreg [dreg:$0x2]  }
0x4: {  	s4 =	simm.s32 $0x0;
	s3 =	srdreg.scid;
	s13 =	stileid.u32  }
0x5: {  	s15 =	simm.s32 $0xA0;
	s18 =	simm.s32 $0x50;
	s28 =	simm.s32 $0x2  }
0x6: {  	s29 =	simm.s32 $0x4;
	s30 =	simm.s32 $0x10E0;
	s31 =	simm.s32 $0x24E0  }
0x7: {  	s17 =	simm.s32 $0x9;
	[smem:$0x7FF] =	sst s4;
	s8 =	smul.u32 $0x7530, s13  }
0x8: {  	s3 =	sand.u32 $0x1, s3;
	s9 =	sshll.u32 s13, $0x1;
	s24 =	smul.u32 $0x1D4C0, s13  }
0x9: {  	s5 =	sadd.s32 $0x32A00, s0;
	s19 =	smul.u32 $0x75300, s3;
	s9 =	sor.u32 s3, s9  }
0xa: {  	s6 =	sadd.s32 $0x1A00, s0;
	s7 =	sadd.s32 $0x10600, s0;
	s10 =	smul.u32 $0x2710, s9  }
0xb: {  	_ =	strace $0x8000004A;
	s3 =	ssub.s32 $0x2, s3;
	s12 =	smul.u32 $0x4E2, s9  }
0xc: {  	s11 =	sshrl.u32 s3, $0x1;
	s9 =	smul.u32 $0x7D, s9;
	s25 =	sadd.s32 s8, s2  }
0xd: {  	s26 =	sshrl.u32 s24, $0x2;
	s24 =	simm.s32 $0x1E0;
	s4 =	sadd.s32 s8, s19  }
0xe: {  	s3 =	ssub.s32 s3, s11;
	s16 =	sadd.s32 s26, s2;
	s19 =	simm.s32 $0xF0  }
0xf: {  	s26 =	simm.s32 $0x7;
	s8 =	simm.s32 $0x6;
	s11 =	simm.s32 $0x0  }
0x10: {  	s4 =	sshrl.u32 s4, $0x3;
	s20 =	sshrl.u32 s10, $0x3;
	s21 =	sadd.s32 s5, s12  }
0x11: {  	s22 =	sadd.s32 s1, s12;
	s12 =	sadd.s32 $0x2, s9;
	s13 =	sadd.s32 $0x3, s9  }
0x12: {  	s3 =	smax.u32 s3, $0x1;
	s9 =	simm.s32 $0x8;
	[dreg:$0x4] =	wrdreg s21  }
0x13: {  	s0 =	sadd.s32 s4, s0;
	s4 =	sadd.s32 $0xA, s20;
	[dreg:$0x5] =	wrdreg s22  }
.Ltmp0:
0x14: {  	[dreg:$0x9] =	wrdreg s3;
	s23 =	sadd.s32 s5, s4;
	(pc) =	sbr.rel .LBB2_1-.Ltmp0, $4  }
0x15: {  	s10 =	simm.s32 $0x190;
	s4 =	sadd.s32 s1, s4;
	[dreg:$0x6] =	wrdreg s23  }
0x16: {  	s20 =	simm.s32 $0x29E0;
	s0 =	sadd.s32 $0x3C800, s0;
	[dreg:$0x7] =	wrdreg s4  }
0x17: {  	s21 =	simm.s32 $0xB;
	[dreg:$0x8] =	wrdreg s0;
	s0 =	sshrl.u32 s25, $0x3  }
0x18: {  	v0 =	vimm.f32 $0.0e+00;
	s4 =	simm.s32 $0x140;
	[dreg:$0xa] =	wrdreg s0;
	s0 =	simm.s32 $0x5  }
.LBB2_11:
0x19: {  	_ =	swait.ge [sflag:s17], $0xF00  }
0x1a: {  	[sflag:s17] =	ssyncset.done $0x0  }
0x1b: {  	[sflag:s17] =	ssyncadd.s32 $0xFFFFF100  }
0x1c: {  	s3 =	stileid.u32;
	[bflag:$0x0] =	sbarrier.arrive $0xFFFF  }
0x1d: {  	s3 =	sshll.u32 s3, $0x6;
	s11 =	rddreg [dreg:$0x8]  }
0x1e: {  	s3 =	sor.u32 $0x1C0B, s3;
	s14 =	rddreg [dreg:$0xa]  }
0x1f: {  	[hbm:s11], [sflag:s3] =	dma.local [spmem:s14], $0xEA6  }
0x20: {  	_ =	swait.ge [sflag:s21], $0xEA6  }
0x21: {  	s23 =	rddreg [dreg:$0xb]  }
0x22: {  	s25 =	rddreg [dreg:$0x9];
	s11 =	sadd.s32 $0x1, s23  }
0x23: {  	p0 =	sne.s32 s11, s25  }
.Ltmp1:
0x24: {  	_ = 	snop;
	(pc) =	sbr.rel @!p0 .LBB2_12-.Ltmp1, $3  }
0x25: {  	_ =	sdelay $0x1  }
0x26: {  	[sflag:s21] =	ssyncset.done $0x0  }
0x27: {  	s15 =	simm.s32 $0xA0;
	[sflag:s21] =	ssyncadd.s32 $0xFFFFF15A  }
.LBB2_1:
0x28: {  	s3 =	simm.s32 $0x0;
	s25 =	rddreg [dreg:$0x4]  }
0x29: {  	[tilespmem:s3], [sflag:$0x1] =	stream.linear.gather [hbm4b:s25+s3], $0x50, $0x38;
	[tilespmem:$0xA3C0] =	vst v63  }
0x2a: {  	s14 =	rddreg [dreg:$0x5]  }
0x2b: {  	[tilespmem:s15], [sflag:$0x3] =	stream.linear.gather [hbm4b:s14+s3], $0x50, $0x38;
	[tilespmem:$0xA3C0] =	vst v63  }
0x2c: {  	s22 =	rddreg [dreg:$0x6]  }
0x2d: {  	[tilespmem:s18], [sflag:$0x2] =	stream.linear.gather [hbm4b:s22+s3], $0x50, $0x38;
	[tilespmem:$0xA3C0] =	vst v63  }
0x2e: {  	s23 =	rddreg [dreg:$0x7]  }
0x2f: {  	[tilespmem:s19], [sflag:$0x4] =	stream.linear.gather [hbm4b:s23+s3], $0x50, $0x38;
	[tilespmem:$0xA3C0] =	vst v63  }
0x30: {  	[tilespmem:$0x29E0] =	vst v0  }
0x31: {  	[tilespmem:$0x29F0] =	vst v0  }
0x32: {  	[tilespmem:$0x2A00] =	vst v0  }
0x33: {  	[tilespmem:$0x2A10] =	vst v0  }
0x34: {  	[tilespmem:$0x2A20] =	vst v0  }
0x35: {  	[tilespmem:$0x2A30] =	vst v0  }
0x36: {  	[tilespmem:$0x2A40] =	vst v0  }
0x37: {  	[tilespmem:$0x2A50] =	vst v0  }
0x38: {  	[tilespmem:$0x2A60] =	vst v0  }
0x39: {  	[tilespmem:$0x2A70] =	vst v0  }
0x3a: {  	[tilespmem:$0x2A80] =	vst v0  }
0x3b: {  	[tilespmem:$0x2A90] =	vst v0  }
0x3c: {  	[tilespmem:$0x2AA0] =	vst v0  }
0x3d: {  	[tilespmem:$0x2AB0] =	vst v0  }
0x3e: {  	[tilespmem:$0x2AC0] =	vst v0  }
0x3f: {  	[tilespmem:$0x2AD0] =	vst v0  }
0x40: {  	[tilespmem:$0x2AE0] =	vst v0  }
0x41: {  	[tilespmem:$0x2AF0] =	vst v0  }
0x42: {  	[tilespmem:$0x2B00] =	vst v0  }
0x43: {  	[tilespmem:$0x2B10] =	vst v0  }
0x44: {  	[tilespmem:$0x2B20] =	vst v0  }
0x45: {  	[tilespmem:$0x2B30] =	vst v0  }
0x46: {  	[tilespmem:$0x2B40] =	vst v0  }
0x47: {  	[tilespmem:$0x2B50] =	vst v0  }
0x48: {  	[tilespmem:$0x2B60] =	vst v0  }
0x49: {  	[tilespmem:$0x2B70] =	vst v0  }
0x4a: {  	[tilespmem:$0x2B80] =	vst v0  }
0x4b: {  	[tilespmem:$0x2B90] =	vst v0  }
0x4c: {  	[tilespmem:$0x2BA0] =	vst v0  }
0x4d: {  	[tilespmem:$0x2BB0] =	vst v0  }
0x4e: {  	[tilespmem:$0x2BC0] =	vst v0  }
0x4f: {  	[tilespmem:$0x2BD0] =	vst v0  }
0x50: {  	[tilespmem:$0x2BE0] =	vst v0  }
0x51: {  	[tilespmem:$0x2BF0] =	vst v0  }
0x52: {  	[tilespmem:$0x2C00] =	vst v0  }
0x53: {  	[tilespmem:$0x2C10] =	vst v0  }
0x54: {  	[tilespmem:$0x2C20] =	vst v0  }
0x55: {  	[tilespmem:$0x2C30] =	vst v0  }
0x56: {  	[tilespmem:$0x2C40] =	vst v0  }
0x57: {  	[tilespmem:$0x2C50] =	vst v0  }
0x58: {  	[tilespmem:$0x2C60] =	vst v0  }
0x59: {  	[tilespmem:$0x2C70] =	vst v0  }
0x5a: {  	[tilespmem:$0x2C80] =	vst v0  }
0x5b: {  	[tilespmem:$0x2C90] =	vst v0  }
0x5c: {  	[tilespmem:$0x2CA0] =	vst v0  }
0x5d: {  	[tilespmem:$0x2CB0] =	vst v0  }
0x5e: {  	[tilespmem:$0x2CC0] =	vst v0  }
0x5f: {  	[tilespmem:$0x2CD0] =	vst v0  }
0x60: {  	[tilespmem:$0x2CE0] =	vst v0  }
0x61: {  	[tilespmem:$0x2CF0] =	vst v0  }
0x62: {  	[tilespmem:$0x2D00] =	vst v0  }
0x63: {  	[tilespmem:$0x2D10] =	vst v0  }
0x64: {  	[tilespmem:$0x2D20] =	vst v0  }
0x65: {  	[tilespmem:$0x2D30] =	vst v0  }
0x66: {  	[tilespmem:$0x2D40] =	vst v0  }
0x67: {  	[tilespmem:$0x2D50] =	vst v0  }
0x68: {  	[tilespmem:$0x2D60] =	vst v0  }
0x69: {  	[tilespmem:$0x2D70] =	vst v0  }
0x6a: {  	[tilespmem:$0x2D80] =	vst v0  }
0x6b: {  	[tilespmem:$0x2D90] =	vst v0  }
0x6c: {  	[tilespmem:$0x2DA0] =	vst v0  }
0x6d: {  	[tilespmem:$0x2DB0] =	vst v0  }
0x6e: {  	[tilespmem:$0x2DC0] =	vst v0  }
0x6f: {  	[tilespmem:$0x2DD0] =	vst v0  }
0x70: {  	[tilespmem:$0x2DE0] =	vst v0  }
0x71: {  	[tilespmem:$0x2DF0] =	vst v0  }
0x72: {  	[tilespmem:$0x2E00] =	vst v0  }
0x73: {  	[tilespmem:$0x2E10] =	vst v0  }
0x74: {  	[tilespmem:$0x2E20] =	vst v0  }
0x75: {  	[tilespmem:$0x2E30] =	vst v0  }
0x76: {  	[tilespmem:$0x2E40] =	vst v0  }
0x77: {  	[tilespmem:$0x2E50] =	vst v0  }
0x78: {  	[tilespmem:$0x2E60] =	vst v0  }
0x79: {  	[tilespmem:$0x2E70] =	vst v0  }
0x7a: {  	[dreg:$0xb] =	wrdreg s11;
	s25 =	sadd.s32 $0x0, s16;
	[tilespmem:$0x2E80] =	vst v0  }
0x7b: {  	[spmem:s25] =	stream.linear.scatter [tilespmem:s20], [sflag:$0xB], $0x4B0, $0x38;
	[tilespmem:$0xA3C0] =	vst v63  }
0x7c: {  	s3 =	simm.s32 $0x12C0;
	_ =	swait.ge [sflag:s21], $0x4B0  }
.LBB2_2:
0x7d: {  	s11 =	sshra.s32 s3, $0x2;
	[sflag:s21] =	ssyncset.done $0x0;
	p0 =	sne.s32 s3, $0x1C200  }
.Ltmp2:
0x7e: {  	s11 =	sadd.s32 s11, s16;
	[sflag:s21] =	ssyncadd.s32 $0xFFFFFB50;
	(pc) =	sbr.rel @p0 .LBB2_2-.Ltmp2, $3  }
0x7f: {  	[spmem:s11] =	stream.linear.scatter [tilespmem:s20], [sflag:$0xB], $0x4B0, $0x38;
	[tilespmem:$0xA3C0] =	vst v63  }
0x80: {  	s3 =	sadd.s32 $0x12C0, s3;
	_ =	sdelay $0x1  }
0x81: {  	_ =	swait.ge [sflag:s21], $0x4B0  }
0x82: {  	[sflag:s21] =	ssyncset.done $0x0  }
0x83: {  	s3 =	simm.s32 $0x1;
	[sflag:s21] =	ssyncadd.s32 $0xFFFFFB50  }
0x84: {  	_ =	swait.ge [sflag:s3], $0x50  }
0x85: {  	[sflag:s3] =	ssyncset.done $0x0  }
0x86: {  	s23 =	simm.s32 $0x3;
	[sflag:s3] =	ssyncadd.s32 $0xFFFFFFB0  }
0x87: {  	_ =	swait.ge [sflag:s23], $0x50  }
0x88: {  	[sflag:s23] =	ssyncset.done $0x0  }
0x89: {  	s14 =	simm.s32 $0x0;
	[sflag:s23] =	ssyncadd.s32 $0xFFFFFFB0  }
0x8a: {  	[tilespmem:s24], [sflag:$0x5] =	stream.indirect.gather [hbm4b:s6+s18], $0x30, s14, s18, $0xb8;
	[tilespmem:$0xA3C0] =	vst v63  }
.Ltmp3:
0x8b: {  	_ = 	snop;
	(pc) =	sbr.rel .LBB2_4-.Ltmp3, $3  }
0x8c: {  	s25 =	simm.s32 $0x1FE0  }
0x8d: {  	[tilespmem:s25], [sflag:$0x7] =	stream.indirect.gather [hbm4b:s7+s18], $0x10, s15, s18, $0xb8;
	[tilespmem:$0xA3C0] =	vst v63  }
0x8e: {  	[bflag:$0x0] =	sbarrier.arrive $0xFFFF;
	_ =	sdelay $0x1  }
.LBB2_10:
0x8f: {  	s14 =	sadd.s32 $0x1, s14  }
0x90: {  	p0 =	sne.s32 s14, $0x3F  }
.Ltmp4:
0x91: {  	_ = 	snop;
	(pc) =	sbr.rel @!p0 .LBB2_11-.Ltmp4, $1  }
0x92: {  	_ =	sdelay $0x3  }
.LBB2_4:
0x93: {  	p0 =	seq.s32 s14, $0x0  }
0x94: {  	s3 =	simm.s32 @!p0 $0xA  }
0x95: {  	_ =	swait.ge @!p0 [sflag:s3], $0xF00  }
0x96: {  	p1 =	sgt.u32 @!p0 s14, $0x3D;
	[sflag:s3] =	ssyncset.done @!p0 $0x0  }
0x97: {  	p2 =	por p0, !p1;
	[sflag:s3] =	ssyncadd.s32 @!p0 $0xFFFFF100  }
0x98: {  	_ =	swait.ge @p2 [sflag:s28], $0x50  }
0x99: {  	[sflag:s28] =	ssyncset.done @p2 $0x0  }
0x9a: {  	[sflag:s28] =	ssyncadd.s32 @p2 $0xFFFFFFB0  }
0x9b: {  	_ =	swait.ge @p2 [sflag:s29], $0x50  }
0x9c: {  	[sflag:s29] =	ssyncset.done @p2 $0x0  }
0x9d: {  	[sflag:s29] =	ssyncadd.s32 @p2 $0xFFFFFFB0  }
0x9e: {  	[tilespmem:s30], [sflag:$0x6] =	stream.indirect.gather @p2 [hbm4b:s6+s18], $0x30, s18, s18, $0xb8;
	[tilespmem:$0xA3C0] =	vst v63  }
0x9f: {  	_ = 	snop  }
0xa0: {  	[tilespmem:s31], [sflag:$0x8] =	stream.indirect.gather @p2 [hbm4b:s7+s18], $0x10, s19, s18, $0xb8;
	[tilespmem:$0xA3C0] =	vst v63  }
0xa1: {  	_ =	swait.ge [sflag:s0], $0xF00  }
0xa2: {  	[sflag:s0] =	ssyncset.done $0x0  }
0xa3: {  	[sflag:s0] =	ssyncadd.s32 $0xFFFFF100  }
0xa4: {  	_ =	swait.ge [sflag:s26], $0x500  }
0xa5: {  	[sflag:s26] =	ssyncset.done $0x0  }
0xa6: {  	[sflag:s26] =	ssyncadd.s32 $0xFFFFFB00  }
0xa7: {  	v1 =	vld [tilespmem:$0xA0]  }
0xa8: {  	v2 =	vld [tilespmem:$0xB0]  }
0xa9: {  	v3 =	vld [tilespmem:$0xC0]  }
0xaa: {  	v4 =	vld [tilespmem:$0xD0]  }
0xab: {  	v5 =	vld [tilespmem:$0xE0]  }
0xac: {  	s15 =	sshll.u32 s14, $0x1;
	p1 =	por @!p0 $0x0, $0x0;
	p0 =	seq.s32 s14, $0x3E;
	[tilespmem:$0x140] =	vst v1  }
0xad: {  	s3 =	sadd.s32 @!p0 s15, s12;
	[tilespmem:$0x150] =	vst v2  }
0xae: {  	s3 =	smul.u32 @!p0 $0xA, s3;
	[tilespmem:$0x160] =	vst v3  }
0xaf: {  	[tilespmem:$0x170] =	vst v4  }
0xb0: {  	s22 =	simm.s32 @!p0 $0x0;
	s11 =	sadd.s32 @!p0 s5, s3;
	[tilespmem:$0x180] =	vst v5  }
0xb1: {  	[tilespmem:s22], [sflag:$0x1] =	stream.linear.gather @!p0 [hbm4b:s11+s22], $0x50, $0x38;
	[tilespmem:$0xA3C0] =	vst v63  }
0xb2: {  	s25 =	simm.s32 $0x2A0;
	s3 =	sadd.s32 @!p0 s1, s3;
	s11 =	simm.s32 @!p0 $0xA0  }
0xb3: {  	[tilespmem:s11], [sflag:$0x3] =	stream.linear.gather @!p0 [hbm4b:s3+s22], $0x50, $0x38;
	[tilespmem:$0xA3C0] =	vst v63  }
0xb4: {  	s23 =	simm.s32 $0x2020;
	v4 =	vld [tilespmem:s25+$0xB0]  }
0xb5: {  	v1 =	vld [tilespmem:s23+$0x30]  }
0xb6: {  	v3 =	vld [tilespmem:s23+$0xFFFFFFC0]  }
0xb7: {  	v5 =	vld [tilespmem:s25+$0xFFFFFF90]  }
0xb8: {  	v6 =	vld [tilespmem:s23+$0xFFFFFFD0]  }
0xb9: {  	v10 =	vld [tilespmem:s25+$0xFFFFFFC0]  }
0xba: {  	v7 =	vld [tilespmem:s23+$0xFFFFFFE0]  }
0xbb: {  	v12 =	vld [tilespmem:s25+$0xFFFFFFF0]  }
0xbc: {  	v8 =	vld [tilespmem:s23+$0xFFFFFFF0];
	v1 =	vadd.f32 v1, v4  }
0xbd: {  	v22 =	vld [tilespmem:s25+$0x20]  }
0xbe: {  	v11 =	vld [tilespmem:s23+$0x0];
	v9 =	vmul.f32 $2.000000030e-01, v1  }
0xbf: {  	v2 =	vld [tilespmem:s25+$0x50];
	vm0 =	vge.f32 v1, $0.0e+00  }
0xc0: {  	v15 =	vld [tilespmem:s23+$0x20];
	v1 =	vsel vm0, v1, v9  }
0xc1: {  	v17 =	vld [tilespmem:s25+$0xFFFFFF50];
	v13 =	vmul.f32 $1.442695020e+00, v1  }
0xc2: {  	v20 =	vld [tilespmem:s25+$0xFFFFFF80]  }
0xc3: {  	v21 =	vld [tilespmem:s25+$0xFFFFFFB0];
	v6 =	vadd.f32 v6, v5;
	(erf) = vpow2.f32 v13  }
0xc4: {  	v7 =	vadd.f32 v7, v10;
	v13 =	vld [tilespmem:s25+$0xFFFFFF60]  }
0xc5: {  	v8 =	vadd.f32 v8, v12;
	v14 =	vmul.f32 $2.000000030e-01, v6;
	v9 =	vld [tilespmem:s23+$0x10]  }
0xc6: {  	v24 =	vld [tilespmem:s25+$0xFFFFFFD0];
	v11 =	vadd.f32 v11, v22;
	vm14 =	vge.f32 v6, $0.0e+00;
	v16 =	vmul.f32 $2.000000030e-01, v7  }
0xc7: {  	vm15 =	vge.f32 v7, $0.0e+00;
	v18 =	vmul.f32 $2.000000030e-01, v8;
	v6 =	vsel vm14, v6, v14;
	v1 =	vld [tilespmem:s25+$0x80]  }
0xc8: {  	v26 =	vld [tilespmem:s25+$0xFFFFFFE0];
	vm1 =	vge.f32 v8, $0.0e+00;
	v19 =	vmul.f32 $2.000000030e-01, v11;
	v6 =	vmul.f32 $1.442695020e+00, v6  }
0xc9: {  	v29 =	vld [tilespmem:s25+$0x0];
	v7 =	vsel vm15, v7, v16;
	v8 =	vsel vm1, v8, v18;
	v3 =	vadd.f32 v3, v13  }
0xca: {  	s22 =	simm.s32 $0x420;
	v27 =	vld [tilespmem:s25+$0x30];
	v7 =	vmul.f32 $1.442695020e+00, v7;
	(erf) = vpow2.f32 v6;
	v9 =	vadd.f32 v9, v2  }
0xcb: {  	v28 =	vld [tilespmem:s22+$0xFFFFFF90];
	vm4 =	vge.f32 v11, $0.0e+00;
	v8 =	vmul.f32 $1.442695020e+00, v8;
	v23 =	vmul.f32 $2.000000030e-01, v3  }
0xcc: {  	v54 =	vld [tilespmem:s22+$0xFFFFFF70];
	v15 =	vadd.f32 v15, v1;
	v6 =	vmul.f32 $2.000000030e-01, v9;
	vm6 =	vge.f32 v3, $0.0e+00;
	v25 =	vpop (erf)  }
0xcd: {  	v55 =	vld [tilespmem:s22+$0xFFFFFF80];
	v23 =	vsel vm6, v3, v23;
	(erf) = vpow2.f32 v7;
	v3 =	vbroadcast v25, $0x9  }
0xce: {  	v14 =	vld [tilespmem:s25+$0xFFFFFF40];
	v11 =	vsel vm4, v11, v19;
	v19 =	vmul.f32 $2.000000030e-01, v15;
	(erf) = vpow2.f32 v8  }
0xcf: {  	v16 =	vld [tilespmem:s25+$0xFFFFFF70];
	vm5 =	vge.f32 v9, $0.0e+00;
	v7 =	vmul.f32 $1.442695020e+00, v23;
	v4 =	vmul.f32 v3, v4  }
0xd0: {  	v18 =	vld [tilespmem:s25+$0xFFFFFFA0];
	v11 =	vmul.f32 $1.442695020e+00, v11;
	vm7 =	vge.f32 v15, $0.0e+00;
	v6 =	vsel vm5, v9, v6  }
0xd1: {  	s23 =	simm.s32 $0x20A0;
	v6 =	vmul.f32 $1.442695020e+00, v6;
	v8 =	vsel vm7, v15, v19;
	v15 =	vld [tilespmem:s22+$0xB0];
	(erf) = vpow2.f32 v7  }
0xd2: {  	v9 =	vmul.f32 $1.442695020e+00, v8;
	(erf) = vpow2.f32 v11;
	v11 =	vld [tilespmem:s23+$0x30]  }
0xd3: {  	[tilespmem:s25+$0xB0] =	vst v4;
	(erf) = vpow2.f32 v6;
	v6 =	vld [tilespmem:s25+$0x90];
	v4 =	vpop (erf)  }
0xd4: {  	v32 =	vld [tilespmem:s23+$0xFFFFFFD0];
	(erf) = vpow2.f32 v9;
	v9 =	vbroadcast v4, $0x9  }
0xd5: {  	v35 =	vld [tilespmem:s23+$0xFFFFFFE0]  }
0xd6: {  	v39 =	vld [tilespmem:s23+$0xFFFFFFF0];
	v19 =	vpop (erf);
	v16 =	vmul.f32 v9, v16;
	v20 =	vmul.f32 v9, v20  }
0xd7: {  	v50 =	vld [tilespmem:s23+$0x10];
	v19 =	vbroadcast v19, $0x9;
	v30 =	vmul.f32 v9, v5;
	v5 =	vpop (erf)  }
0xd8: {  	v51 =	vld [tilespmem:s23+$0x20];
	v36 =	vadd.f32 v11, v15;
	v31 =	vmul.f32 v3, v6;
	v33 =	vbroadcast v5, $0x9  }
0xd9: {  	v23 =	vld [tilespmem:s25+$0x10];
	v18 =	vmul.f32 v19, v18;
	v21 =	vmul.f32 v19, v21  }
0xda: {  	v9 =	vld [tilespmem:s22+$0xFFFFFFC0];
	v5 =	vpop (erf);
	v19 =	vmul.f32 v19, v10;
	v10 =	vmul.f32 $2.000000030e-01, v36  }
0xdb: {  	v32 =	vadd.f32 v32, v28;
	v6 =	vld [tilespmem:s22+$0xFFFFFFF0];
	v34 =	vbroadcast v5, $0x9;
	v41 =	vmul.f32 v33, v24  }
0xdc: {  	v25 =	vld [tilespmem:s25+$0x40];
	v5 =	vpop (erf);
	v42 =	vmul.f32 v33, v26;
	v33 =	vmul.f32 v33, v12  }
0xdd: {  	vm9 =	vge.f32 v32, $0.0e+00;
	v8 =	vld [tilespmem:s25+$0x60];
	v37 =	vbroadcast v5, $0x9;
	v5 =	vpop (erf);
	v38 =	vmul.f32 v34, v14  }
0xde: {  	vm8 =	vge.f32 v36, $0.0e+00;
	[tilespmem:s25+$0xFFFFFF80] =	vst v20;
	v20 =	vld [tilespmem:s23+$0xFFFFFFC0];
	v14 =	vbroadcast v5, $0x9;
	v40 =	vmul.f32 v34, v17  }
0xdf: {  	v36 =	vsel vm8, v36, v10;
	v10 =	vld [tilespmem:s22+$0x50];
	v34 =	vmul.f32 v34, v13;
	v13 =	vmul.f32 $2.000000030e-01, v32  }
0xe0: {  	v12 =	vld [tilespmem:s22+$0x80];
	v24 =	vadd.f32 v35, v9;
	v49 =	vmul.f32 $1.442695020e+00, v36;
	v26 =	vadd.f32 v39, v6;
	v5 =	vpop (erf)  }
0xe1: {  	v53 =	vmul.f32 v37, v23;
	v11 =	vbroadcast v5, $0x9;
	v32 =	vsel vm9, v32, v13;
	v13 =	vld [tilespmem:s22+$0xFFFFFF60]  }
0xe2: {  	v7 =	vld [tilespmem:s25+$0x70];
	[tilespmem:s25+$0xFFFFFF70] =	vst v16;
	v16 =	vmul.f32 $2.000000030e-01, v24;
	(erf) = vpow2.f32 v49  }
0xe3: {  	[tilespmem:s25+$0xFFFFFFA0] =	vst v18;
	v17 =	vld [tilespmem:s23+$0x0];
	vm10 =	vge.f32 v24, $0.0e+00;
	vm11 =	vge.f32 v26, $0.0e+00;
	v18 =	vmul.f32 $1.442695020e+00, v32  }
0xe4: {  	[tilespmem:s25+$0xFFFFFF90] =	vst v30;
	v5 =	vld [tilespmem:s22+$0x20];
	v30 =	vmul.f32 $2.000000030e-01, v26;
	v24 =	vsel vm10, v24, v16;
	v23 =	vadd.f32 v50, v10  }
0xe5: {  	v4 =	vld [tilespmem:s25+$0xA0];
	[tilespmem:s25+$0xFFFFFFC0] =	vst v19;
	v19 =	vadd.f32 v51, v12;
	(erf) = vpow2.f32 v18;
	v18 =	vmul.f32 $1.442695020e+00, v24  }
0xe6: {  	[tilespmem:s25+$0x90] =	vst v31;
	v31 =	vld [tilespmem:s22+$0x40];
	v24 =	vsel vm11, v26, v30;
	v30 =	vmul.f32 $2.000000030e-01, v23;
	v56 =	vadd.f32 v20, v13  }
0xe7: {  	[tilespmem:s25+$0xFFFFFFB0] =	vst v21;
	v29 =	vmul.f32 v37, v29;
	v22 =	vmul.f32 v37, v22;
	v32 =	vld [tilespmem:s22+$0x90];
	vm13 =	vge.f32 v23, $0.0e+00  }
0xe8: {  	[tilespmem:s25+$0xFFFFFFD0] =	vst v41;
	v16 =	vld [tilespmem:s22+$0xFFFFFF50];
	v57 =	vmul.f32 $2.000000030e-01, v19;
	v23 =	vsel vm13, v23, v30;
	v30 =	vmul.f32 $2.000000030e-01, v56  }
0xe9: {  	[tilespmem:s25+$0xFFFFFFE0] =	vst v42;
	v26 =	vld [tilespmem:s22+$0xFFFFFFA0];
	vm14 =	vge.f32 v19, $0.0e+00;
	v52 =	vadd.f32 v17, v5;
	vm15 =	vge.f32 v56, $0.0e+00  }
0xea: {  	[tilespmem:s25+$0xFFFFFFF0] =	vst v33;
	v58 =	vmul.f32 $1.442695020e+00, v24;
	v24 =	vld [tilespmem:s22+$0xFFFFFFB0];
	(erf) = vpow2.f32 v18;
	v30 =	vsel vm15, v56, v30  }
0xeb: {  	[tilespmem:s25+$0x0] =	vst v29;
	v17 =	vld [tilespmem:s22+$0xFFFFFF40];
	v39 =	vsel vm14, v19, v57;
	v21 =	vmul.f32 $2.000000030e-01, v52;
	v19 =	vpop (erf);
	v29 =	vmul.f32 $1.442695020e+00, v30  }
0xec: {  	[tilespmem:s25+$0xFFFFFF40] =	vst v38;
	v18 =	vld [tilespmem:s22+$0x10];
	vm12 =	vge.f32 v52, $0.0e+00;
	v60 =	vmul.f32 $1.442695020e+00, v23;
	v23 =	vbroadcast v19, $0x9  }
0xed: {  	[tilespmem:s25+$0xFFFFFF50] =	vst v40;
	v27 =	vmul.f32 v14, v27;
	(erf) = vpow2.f32 v58;
	v20 =	vsel vm12, v52, v21;
	v21 =	vld [tilespmem:s22+$0xFFFFFFD0]  }
0xee: {  	[tilespmem:s25+$0xFFFFFF60] =	vst v34;
	v59 =	vmul.f32 $1.442695020e+00, v20;
	v20 =	vld [tilespmem:s22+$0xFFFFFFE0];
	v30 =	vmul.f32 v23, v15  }
0xef: {  	[tilespmem:s25+$0x10] =	vst v53;
	v61 =	vmul.f32 $1.442695020e+00, v39;
	v19 =	vld [tilespmem:s22+$0x0];
	(erf) = vpow2.f32 v29;
	v29 =	vpop (erf)  }
0xf0: {  	[tilespmem:s22+$0xB0] =	vst v30;
	(erf) = vpow2.f32 v59;
	v30 =	vld [tilespmem:s22+$0x70];
	v62 =	vbroadcast v29, $0x9  }
0xf1: {  	v63 =	vmul.f32 v14, v25;
	[tilespmem:s25+$0x20] =	vst v22;
	v29 =	vld [tilespmem:s22+$0x60];
	(erf) = vpow2.f32 v60  }
0xf2: {  	[tilespmem:s25+$0x30] =	vst v27;
	v15 =	vld [tilespmem:s22+$0x30];
	(erf) = vpow2.f32 v61;
	v22 =	vmul.f32 v62, v54  }
0xf3: {  	p1 =	por @p2 $0x1, $0x1;
	s3 =	simm.s32 $0x8;
	s11 =	simm.s32 $0x5A0;
	[tilespmem:s25+$0x40] =	vst v63;
	v33 =	vmul.f32 v62, v55;
	v25 =	vmul.f32 v62, v28;
	v28 =	vld [tilespmem:s22+$0xA0]  }
.LBB2_5:
0xf4: {  	v27 =	vld [tilespmem:s11+$0xB0];
	[tilespmem:s22+$0xFFFFFF70] =	vst v22;
	s23 =	sadd.s32 $0x80, s23;
	v14 =	vmul.f32 v14, v2;
	v34 =	vmul.f32 v11, v8;
	v2 =	vmovc v10;
	v22 =	vmov v31  }
0xf5: {  	s3 =	sadd.s32 $0x8, s3;
	v31 =	vmul.f32 v11, v7;
	v10 =	vld [tilespmem:s23+$0x30];
	[tilespmem:s22+$0xFFFFFF80] =	vst v33;
	v8 =	vpop (erf);
	v33 =	vmul.f32 v11, v1;
	v1 =	vmov v12  }
0xf6: {  	v36 =	vmul.f32 v3, v4;
	v3 =	vmovc v23;
	p2 =	slt.u32 s3, $0x48;
	v35 =	vld [tilespmem:s23+$0xFFFFFFC0];
	[tilespmem:s22+$0xFFFFFF90] =	vst v25;
	v11 =	vbroadcast v8, $0x9;
	v8 =	vmovc v29;
	v7 =	vmov v30  }
0xf7: {  	v25 =	vld [tilespmem:s11+$0xFFFFFF90];
	v23 =	vmul.f32 v3, v32;
	v4 =	vpop (erf);
	[tilespmem:s25+$0x50] =	vst v14  }
0xf8: {  	v12 =	vld [tilespmem:s23+$0xFFFFFFD0];
	v14 =	vmul.f32 v11, v26;
	v26 =	vbroadcast v4, $0x9;
	v29 =	vpop (erf);
	[tilespmem:s25+$0x60] =	vst v34;
	v4 =	vmov v28  }
0xf9: {  	v24 =	vmul.f32 v11, v24;
	v28 =	vld [tilespmem:s11+$0xFFFFFFC0];
	v29 =	vbroadcast v29, $0x9;
	v30 =	vpop (erf);
	[tilespmem:s25+$0x70] =	vst v31  }
0xfa: {  	v9 =	vmul.f32 v11, v9;
	v31 =	vld [tilespmem:s23+$0xFFFFFFE0];
	v10 =	vadd.f32 v10, v27;
	[tilespmem:s22+$0xFFFFFFA0] =	vst v14;
	v30 =	vbroadcast v30, $0x9;
	v11 =	vpop (erf)  }
0xfb: {  	v32 =	vld [tilespmem:s11+$0xFFFFFFF0];
	v17 =	vmul.f32 v29, v17;
	[tilespmem:s22+$0xFFFFFFB0] =	vst v24;
	v14 =	vbroadcast v11, $0x9;
	v11 =	vpop (erf)  }
0xfc: {  	v24 =	vld [tilespmem:s23+$0xFFFFFFF0];
	v34 =	vmul.f32 $2.000000030e-01, v10;
	[tilespmem:s22+$0xFFFFFFC0] =	vst v9;
	v11 =	vbroadcast v11, $0x9  }
0xfd: {  	v39 =	vmul.f32 v29, v16;
	vm0 =	vge.f32 v10, $0.0e+00;
	v37 =	vadd.f32 v12, v25;
	v38 =	vld [tilespmem:s11+$0x20];
	[tilespmem:s22+$0xFFFFFF40] =	vst v17  }
0xfe: {  	v13 =	vmul.f32 v29, v13;
	v17 =	vmul.f32 v26, v21;
	v16 =	vld [tilespmem:s23+$0x0];
	v12 =	vsel vm0, v10, v34;
	[tilespmem:s25+$0x80] =	vst v33  }
0xff: {  	v9 =	vmovc v28;
	v21 =	vmul.f32 $2.000000030e-01, v37;
	v29 =	vadd.f32 v31, v28;
	v10 =	vld [tilespmem:s11+$0x50];
	v31 =	vmul.f32 $1.442695020e+00, v12;
	[tilespmem:s22+$0xFFFFFF50] =	vst v39  }
0x100: {  	vm0 =	vge.f32 v37, $0.0e+00;
	v28 =	vld [tilespmem:s23+$0x10];
	[tilespmem:s22+$0xFFFFFF60] =	vst v13;
	v13 =	vmul.f32 v26, v20;
	v20 =	vmul.f32 v26, v6;
	v6 =	vmovc v32  }
0x101: {  	v26 =	vmul.f32 $2.000000030e-01, v29;
	v24 =	vadd.f32 v24, v6;
	v12 =	vld [tilespmem:s11+$0x80];
	(erf) = vpow2.f32 v31;
	[tilespmem:s22+$0xFFFFFFD0] =	vst v17  }
0x102: {  	v19 =	vmul.f32 v30, v19;
	v21 =	vsel vm0, v37, v21;
	vm0 =	vge.f32 v29, $0.0e+00;
	v31 =	vld [tilespmem:s23+$0x20];
	[tilespmem:s22+$0xFFFFFFE0] =	vst v13  }
0x103: {  	v13 =	vld [tilespmem:s11+$0xFFFFFF60];
	vm1 =	vge.f32 v24, $0.0e+00;
	v32 =	vmul.f32 $2.000000030e-01, v24;
	v33 =	vadd.f32 v16, v38;
	[tilespmem:s22+$0xFFFFFFF0] =	vst v20  }
0x104: {  	v18 =	vmul.f32 v30, v18;
	v20 =	vmul.f32 $1.442695020e+00, v21;
	v21 =	vsel vm0, v29, v26;
	v17 =	vld [tilespmem:s11+$0xFFFFFF40];
	[tilespmem:s22+$0x0] =	vst v19  }
0x105: {  	v16 =	vld [tilespmem:s11+$0xFFFFFF50];
	vm0 =	vge.f32 v33, $0.0e+00;
	v19 =	vmul.f32 $2.000000030e-01, v33;
	v28 =	vadd.f32 v28, v10;
	[tilespmem:s22+$0x90] =	vst v23  }
0x106: {  	v29 =	vmul.f32 $1.442695020e+00, v21;
	v21 =	vsel vm1, v24, v32;
	v34 =	vld [tilespmem:s11+$0xFFFFFF70];
	(erf) = vpow2.f32 v20;
	[tilespmem:s22+$0x10] =	vst v18  }
0x107: {  	v37 =	vld [tilespmem:s11+$0xFFFFFF80];
	vm1 =	vge.f32 v28, $0.0e+00;
	v18 =	vmul.f32 $2.000000030e-01, v28;
	v23 =	vadd.f32 v31, v12;
	[tilespmem:s25+$0xA0] =	vst v36;
	s25 =	smov.u32 s22;
	s22 =	smov.u32 s11  }
0x108: {  	v32 =	vmul.f32 $1.442695020e+00, v21;
	v20 =	vsel vm0, v33, v19;
	v31 =	vadd.f32 v35, v13;
	v26 =	vld [tilespmem:s11+$0xFFFFFFA0]  }
0x109: {  	v24 =	vld [tilespmem:s11+$0xFFFFFFB0];
	v18 =	vsel vm1, v28, v18;
	vm0 =	vge.f32 v23, $0.0e+00;
	v28 =	vmul.f32 $2.000000030e-01, v23  }
0x10a: {  	v35 =	vmul.f32 $1.442695020e+00, v20;
	vm1 =	vge.f32 v31, $0.0e+00;
	v33 =	vmul.f32 $2.000000030e-01, v31;
	v21 =	vld [tilespmem:s11+$0xFFFFFFD0];
	v19 =	vpop (erf)  }
0x10b: {  	v36 =	vmul.f32 $1.442695020e+00, v18;
	v20 =	vld [tilespmem:s11+$0xFFFFFFE0];
	v18 =	vsel vm0, v23, v28;
	v23 =	vbroadcast v19, $0x9  }
0x10c: {  	v28 =	vsel vm1, v31, v33;
	v19 =	vld [tilespmem:s11+$0x0];
	v33 =	vmul.f32 $1.442695020e+00, v18;
	(erf) = vpow2.f32 v29  }
0x10d: {  	v28 =	vmul.f32 $1.442695020e+00, v28;
	v18 =	vld [tilespmem:s11+$0x10];
	v29 =	vmul.f32 v23, v27  }
0x10e: {  	v30 =	vmul.f32 v30, v5;
	v5 =	vmov v38;
	v39 =	vld [tilespmem:s11+$0x30];
	(erf) = vpow2.f32 v32  }
.Ltmp5:
0x10f: {  	v15 =	vmul.f32 v14, v15;
	v31 =	vld [tilespmem:s11+$0x40];
	[tilespmem:s11+$0xB0] =	vst v29;
	(erf) = vpow2.f32 v28;
	v27 =	vpop (erf);
	(pc) =	sbr.rel @p2 .LBB2_5-.Ltmp5, $4  }
0x110: {  	v27 =	vbroadcast v27, $0x9;
	v29 =	vld [tilespmem:s11+$0x60];
	(erf) = vpow2.f32 v35;
	[tilespmem:s25+$0x20] =	vst v30  }
0x111: {  	v35 =	vmul.f32 v14, v22;
	v30 =	vld [tilespmem:s11+$0x70];
	(erf) = vpow2.f32 v36;
	[tilespmem:s25+$0x30] =	vst v15  }
0x112: {  	v22 =	vmul.f32 v27, v34;
	v32 =	vld [tilespmem:s11+$0x90];
	(erf) = vpow2.f32 v33  }
0x113: {  	v33 =	vmul.f32 v27, v37;
	v25 =	vmul.f32 v27, v25;
	s11 =	sadd.s32 $0x180, s11;
	v28 =	vld [tilespmem:s22+$0xA0];
	[tilespmem:s25+$0x40] =	vst v35;
	v15 =	vmov v39  }
0x114: {  	[tilespmem:s22+$0xFFFFFF70] =	vst v22  }
0x115: {  	v2 =	vmul.f32 v14, v2;
	[tilespmem:s22+$0xFFFFFF80] =	vst v33  }
0x116: {  	v8 =	vmul.f32 v11, v8;
	v52 =	vpop (erf);
	[tilespmem:s22+$0xFFFFFF90] =	vst v25  }
0x117: {  	v7 =	vmul.f32 v11, v7;
	v14 =	vbroadcast v52, $0x9;
	[tilespmem:s25+$0x50] =	vst v2  }
0x118: {  	v1 =	vmul.f32 v11, v1;
	[tilespmem:s25+$0x60] =	vst v8  }
0x119: {  	[tilespmem:s25+$0x70] =	vst v7;
	v2 =	vmul.f32 v14, v26  }
0x11a: {  	v3 =	vmul.f32 v3, v4;
	[tilespmem:s25+$0x80] =	vst v1;
	v53 =	vpop (erf)  }
0x11b: {  	v61 =	vmul.f32 v23, v32;
	v54 =	vpop (erf);
	[tilespmem:s22+$0xFFFFFFA0] =	vst v2;
	v2 =	vmul.f32 v14, v9  }
0x11c: {  	[tilespmem:s25+$0xA0] =	vst v3;
	v24 =	vmul.f32 v14, v24;
	v55 =	vbroadcast v54, $0x9;
	v1 =	vpop (erf)  }
0x11d: {  	v1 =	vbroadcast v1, $0x9;
	[tilespmem:s22+$0xFFFFFFC0] =	vst v2;
	v2 =	vbroadcast v53, $0x9  }
0x11e: {  	[tilespmem:s22+$0x90] =	vst v61;
	v56 =	vmul.f32 v55, v17;
	v57 =	vmul.f32 v55, v16  }
0x11f: {  	[tilespmem:s22+$0xFFFFFFB0] =	vst v24;
	v8 =	vmul.f32 v55, v13;
	v58 =	vmul.f32 v2, v21  }
0x120: {  	[tilespmem:s22+$0xFFFFFF40] =	vst v56;
	v59 =	vmul.f32 v2, v20;
	v2 =	vmul.f32 v2, v6  }
0x121: {  	v60 =	vmul.f32 v1, v19;
	[tilespmem:s22+$0xFFFFFF50] =	vst v57  }
0x122: {  	[tilespmem:s22+$0xFFFFFF60] =	vst v8  }
0x123: {  	v62 =	vmul.f32 v1, v18;
	[tilespmem:s22+$0x0] =	vst v60  }
0x124: {  	v1 =	vmul.f32 v1, v5;
	[tilespmem:s22+$0xFFFFFFF0] =	vst v2;
	v2 =	vpop (erf)  }
0x125: {  	[tilespmem:s22+$0x10] =	vst v62;
	v2 =	vbroadcast v2, $0x9  }
0x126: {  	[tilespmem:s22+$0x20] =	vst v1  }
0x127: {  	[tilespmem:s22+$0xFFFFFFD0] =	vst v58;
	v63 =	vpop (erf);
	v3 =	vmul.f32 v2, v15  }
0x128: {  	[tilespmem:s22+$0xFFFFFFE0] =	vst v59;
	v4 =	vbroadcast v63, $0x9;
	v1 =	vmul.f32 v2, v31  }
0x129: {  	v2 =	vmul.f32 v2, v10;
	[tilespmem:s22+$0x30] =	vst v3  }
0x12a: {  	[tilespmem:s22+$0x40] =	vst v1;
	v1 =	vmul.f32 v4, v29  }
0x12b: {  	v3 =	vmul.f32 v4, v30;
	[tilespmem:s22+$0x50] =	vst v2  }
.Ltmp6:
0x12c: {  	v2 =	vmul.f32 v4, v12;
	[tilespmem:s22+$0x60] =	vst v1;
	(pc) =	sbr.rel @!p1 .LBB2_10-.Ltmp6, $4  }
0x12d: {  	v1 =	vmul.f32 v23, v28;
	[tilespmem:s22+$0x70] =	vst v3  }
0x12e: {  	[tilespmem:s22+$0x80] =	vst v2  }
0x12f: {  	[tilespmem:s22+$0xA0] =	vst v1  }
0x130: {  	[spmem:s2] =	stream.indirect.scatter.add.f32 [tilespmem:s24], [sflag:$0x9], $0x30, s4, s18, $0xb8;
	[tilespmem:$0xA3C0] =	vst v63  }
0x131: {  	_ =	swait.ge [sflag:s17], $0xF00  }
0x132: {  	[sflag:s17] =	ssyncset.done $0x0  }
0x133: {  	s3 =	simm.s32 @!p0 $0x1;
	[sflag:s17] =	ssyncadd.s32 $0xFFFFF100  }
0x134: {  	_ =	swait.ge @!p0 [sflag:s3], $0x50  }
0x135: {  	[sflag:s3] =	ssyncset.done @!p0 $0x0  }
0x136: {  	[sflag:s3] =	ssyncadd.s32 @!p0 $0xFFFFFFB0;
	s3 =	simm.s32 @!p0 $0x3  }
0x137: {  	_ =	swait.ge @!p0 [sflag:s3], $0x50  }
0x138: {  	s11 =	simm.s32 @!p0 $0x0;
	[sflag:s3] =	ssyncset.done @!p0 $0x0  }
0x139: {  	s22 =	simm.s32 @!p0 $0x1E0;
	[sflag:s3] =	ssyncadd.s32 @!p0 $0xFFFFFFB0;
	s3 =	simm.s32 @!p0 $0x50  }
0x13a: {  	[tilespmem:s22], [sflag:$0x5] =	stream.indirect.gather @!p0 [hbm4b:s6+s3], $0x30, s11, s3, $0xb8;
	[tilespmem:$0xA3C0] =	vst v63  }
0x13b: {  	s11 =	simm.s32 @!p0 $0xA0;
	s22 =	simm.s32 @!p0 $0x1FE0  }
0x13c: {  	[tilespmem:s22], [sflag:$0x7] =	stream.indirect.gather @!p0 [hbm4b:s7+s3], $0x10, s11, s3, $0xb8;
	[tilespmem:$0xA3C0] =	vst v63  }
0x13d: {  	_ =	swait.ge [sflag:s8], $0xF00  }
0x13e: {  	[sflag:s8] =	ssyncset.done $0x0  }
0x13f: {  	[sflag:s8] =	ssyncadd.s32 $0xFFFFF100  }
0x140: {  	_ =	swait.ge [sflag:s9], $0x500  }
0x141: {  	[sflag:s9] =	ssyncset.done $0x0  }
0x142: {  	[sflag:s9] =	ssyncadd.s32 $0xFFFFFB00  }
0x143: {  	v1 =	vld [tilespmem:$0xF0]  }
0x144: {  	v2 =	vld [tilespmem:$0x100]  }
0x145: {  	v3 =	vld [tilespmem:$0x110]  }
0x146: {  	v4 =	vld [tilespmem:$0x120]  }
0x147: {  	v5 =	vld [tilespmem:$0x130]  }
0x148: {  	p0 =	sgt.u32 s14, $0x3C;
	[tilespmem:$0x190] =	vst v1  }
0x149: {  	s3 =	sadd.s32 @!p0 s15, s13;
	[tilespmem:$0x1A0] =	vst v2  }
0x14a: {  	s3 =	smul.u32 @!p0 $0xA, s3;
	[tilespmem:$0x1B0] =	vst v3  }
0x14b: {  	[tilespmem:$0x1C0] =	vst v4  }
0x14c: {  	s15 =	simm.s32 @!p0 $0x0;
	s22 =	simm.s32 @!p0 $0x50;
	s11 =	sadd.s32 @!p0 s5, s3;
	[tilespmem:$0x1D0] =	vst v5  }
0x14d: {  	[tilespmem:s22], [sflag:$0x2] =	stream.linear.gather @!p0 [hbm4b:s11+s15], $0x50, $0x38;
	[tilespmem:$0xA3C0] =	vst v63  }
0x14e: {  	s3 =	sadd.s32 @!p0 s1, s3;
	s11 =	simm.s32 @!p0 $0xF0  }
0x14f: {  	[tilespmem:s11], [sflag:$0x4] =	stream.linear.gather @!p0 [hbm4b:s3+s15], $0x50, $0x38;
	[tilespmem:$0xA3C0] =	vst v63  }
0x150: {  	s15 =	simm.s32 $0x11A0  }
0x151: {  	s25 =	simm.s32 $0x2520;
	v4 =	vld [tilespmem:s15+$0xB0]  }
0x152: {  	v1 =	vld [tilespmem:s25+$0x30]  }
0x153: {  	v3 =	vld [tilespmem:s25+$0xFFFFFFC0]  }
0x154: {  	v5 =	vld [tilespmem:s15+$0xFFFFFF90]  }
0x155: {  	v6 =	vld [tilespmem:s25+$0xFFFFFFD0]  }
0x156: {  	v10 =	vld [tilespmem:s15+$0xFFFFFFC0]  }
0x157: {  	v7 =	vld [tilespmem:s25+$0xFFFFFFE0]  }
0x158: {  	v12 =	vld [tilespmem:s15+$0xFFFFFFF0]  }
0x159: {  	v8 =	vld [tilespmem:s25+$0xFFFFFFF0];
	v1 =	vadd.f32 v1, v4  }
0x15a: {  	v22 =	vld [tilespmem:s15+$0x20]  }
0x15b: {  	v11 =	vld [tilespmem:s25+$0x0];
	v9 =	vmul.f32 $2.000000030e-01, v1  }
0x15c: {  	v2 =	vld [tilespmem:s15+$0x50];
	vm0 =	vge.f32 v1, $0.0e+00  }
0x15d: {  	v15 =	vld [tilespmem:s25+$0x20];
	v1 =	vsel vm0, v1, v9  }
0x15e: {  	v17 =	vld [tilespmem:s15+$0xFFFFFF50];
	v13 =	vmul.f32 $1.442695020e+00, v1  }
0x15f: {  	v20 =	vld [tilespmem:s15+$0xFFFFFF80]  }
0x160: {  	v21 =	vld [tilespmem:s15+$0xFFFFFFB0];
	v6 =	vadd.f32 v6, v5;
	(erf) = vpow2.f32 v13  }
0x161: {  	v7 =	vadd.f32 v7, v10;
	v13 =	vld [tilespmem:s15+$0xFFFFFF60]  }
0x162: {  	v8 =	vadd.f32 v8, v12;
	v14 =	vmul.f32 $2.000000030e-01, v6;
	v9 =	vld [tilespmem:s25+$0x10]  }
0x163: {  	v24 =	vld [tilespmem:s15+$0xFFFFFFD0];
	v11 =	vadd.f32 v11, v22;
	vm14 =	vge.f32 v6, $0.0e+00;
	v16 =	vmul.f32 $2.000000030e-01, v7  }
0x164: {  	vm15 =	vge.f32 v7, $0.0e+00;
	v18 =	vmul.f32 $2.000000030e-01, v8;
	v6 =	vsel vm14, v6, v14;
	v1 =	vld [tilespmem:s15+$0x80]  }
0x165: {  	v26 =	vld [tilespmem:s15+$0xFFFFFFE0];
	vm1 =	vge.f32 v8, $0.0e+00;
	v19 =	vmul.f32 $2.000000030e-01, v11;
	v6 =	vmul.f32 $1.442695020e+00, v6  }
0x166: {  	v29 =	vld [tilespmem:s15+$0x0];
	v7 =	vsel vm15, v7, v16;
	v8 =	vsel vm1, v8, v18;
	v3 =	vadd.f32 v3, v13  }
0x167: {  	s22 =	simm.s32 $0x1320;
	v27 =	vld [tilespmem:s15+$0x30];
	v7 =	vmul.f32 $1.442695020e+00, v7;
	(erf) = vpow2.f32 v6;
	v9 =	vadd.f32 v9, v2  }
0x168: {  	s23 =	simm.s32 $0x25A0;
	v28 =	vld [tilespmem:s22+$0xFFFFFF90];
	vm4 =	vge.f32 v11, $0.0e+00;
	v8 =	vmul.f32 $1.442695020e+00, v8;
	v23 =	vmul.f32 $2.000000030e-01, v3  }
0x169: {  	v32 =	vld [tilespmem:s23+$0xFFFFFFD0];
	v15 =	vadd.f32 v15, v1;
	v6 =	vmul.f32 $2.000000030e-01, v9;
	vm6 =	vge.f32 v3, $0.0e+00;
	v25 =	vpop (erf)  }
0x16a: {  	v35 =	vld [tilespmem:s23+$0xFFFFFFE0];
	v23 =	vsel vm6, v3, v23;
	(erf) = vpow2.f32 v7;
	v3 =	vbroadcast v25, $0x9  }
0x16b: {  	v39 =	vld [tilespmem:s23+$0xFFFFFFF0];
	v11 =	vsel vm4, v11, v19;
	v19 =	vmul.f32 $2.000000030e-01, v15;
	(erf) = vpow2.f32 v8  }
0x16c: {  	v50 =	vld [tilespmem:s23+$0x10];
	vm5 =	vge.f32 v9, $0.0e+00;
	v7 =	vmul.f32 $1.442695020e+00, v23;
	v4 =	vmul.f32 v3, v4  }
0x16d: {  	v16 =	vld [tilespmem:s15+$0xFFFFFF70];
	v11 =	vmul.f32 $1.442695020e+00, v11;
	vm7 =	vge.f32 v15, $0.0e+00;
	v6 =	vsel vm5, v9, v6  }
0x16e: {  	v6 =	vmul.f32 $1.442695020e+00, v6;
	v8 =	vsel vm7, v15, v19;
	v15 =	vld [tilespmem:s22+$0xB0];
	(erf) = vpow2.f32 v7  }
0x16f: {  	v9 =	vmul.f32 $1.442695020e+00, v8;
	(erf) = vpow2.f32 v11;
	v11 =	vld [tilespmem:s23+$0x30]  }
0x170: {  	[tilespmem:s15+$0xB0] =	vst v4;
	(erf) = vpow2.f32 v6;
	v6 =	vld [tilespmem:s15+$0x90];
	v4 =	vpop (erf)  }
0x171: {  	v18 =	vld [tilespmem:s15+$0xFFFFFFA0];
	(erf) = vpow2.f32 v9;
	v9 =	vbroadcast v4, $0x9  }
0x172: {  	v51 =	vld [tilespmem:s23+$0x20]  }
0x173: {  	v54 =	vld [tilespmem:s22+$0xFFFFFF70];
	v19 =	vpop (erf);
	v16 =	vmul.f32 v9, v16;
	v20 =	vmul.f32 v9, v20  }
0x174: {  	v55 =	vld [tilespmem:s22+$0xFFFFFF80];
	v19 =	vbroadcast v19, $0x9;
	v30 =	vmul.f32 v9, v5;
	v5 =	vpop (erf)  }
0x175: {  	v14 =	vld [tilespmem:s15+$0xFFFFFF40];
	v36 =	vadd.f32 v11, v15;
	v31 =	vmul.f32 v3, v6;
	v33 =	vbroadcast v5, $0x9  }
0x176: {  	v23 =	vld [tilespmem:s15+$0x10];
	v18 =	vmul.f32 v19, v18;
	v21 =	vmul.f32 v19, v21  }
0x177: {  	v9 =	vld [tilespmem:s22+$0xFFFFFFC0];
	v5 =	vpop (erf);
	v19 =	vmul.f32 v19, v10;
	v10 =	vmul.f32 $2.000000030e-01, v36  }
0x178: {  	v32 =	vadd.f32 v32, v28;
	v6 =	vld [tilespmem:s22+$0xFFFFFFF0];
	v34 =	vbroadcast v5, $0x9;
	v41 =	vmul.f32 v33, v24  }
0x179: {  	v25 =	vld [tilespmem:s15+$0x40];
	v5 =	vpop (erf);
	v42 =	vmul.f32 v33, v26;
	v33 =	vmul.f32 v33, v12  }
0x17a: {  	vm9 =	vge.f32 v32, $0.0e+00;
	v8 =	vld [tilespmem:s15+$0x60];
	v37 =	vbroadcast v5, $0x9;
	v5 =	vpop (erf);
	v38 =	vmul.f32 v34, v14  }
0x17b: {  	vm8 =	vge.f32 v36, $0.0e+00;
	[tilespmem:s15+$0xFFFFFF80] =	vst v20;
	v20 =	vld [tilespmem:s23+$0xFFFFFFC0];
	v14 =	vbroadcast v5, $0x9;
	v40 =	vmul.f32 v34, v17  }
0x17c: {  	v36 =	vsel vm8, v36, v10;
	v10 =	vld [tilespmem:s22+$0x50];
	v34 =	vmul.f32 v34, v13;
	v13 =	vmul.f32 $2.000000030e-01, v32  }
0x17d: {  	v12 =	vld [tilespmem:s22+$0x80];
	v24 =	vadd.f32 v35, v9;
	v49 =	vmul.f32 $1.442695020e+00, v36;
	v26 =	vadd.f32 v39, v6;
	v5 =	vpop (erf)  }
0x17e: {  	v53 =	vmul.f32 v37, v23;
	v11 =	vbroadcast v5, $0x9;
	v32 =	vsel vm9, v32, v13;
	v13 =	vld [tilespmem:s22+$0xFFFFFF60]  }
0x17f: {  	v7 =	vld [tilespmem:s15+$0x70];
	[tilespmem:s15+$0xFFFFFF70] =	vst v16;
	v16 =	vmul.f32 $2.000000030e-01, v24;
	(erf) = vpow2.f32 v49  }
0x180: {  	[tilespmem:s15+$0xFFFFFFA0] =	vst v18;
	v17 =	vld [tilespmem:s23+$0x0];
	vm10 =	vge.f32 v24, $0.0e+00;
	vm11 =	vge.f32 v26, $0.0e+00;
	v18 =	vmul.f32 $1.442695020e+00, v32  }
0x181: {  	[tilespmem:s15+$0xFFFFFF90] =	vst v30;
	v5 =	vld [tilespmem:s22+$0x20];
	v30 =	vmul.f32 $2.000000030e-01, v26;
	v24 =	vsel vm10, v24, v16;
	v23 =	vadd.f32 v50, v10  }
0x182: {  	v4 =	vld [tilespmem:s15+$0xA0];
	[tilespmem:s15+$0xFFFFFFC0] =	vst v19;
	v19 =	vadd.f32 v51, v12;
	(erf) = vpow2.f32 v18;
	v18 =	vmul.f32 $1.442695020e+00, v24  }
0x183: {  	[tilespmem:s15+$0x90] =	vst v31;
	v31 =	vld [tilespmem:s22+$0x40];
	v24 =	vsel vm11, v26, v30;
	v30 =	vmul.f32 $2.000000030e-01, v23;
	v56 =	vadd.f32 v20, v13  }
0x184: {  	[tilespmem:s15+$0xFFFFFFB0] =	vst v21;
	v29 =	vmul.f32 v37, v29;
	v22 =	vmul.f32 v37, v22;
	v32 =	vld [tilespmem:s22+$0x90];
	vm13 =	vge.f32 v23, $0.0e+00  }
0x185: {  	[tilespmem:s15+$0xFFFFFFD0] =	vst v41;
	v16 =	vld [tilespmem:s22+$0xFFFFFF50];
	v57 =	vmul.f32 $2.000000030e-01, v19;
	v23 =	vsel vm13, v23, v30;
	v30 =	vmul.f32 $2.000000030e-01, v56  }
0x186: {  	[tilespmem:s15+$0xFFFFFFE0] =	vst v42;
	v26 =	vld [tilespmem:s22+$0xFFFFFFA0];
	vm14 =	vge.f32 v19, $0.0e+00;
	v52 =	vadd.f32 v17, v5;
	vm15 =	vge.f32 v56, $0.0e+00  }
0x187: {  	[tilespmem:s15+$0xFFFFFFF0] =	vst v33;
	v58 =	vmul.f32 $1.442695020e+00, v24;
	v24 =	vld [tilespmem:s22+$0xFFFFFFB0];
	(erf) = vpow2.f32 v18;
	v30 =	vsel vm15, v56, v30  }
0x188: {  	[tilespmem:s15+$0x0] =	vst v29;
	v17 =	vld [tilespmem:s22+$0xFFFFFF40];
	v39 =	vsel vm14, v19, v57;
	v21 =	vmul.f32 $2.000000030e-01, v52;
	v19 =	vpop (erf);
	v29 =	vmul.f32 $1.442695020e+00, v30  }
0x189: {  	[tilespmem:s15+$0xFFFFFF40] =	vst v38;
	v18 =	vld [tilespmem:s22+$0x10];
	vm12 =	vge.f32 v52, $0.0e+00;
	v60 =	vmul.f32 $1.442695020e+00, v23;
	v23 =	vbroadcast v19, $0x9  }
0x18a: {  	[tilespmem:s15+$0xFFFFFF50] =	vst v40;
	v27 =	vmul.f32 v14, v27;
	(erf) = vpow2.f32 v58;
	v20 =	vsel vm12, v52, v21;
	v21 =	vld [tilespmem:s22+$0xFFFFFFD0]  }
0x18b: {  	[tilespmem:s15+$0xFFFFFF60] =	vst v34;
	v59 =	vmul.f32 $1.442695020e+00, v20;
	v20 =	vld [tilespmem:s22+$0xFFFFFFE0];
	v30 =	vmul.f32 v23, v15  }
0x18c: {  	[tilespmem:s15+$0x10] =	vst v53;
	v61 =	vmul.f32 $1.442695020e+00, v39;
	v19 =	vld [tilespmem:s22+$0x0];
	(erf) = vpow2.f32 v29;
	v29 =	vpop (erf)  }
0x18d: {  	[tilespmem:s22+$0xB0] =	vst v30;
	(erf) = vpow2.f32 v59;
	v30 =	vld [tilespmem:s22+$0x70];
	v62 =	vbroadcast v29, $0x9  }
0x18e: {  	v63 =	vmul.f32 v14, v25;
	[tilespmem:s15+$0x20] =	vst v22;
	v29 =	vld [tilespmem:s22+$0x60];
	(erf) = vpow2.f32 v60  }
0x18f: {  	[tilespmem:s15+$0x30] =	vst v27;
	v15 =	vld [tilespmem:s22+$0x30];
	(erf) = vpow2.f32 v61;
	v22 =	vmul.f32 v62, v54  }
0x190: {  	s3 =	simm.s32 $0x8;
	s11 =	simm.s32 $0x14A0;
	[tilespmem:s15+$0x40] =	vst v63;
	v33 =	vmul.f32 v62, v55;
	v25 =	vmul.f32 v62, v28;
	v28 =	vld [tilespmem:s22+$0xA0]  }
.LBB2_8:
0x191: {  	v27 =	vld [tilespmem:s11+$0xB0];
	[tilespmem:s22+$0xFFFFFF70] =	vst v22;
	s23 =	sadd.s32 $0x80, s23;
	v14 =	vmul.f32 v14, v2;
	v34 =	vmul.f32 v11, v8;
	v2 =	vmovc v10;
	v22 =	vmov v31  }
0x192: {  	s3 =	sadd.s32 $0x8, s3;
	v31 =	vmul.f32 v11, v7;
	v10 =	vld [tilespmem:s23+$0x30];
	[tilespmem:s22+$0xFFFFFF80] =	vst v33;
	v8 =	vpop (erf);
	v33 =	vmul.f32 v11, v1;
	v1 =	vmov v12  }
0x193: {  	v36 =	vmul.f32 v3, v4;
	v3 =	vmovc v23;
	p0 =	slt.u32 s3, $0x48;
	v35 =	vld [tilespmem:s23+$0xFFFFFFC0];
	[tilespmem:s22+$0xFFFFFF90] =	vst v25;
	v11 =	vbroadcast v8, $0x9;
	v8 =	vmovc v29;
	v7 =	vmov v30  }
0x194: {  	v25 =	vld [tilespmem:s11+$0xFFFFFF90];
	v23 =	vmul.f32 v3, v32;
	v4 =	vpop (erf);
	[tilespmem:s15+$0x50] =	vst v14  }
0x195: {  	v12 =	vld [tilespmem:s23+$0xFFFFFFD0];
	v14 =	vmul.f32 v11, v26;
	v26 =	vbroadcast v4, $0x9;
	v29 =	vpop (erf);
	[tilespmem:s15+$0x60] =	vst v34;
	v4 =	vmov v28  }
0x196: {  	v24 =	vmul.f32 v11, v24;
	v28 =	vld [tilespmem:s11+$0xFFFFFFC0];
	v29 =	vbroadcast v29, $0x9;
	v30 =	vpop (erf);
	[tilespmem:s15+$0x70] =	vst v31  }
0x197: {  	v9 =	vmul.f32 v11, v9;
	v31 =	vld [tilespmem:s23+$0xFFFFFFE0];
	v10 =	vadd.f32 v10, v27;
	[tilespmem:s22+$0xFFFFFFA0] =	vst v14;
	v30 =	vbroadcast v30, $0x9;
	v11 =	vpop (erf)  }
0x198: {  	v32 =	vld [tilespmem:s11+$0xFFFFFFF0];
	v17 =	vmul.f32 v29, v17;
	[tilespmem:s22+$0xFFFFFFB0] =	vst v24;
	v14 =	vbroadcast v11, $0x9;
	v11 =	vpop (erf)  }
0x199: {  	v24 =	vld [tilespmem:s23+$0xFFFFFFF0];
	v34 =	vmul.f32 $2.000000030e-01, v10;
	[tilespmem:s22+$0xFFFFFFC0] =	vst v9;
	v11 =	vbroadcast v11, $0x9  }
0x19a: {  	v39 =	vmul.f32 v29, v16;
	vm0 =	vge.f32 v10, $0.0e+00;
	v37 =	vadd.f32 v12, v25;
	v38 =	vld [tilespmem:s11+$0x20];
	[tilespmem:s22+$0xFFFFFF40] =	vst v17  }
0x19b: {  	v13 =	vmul.f32 v29, v13;
	v17 =	vmul.f32 v26, v21;
	v16 =	vld [tilespmem:s23+$0x0];
	v12 =	vsel vm0, v10, v34;
	[tilespmem:s15+$0x80] =	vst v33  }
0x19c: {  	v9 =	vmovc v28;
	v21 =	vmul.f32 $2.000000030e-01, v37;
	v29 =	vadd.f32 v31, v28;
	v10 =	vld [tilespmem:s11+$0x50];
	v31 =	vmul.f32 $1.442695020e+00, v12;
	[tilespmem:s22+$0xFFFFFF50] =	vst v39  }
0x19d: {  	vm0 =	vge.f32 v37, $0.0e+00;
	v28 =	vld [tilespmem:s23+$0x10];
	[tilespmem:s22+$0xFFFFFF60] =	vst v13;
	v13 =	vmul.f32 v26, v20;
	v20 =	vmul.f32 v26, v6;
	v6 =	vmovc v32  }
0x19e: {  	v26 =	vmul.f32 $2.000000030e-01, v29;
	v24 =	vadd.f32 v24, v6;
	v12 =	vld [tilespmem:s11+$0x80];
	(erf) = vpow2.f32 v31;
	[tilespmem:s22+$0xFFFFFFD0] =	vst v17  }
0x19f: {  	v19 =	vmul.f32 v30, v19;
	v21 =	vsel vm0, v37, v21;
	vm0 =	vge.f32 v29, $0.0e+00;
	v31 =	vld [tilespmem:s23+$0x20];
	[tilespmem:s22+$0xFFFFFFE0] =	vst v13  }
0x1a0: {  	v13 =	vld [tilespmem:s11+$0xFFFFFF60];
	vm1 =	vge.f32 v24, $0.0e+00;
	v32 =	vmul.f32 $2.000000030e-01, v24;
	v33 =	vadd.f32 v16, v38;
	[tilespmem:s22+$0xFFFFFFF0] =	vst v20  }
0x1a1: {  	v18 =	vmul.f32 v30, v18;
	v20 =	vmul.f32 $1.442695020e+00, v21;
	v21 =	vsel vm0, v29, v26;
	v17 =	vld [tilespmem:s11+$0xFFFFFF40];
	[tilespmem:s22+$0x0] =	vst v19  }
0x1a2: {  	v16 =	vld [tilespmem:s11+$0xFFFFFF50];
	vm0 =	vge.f32 v33, $0.0e+00;
	v19 =	vmul.f32 $2.000000030e-01, v33;
	v28 =	vadd.f32 v28, v10;
	[tilespmem:s22+$0x90] =	vst v23  }
0x1a3: {  	v29 =	vmul.f32 $1.442695020e+00, v21;
	v21 =	vsel vm1, v24, v32;
	v34 =	vld [tilespmem:s11+$0xFFFFFF70];
	(erf) = vpow2.f32 v20;
	[tilespmem:s22+$0x10] =	vst v18  }
0x1a4: {  	v37 =	vld [tilespmem:s11+$0xFFFFFF80];
	vm1 =	vge.f32 v28, $0.0e+00;
	v18 =	vmul.f32 $2.000000030e-01, v28;
	v23 =	vadd.f32 v31, v12;
	[tilespmem:s15+$0xA0] =	vst v36;
	s15 =	smov.u32 s22;
	s22 =	smov.u32 s11  }
0x1a5: {  	v32 =	vmul.f32 $1.442695020e+00, v21;
	v20 =	vsel vm0, v33, v19;
	v31 =	vadd.f32 v35, v13;
	v26 =	vld [tilespmem:s11+$0xFFFFFFA0]  }
0x1a6: {  	v24 =	vld [tilespmem:s11+$0xFFFFFFB0];
	v18 =	vsel vm1, v28, v18;
	vm0 =	vge.f32 v23, $0.0e+00;
	v28 =	vmul.f32 $2.000000030e-01, v23  }
0x1a7: {  	v35 =	vmul.f32 $1.442695020e+00, v20;
	vm1 =	vge.f32 v31, $0.0e+00;
	v33 =	vmul.f32 $2.000000030e-01, v31;
	v21 =	vld [tilespmem:s11+$0xFFFFFFD0];
	v19 =	vpop (erf)  }
0x1a8: {  	v36 =	vmul.f32 $1.442695020e+00, v18;
	v20 =	vld [tilespmem:s11+$0xFFFFFFE0];
	v18 =	vsel vm0, v23, v28;
	v23 =	vbroadcast v19, $0x9  }
0x1a9: {  	v28 =	vsel vm1, v31, v33;
	v19 =	vld [tilespmem:s11+$0x0];
	v33 =	vmul.f32 $1.442695020e+00, v18;
	(erf) = vpow2.f32 v29  }
0x1aa: {  	v28 =	vmul.f32 $1.442695020e+00, v28;
	v18 =	vld [tilespmem:s11+$0x10];
	v29 =	vmul.f32 v23, v27  }
0x1ab: {  	v30 =	vmul.f32 v30, v5;
	v5 =	vmov v38;
	v39 =	vld [tilespmem:s11+$0x30];
	(erf) = vpow2.f32 v32  }
.Ltmp7:
0x1ac: {  	v15 =	vmul.f32 v14, v15;
	v31 =	vld [tilespmem:s11+$0x40];
	[tilespmem:s11+$0xB0] =	vst v29;
	(erf) = vpow2.f32 v28;
	v27 =	vpop (erf);
	(pc) =	sbr.rel @p0 .LBB2_8-.Ltmp7, $4  }
0x1ad: {  	v27 =	vbroadcast v27, $0x9;
	v29 =	vld [tilespmem:s11+$0x60];
	(erf) = vpow2.f32 v35;
	[tilespmem:s15+$0x20] =	vst v30  }
0x1ae: {  	v35 =	vmul.f32 v14, v22;
	v30 =	vld [tilespmem:s11+$0x70];
	(erf) = vpow2.f32 v36;
	[tilespmem:s15+$0x30] =	vst v15  }
0x1af: {  	v22 =	vmul.f32 v27, v34;
	v32 =	vld [tilespmem:s11+$0x90];
	(erf) = vpow2.f32 v33  }
0x1b0: {  	v33 =	vmul.f32 v27, v37;
	v25 =	vmul.f32 v27, v25;
	s11 =	sadd.s32 $0x180, s11;
	v28 =	vld [tilespmem:s22+$0xA0];
	[tilespmem:s15+$0x40] =	vst v35;
	v15 =	vmov v39  }
0x1b1: {  	[tilespmem:s22+$0xFFFFFF70] =	vst v22  }
0x1b2: {  	v2 =	vmul.f32 v14, v2;
	[tilespmem:s22+$0xFFFFFF80] =	vst v33  }
0x1b3: {  	v8 =	vmul.f32 v11, v8;
	v52 =	vpop (erf);
	[tilespmem:s22+$0xFFFFFF90] =	vst v25  }
0x1b4: {  	v7 =	vmul.f32 v11, v7;
	v14 =	vbroadcast v52, $0x9;
	[tilespmem:s15+$0x50] =	vst v2  }
0x1b5: {  	v1 =	vmul.f32 v11, v1;
	[tilespmem:s15+$0x60] =	vst v8  }
0x1b6: {  	[tilespmem:s15+$0x70] =	vst v7;
	v2 =	vmul.f32 v14, v26  }
0x1b7: {  	v3 =	vmul.f32 v3, v4;
	[tilespmem:s15+$0x80] =	vst v1;
	v53 =	vpop (erf)  }
0x1b8: {  	v61 =	vmul.f32 v23, v32;
	v54 =	vpop (erf);
	[tilespmem:s22+$0xFFFFFFA0] =	vst v2;
	v2 =	vmul.f32 v14, v9  }
0x1b9: {  	[tilespmem:s15+$0xA0] =	vst v3;
	v24 =	vmul.f32 v14, v24;
	v55 =	vbroadcast v54, $0x9;
	v1 =	vpop (erf)  }
0x1ba: {  	v1 =	vbroadcast v1, $0x9;
	[tilespmem:s22+$0xFFFFFFC0] =	vst v2;
	v2 =	vbroadcast v53, $0x9  }
0x1bb: {  	[tilespmem:s22+$0x90] =	vst v61;
	v56 =	vmul.f32 v55, v17;
	v57 =	vmul.f32 v55, v16  }
0x1bc: {  	[tilespmem:s22+$0xFFFFFFB0] =	vst v24;
	v8 =	vmul.f32 v55, v13;
	v58 =	vmul.f32 v2, v21  }
0x1bd: {  	[tilespmem:s22+$0xFFFFFF40] =	vst v56;
	v59 =	vmul.f32 v2, v20;
	v2 =	vmul.f32 v2, v6  }
0x1be: {  	v60 =	vmul.f32 v1, v19;
	[tilespmem:s22+$0xFFFFFF50] =	vst v57  }
0x1bf: {  	[tilespmem:s22+$0xFFFFFF60] =	vst v8  }
0x1c0: {  	v62 =	vmul.f32 v1, v18;
	[tilespmem:s22+$0x0] =	vst v60  }
0x1c1: {  	v1 =	vmul.f32 v1, v5;
	[tilespmem:s22+$0xFFFFFFF0] =	vst v2;
	v2 =	vpop (erf)  }
0x1c2: {  	[tilespmem:s22+$0x10] =	vst v62;
	v2 =	vbroadcast v2, $0x9  }
0x1c3: {  	[tilespmem:s22+$0x20] =	vst v1  }
0x1c4: {  	[tilespmem:s22+$0xFFFFFFD0] =	vst v58;
	v63 =	vpop (erf);
	v3 =	vmul.f32 v2, v15  }
0x1c5: {  	[tilespmem:s22+$0xFFFFFFE0] =	vst v59;
	v4 =	vbroadcast v63, $0x9;
	v1 =	vmul.f32 v2, v31  }
0x1c6: {  	v2 =	vmul.f32 v2, v10;
	[tilespmem:s22+$0x30] =	vst v3  }
0x1c7: {  	[tilespmem:s22+$0x40] =	vst v1;
	v1 =	vmul.f32 v4, v29  }
0x1c8: {  	v3 =	vmul.f32 v4, v30;
	[tilespmem:s22+$0x50] =	vst v2  }
.Ltmp8:
0x1c9: {  	v2 =	vmul.f32 v4, v12;
	[tilespmem:s22+$0x60] =	vst v1;
	(pc) =	sbr.rel .LBB2_10-.Ltmp8, $4  }
0x1ca: {  	v1 =	vmul.f32 v23, v28;
	[tilespmem:s22+$0x70] =	vst v3  }
0x1cb: {  	[tilespmem:s22+$0x80] =	vst v2  }
0x1cc: {  	[tilespmem:s22+$0xA0] =	vst v1  }
0x1cd: {  	[spmem:s2] =	stream.indirect.scatter.add.f32 [tilespmem:s30], [sflag:$0xA], $0x30, s10, s18, $0xb8;
	[tilespmem:$0xA3C0] =	vst v63  }
.LBB2_12:
0x1ce: {  	_ =	sfence.sel $0x180000  }
0x1cf: {  	[bflag:$0x0] =	sbarrier.arrive $0xFFFF  }
0x1d0: {  	_ =	strace $0x9000004A  }
0x1d1: {  	s0 =	stileid.u32;
	[bflag:$0x2] =	sbarrier.arrive $0xFFFF  }
0x1d2: {  	p0 =	sne.s32 s0, $0x0;
	s0 =	rddreg [dreg:$0x3]  }
0x1d3: {  	s0 =	sadd.s32 @!p0 $0x100000, s0  }
0x1d4: {  	[sflag:s0] =	ssyncadd.tile.s32 @!p0 $0x1;
	_ =	shalt  }
.Lfunc_end2:
_tile_overlayer_lowered:
.L_overlay_start_2:
0x1d5: {  	(tag) =	ssettag $0x2  }
0x1d6: {  	s0 =	rddreg [dreg:$0x0];
	s2 =	stileid.u32  }
0x1d7: {  	s1 =	rddreg [dreg:$0x1];
	p0 =	sne.s32 s2, $0x0  }
0x1d8: {  	s3 =	rddreg [dreg:$0x2];
	[bflag:$0x3] =	sbarrier.arrive $0xFFFF;
	s2 =	simm.s32 @!p0 $0x1C0B  }
0x1d9: {  	[timem:s3], [sflag:s2] =	dma.local @!p0 [hbm:s0], s1  }
0x1da: {  	s0 =	simm.s32 @!p0 $0xB  }
0x1db: {  	_ =	swait.ge @!p0 [sflag:s0], s1  }
0x1dc: {  	s1 =	ssub.s32 @!p0 $0x0, s1;
	[sflag:s0] =	ssyncset.done @!p0 $0x0  }
0x1dd: {  	[sflag:s0] =	ssyncadd.s32 @!p0 s1  }
0x1de: {  	[bflag:$0x3] =	sbarrier.arrive $0xFFFF  }
0x1df: {  	_ =	shalt  }

// kernel: kernel.7.cloned.1.call-start
scs
__scs_entry_jumppad:
0x0: {  	(pc) =	sbr.rel $0x88, $3  }
0x1: {  	(tag) =	ssettag $0x0;
	lr =	simm.s32 $0x1  }
0x2: {  	[smem:$0x3F97] =	sst lr;
	_ =	strace $0xD0000000  }
0x3: {  	_ = 	snop  }
0x4: {  	_ = 	snop  }
0x5: {  	_ = 	snop  }
0x6: {  	_ = 	snop  }
0x7: {  	_ = 	snop  }
__scs_overlays_trampoline_lowered:
0x8: {  	[smem:$0x3FA6] =	sst s0  }
0x9: {  	[smem:$0x3FA7] =	sst s1  }
0xa: {  	[smem:$0x3FA8] =	sst s2  }
0xb: {  	[smem:$0x3FA9] =	sst s3  }
0xc: {  	[smem:$0x3FAA] =	sst s4  }
0xd: {  	[smem:$0x3FAB] =	sst s5  }
0xe: {  	[smem:$0x3FAC] =	sst s6  }
0xf: {  	[smem:$0x3FAD] =	sst s7  }
0x10: {  	[smem:$0x3FAE] =	sst s8  }
0x11: {  	[smem:$0x3FAF] =	sst s9;
	s0 =	simm.s32 @!p0 $0x0  }
0x12: {  	s1 =	sld [smem:$0x3F95];
	s0 =	simm.s32 @p0 $0x1  }
0x13: {  	[smem:$0x3FB0] =	sst s0;
	s0 =	simm.s32 @!p1 $0x0  }
0x14: {  	s2 =	sld [smem:$0x3F94];
	s0 =	simm.s32 @p1 $0x1  }
0x15: {  	[smem:$0x3FB1] =	sst s0;
	s0 =	simm.s32 @!p2 $0x0  }
0x16: {  	s3 =	sld [smem:$0x3FDB];
	s0 =	simm.s32 @p2 $0x1  }
0x17: {  	s4 =	simm.s32 $0x1BF5;
	[smem:$0x3FB3] =	sst s0  }
0x18: {  	s0 =	sld [smem:$0x3F96];
	_ =	swait.ge [sflag:s4], $0x0  }
0x19: {  	s7 =	sld [smem:$0x3F97]  }
0x1a: {  	s8 =	sadd.s32 $0xFFFFE003, lr  }
0x1b: {  	s9 =	sadd.s32 $0xFFFFFEF7, lr;
	s5 =	simm.s32 $0xFFFFFFFF;
	p2 =	slt.u32 s8, $0xFFFFF086  }
0x1c: {  	p1 =	slt.u32 s9, $0xF7A;
	s5 =	simm.s32 @!p2 $0x0  }
0x1d: {  	s5 =	simm.s32 @p1 $0x1;
	p0 =	seq.s32 s7, s2  }
0x1e: {  	s7 =	smul.u32 @!p0 $0xF7A, s2;
	p2 =	seq.s32 @!p0 s5, $0x0  }
0x1f: {  	s9 =	smul.u32 $0xF7A, s1;
	s8 =	simm.s32 @!p0 $0x1BF5;
	p2 =	por !p2, p0  }
0x20: {  	[sflag:s8] =	ssyncset.s32 @!p0 $0xFFFFF086;
	s6 =	sadd.s32 @!p0 s3, s7;
	s7 =	simm.s32 @!p0 $0x108  }
0x21: {  	s3 =	sadd.s32 s3, s9;
	s6 =	sadd.s32 @!p0 $0x88, s6;
	s7 =	simm.s32 @p2 $0x1082  }
0x22: {  	[simem:s7], [sflag:s8] =	dma.local @!p0 [hbm:s6], $0xF7A  }
0x23: {  	s9 =	sor.u32 $0xD0000000, s2;
	s6 =	simm.s32 $0x108;
	_ =	swait.ge @!p0 [sflag:s8], $0x0  }
0x24: {  	s3 =	sadd.s32 $0x88, s3;
	s6 =	simm.s32 @!p1 $0x1082;
	[sflag:s4] =	ssyncset.s32 $0xFFFFF086  }
0x25: {  	[simem:s6], [sflag:s4] =	dma.local [hbm:s3], $0xF7A  }
0x26: {  	[smem:$0x3F97] =	sst s1;
	(tag) =	ssettag s2;
	_ =	strace s9  }
0x27: {  	s1 =	sld [smem:$0x3FA7]  }
0x28: {  	s2 =	sld [smem:$0x3FA8]  }
0x29: {  	s4 =	sld [smem:$0x3FAA]  }
0x2a: {  	p0 =	seq.s32 s5, $0x0;
	s5 =	sld [smem:$0x3FAB]  }
0x2b: {  	s6 =	sld [smem:$0x3FAC]  }
0x2c: {  	s7 =	sld [smem:$0x3FAD]  }
0x2d: {  	s3 =	simm.s32 $0x108;
	s8 =	sld [smem:$0x3FAE]  }
0x2e: {  	s3 =	simm.s32 @!p0 $0x1082;
	s9 =	sld [smem:$0x3FAF]  }
0x2f: {  	lr =	sadd.s32 s0, s3;
	s0 =	sld [smem:$0x3FA6]  }
0x30: {  	s3 =	sld [smem:$0x3FA9]  }
0x31: {  	[smem:$0x3FB2] =	sst s10  }
0x32: {  	s10 =	sld [smem:$0x3FB0];
	_ =	sdelay $0x3  }
0x33: {  	p0 =	seq.s32 s10, $0x1;
	s10 =	sld [smem:$0x3FB2];
	_ =	sdelay $0x3  }
0x34: {  	[smem:$0x3FB2] =	sst s10  }
0x35: {  	s10 =	sld [smem:$0x3FB1];
	_ =	sdelay $0x3  }
0x36: {  	p1 =	seq.s32 s10, $0x1;
	s10 =	sld [smem:$0x3FB2];
	_ =	sdelay $0x3  }
0x37: {  	[smem:$0x3FB2] =	sst s10  }
0x38: {  	s10 =	sld [smem:$0x3FB3]  }
0x39: {  	_ = 	snop;
	(pc) =	sbr.ind lr, $3  }
0x3a: {  	_ = 	snop  }
0x3b: {  	_ = 	snop  }
0x3c: {  	p2 =	seq.s32 s10, $0x1;
	s10 =	sld [smem:$0x3FB2]  }
0x3d: {  	_ =	shalt  }
0x3e: {  	_ =	shalt  }
0x3f: {  	_ =	shalt  }
0x40: {  	_ =	shalt  }
0x41: {  	_ =	shalt  }
0x42: {  	_ =	shalt  }
0x43: {  	_ =	shalt  }
0x44: {  	_ =	shalt  }
0x45: {  	_ =	shalt  }
0x46: {  	_ =	shalt  }
0x47: {  	_ =	shalt  }
0x48: {  	_ =	shalt  }
0x49: {  	_ =	shalt  }
0x4a: {  	_ =	shalt  }
0x4b: {  	_ =	shalt  }
0x4c: {  	_ =	shalt  }
0x4d: {  	_ =	shalt  }
0x4e: {  	_ =	shalt  }
0x4f: {  	_ =	shalt  }
0x50: {  	_ =	shalt  }
0x51: {  	_ =	shalt  }
0x52: {  	_ =	shalt  }
0x53: {  	_ =	shalt  }
0x54: {  	_ =	shalt  }
0x55: {  	_ =	shalt  }
0x56: {  	_ =	shalt  }
0x57: {  	_ =	shalt  }
0x58: {  	_ =	shalt  }
0x59: {  	_ =	shalt  }
0x5a: {  	_ =	shalt  }
0x5b: {  	_ =	shalt  }
0x5c: {  	_ =	shalt  }
0x5d: {  	_ =	shalt  }
0x5e: {  	_ =	shalt  }
0x5f: {  	_ =	shalt  }
0x60: {  	_ =	shalt  }
0x61: {  	_ =	shalt  }
0x62: {  	_ =	shalt  }
0x63: {  	_ =	shalt  }
0x64: {  	_ =	shalt  }
0x65: {  	_ =	shalt  }
0x66: {  	_ =	shalt  }
0x67: {  	_ =	shalt  }
0x68: {  	_ =	shalt  }
0x69: {  	_ =	shalt  }
0x6a: {  	_ =	shalt  }
0x6b: {  	_ =	shalt  }
0x6c: {  	_ =	shalt  }
0x6d: {  	_ =	shalt  }
0x6e: {  	_ =	shalt  }
0x6f: {  	_ =	shalt  }
0x70: {  	_ =	shalt  }
0x71: {  	_ =	shalt  }
0x72: {  	_ =	shalt  }
0x73: {  	_ =	shalt  }
0x74: {  	_ =	shalt  }
0x75: {  	_ =	shalt  }
0x76: {  	_ =	shalt  }
0x77: {  	_ =	shalt  }
0x78: {  	_ =	shalt  }
0x79: {  	_ =	shalt  }
0x7a: {  	_ =	shalt  }
0x7b: {  	_ =	shalt  }
0x7c: {  	_ =	shalt  }
0x7d: {  	_ =	shalt  }
0x7e: {  	_ =	shalt  }
0x7f: {  	_ =	shalt  }
0x80: {  	_ =	shalt  }
0x81: {  	_ =	shalt  }
0x82: {  	_ =	shalt  }
0x83: {  	_ =	shalt  }
0x84: {  	_ =	shalt  }
0x85: {  	_ =	shalt  }
0x86: {  	_ =	shalt  }
0x87: {  	_ =	shalt  }
.Lfunc_end0:
.L_simem_size_0:
called_computation_lowered:
.L_overlay_start_0:
0x88: {  	s2 =	sld [smem:$0x3FD9]  }
0x89: {  	s3 =	sld [smem:$0x3FFE];
	_ =	sdelay $0x1  }
0x8a: {  	s1 =	srdreg.scid  }
0x8b: {  	s0 =	sand.u32 $0x1, s1  }
0x8c: {  	s17 =	sshll.u32 s0, $0xA;
	s2 =	sadd.s32 s3, s2  }
0x8d: {  	s2 =	sadd.s32 s2, s17  }
0x8e: {  	[smem:$0x3FBE] =	sst s2  }
0x8f: {  	_ = 	snop  }
0x90: {  	s2 =	sld [smem:$0x3FD0];
	(tm) =	ssettm $0x1  }
0x91: {  	s18 =	sld [smem:$0x3FFB];
	_ =	sdelay $0x3  }
0x92: {  	_ =	strace s18  }
0x93: {  	s3 =	sld [smem:$0x3FFC];
	_ =	sdelay $0x3  }
0x94: {  	_ =	strace s3  }
0x95: {  	s3 =	sld [smem:$0x3FFD];
	_ =	sdelay $0x3  }
0x96: {  	_ =	strace s3  }
0x97: {  	_ =	strace $0x8FFFFFFF  }
0x98: {  	s19 =	sld [smem:$0x3FDB];
	_ =	sdelay $0x1  }
0x99: {  	s4 =	simm.s32 $_scs_section_size  }
0x9a: {  	s5 =	simm.s32 $_size__tile_overlayer_lowered;
	s6 =	simm.s32 $_tile_overlayer_lowered  }
0x9b: {  	s22 =	simm.s32 $0x1BFF;
	s21 =	sshll.u32 s6, $0x1;
	s3 =	sadd.s32 s4, s19  }
0x9c: {  	s7 =	simm.s32 $0x0;
	s20 =	sshll.u32 s5, $0x1;
	s5 =	sadd.s32 s21, s3  }
0x9d: {  	[timem:s7], [sflag:s22] =	dma.local [hbm:s5], s20  }
0x9e: {  	_ =	swait.ge [sflag:s22], s20  }
0x9f: {  	s4 =	ssub.s32 $0x0, s20;
	[sflag:s22] =	ssyncset.done $0x0  }
0xa0: {  	[sflag:s22] =	ssyncadd.s32 s4;
	_ =	sdelay $0x1  }
0xa1: {  	s23 =	simm.s32 $0x1B8B  }
0xa2: {  	_ =	swait.ge [sflag:s23], $0x1  }
0xa3: {  	[sflag:s23] =	ssyncset.done $0x0  }
0xa4: {  	s25 =	simm.s32 $0x1B8E;
	s24 =	sld [smem:$0x3FFE];
	[sflag:s23] =	ssyncadd.s32 $0xFFFFFFFF  }
0xa5: {  	s26 =	simm.s32 $execute0_lowered;
	[smem:$0x3FD2] =	sst s25  }
0xa6: {  	s5 =	sshll.u32 s26, $0x1;
	_ =	strace $0x80000046;
	[dreg:$0x1] =	wrdreg $0xFFFFFFFF  }
0xa7: {  	s28 =	simm.s32 $_size_execute0_lowered;
	s3 =	sadd.s32 s3, s5;
	[dreg:$0x0] =	wrdreg $0x0  }
0xa8: {  	s5 =	sshll.u32 s28, $0x1;
	[dreg:$0x2] =	wrdreg s3  }
0xa9: {  	[dreg:$0x3] =	wrdreg s5  }
0xaa: {  	[dreg:$0x4] =	wrdreg $0xC0  }
0xab: {  	_ =	task [dreg:s7], $0x5FFFF  }
0xac: {  	[dreg:$0x1] =	wrdreg $0xFFFFFFFF  }
0xad: {  	[dreg:$0x0] =	wrdreg $0x60  }
0xae: {  	[dreg:$0x2] =	wrdreg s24  }
0xaf: {  	[dreg:$0x3] =	wrdreg s2  }
0xb0: {  	[dreg:$0x4] =	wrdreg $0x73F00  }
0xb1: {  	[dreg:$0x5] =	wrdreg $0x9  }
0xb2: {  	_ =	task.clear_ibuf [dreg:s7], $0x6FFFF;
	_ =	strace $0x90000046  }
0xb3: {  	s29 =	simm.s32 $0x9;
	_ =	strace $0x80000048  }
0xb4: {  	_ =	swait.ge [sflag:s29], $0x1  }
0xb5: {  	[sflag:s29] =	ssyncadd.s32 $0xFFFFFFFF  }
0xb6: {  	_ =	strace $0x90000048  }
0xb7: {  	_ =	sfence  }
0xb8: {  	s30 =	sld [smem:$0x0];
	_ =	sdelay $0x2  }
0xb9: {  	s31 =	sshll.u32 s1, $0xD;
	s1 =	sshrl.u32 s1, $0x2  }
0xba: {  	s3 =	sand.u32 $0x4000, s31;
	s1 =	sadd.s32 s1, s30  }
0xbb: {  	s0 =	sor.u32 s3, s0;
	s1 =	sshll.u32 s1, $0x11  }
0xbc: {  	s0 =	sor.u32 s1, s0  }
0xbd: {  	s0 =	sadd.s32 $0x8F2B, s0  }
0xbe: {  	[sflag:s0] =	ssyncadd.remote.s32 $0x1  }
0xbf: {  	_ =	sfence.sel $0xFFFF  }
0xc0: {  	[dreg:$0x0] =	wrdreg $0xFFFFFFFF;
	(pc) =	sbr.abs _section_cstart, $3  }
0xc1: {  	[dreg:$0x1] =	wrdreg $0xFFFFFFFF  }
0xc2: {  	_ =	task.clear_ibuf [dreg:s7], $0x2FFFF;
	_ =	strace $0x9FFFFFFF  }
0xc3: {  	(tm) =	ssettm $0x7FFFFFFF  }
tec
execute0_lowered:
.L_overlay_start_1:
0x0: {  	(tag) =	ssettag $0x1  }
0x1: {  	s0 =	rddreg [dreg:$0x0]  }
0x2: {  	s1 =	rddreg [dreg:$0x1]  }
0x3: {  	s2 =	rddreg [dreg:$0x2]  }
0x4: {  	s4 =	simm.s32 $0x0;
	s3 =	srdreg.scid;
	s13 =	stileid.u32  }
0x5: {  	s15 =	simm.s32 $0xA0;
	s18 =	simm.s32 $0x50;
	s28 =	simm.s32 $0x2  }
0x6: {  	s29 =	simm.s32 $0x4;
	s30 =	simm.s32 $0x2EE0;
	s31 =	simm.s32 $0x60E0  }
0x7: {  	s17 =	simm.s32 $0x9;
	[smem:$0x7FF] =	sst s4;
	s8 =	smul.u32 $0x15F90, s13  }
0x8: {  	s3 =	sand.u32 $0x1, s3;
	s9 =	sshll.u32 s13, $0x1;
	s24 =	smul.u32 $0x57E40, s13  }
0x9: {  	s5 =	sadd.s32 $0x32A00, s0;
	s19 =	smul.u32 $0x15F900, s3;
	s9 =	sor.u32 s3, s9  }
0xa: {  	s6 =	sadd.s32 $0x1A00, s0;
	s7 =	sadd.s32 $0x2DA00, s0;
	s10 =	smul.u32 $0x2710, s9  }
0xb: {  	_ =	strace $0x80000047;
	s3 =	ssub.s32 $0x2, s3;
	s12 =	smul.u32 $0x4E2, s9  }
0xc: {  	s11 =	sshrl.u32 s3, $0x1;
	s9 =	smul.u32 $0x7D, s9;
	s25 =	sadd.s32 s8, s2  }
0xd: {  	s26 =	sshrl.u32 s24, $0x2;
	s24 =	simm.s32 $0x1E0;
	s4 =	sadd.s32 s8, s19  }
0xe: {  	s3 =	ssub.s32 s3, s11;
	s16 =	sadd.s32 s26, s2;
	s19 =	simm.s32 $0xF0  }
0xf: {  	s26 =	simm.s32 $0x7;
	s8 =	simm.s32 $0x6;
	s11 =	simm.s32 $0x0  }
0x10: {  	s4 =	sshrl.u32 s4, $0x3;
	s20 =	sshrl.u32 s10, $0x3;
	s21 =	sadd.s32 s5, s12  }
0x11: {  	s22 =	sadd.s32 s1, s12;
	s12 =	sadd.s32 $0x2, s9;
	s13 =	sadd.s32 $0x3, s9  }
0x12: {  	s3 =	smax.u32 s3, $0x1;
	s9 =	simm.s32 $0x8;
	[dreg:$0x4] =	wrdreg s21  }
0x13: {  	s0 =	sadd.s32 s4, s0;
	s4 =	sadd.s32 $0xA, s20;
	[dreg:$0x5] =	wrdreg s22  }
.Ltmp0:
0x14: {  	[dreg:$0x9] =	wrdreg s3;
	s23 =	sadd.s32 s5, s4;
	(pc) =	sbr.rel .LBB2_1-.Ltmp0, $4  }
0x15: {  	s10 =	simm.s32 $0x190;
	s4 =	sadd.s32 s1, s4;
	[dreg:$0x6] =	wrdreg s23  }
0x16: {  	s20 =	simm.s32 $0x65E0;
	s0 =	sadd.s32 $0x3C800, s0;
	[dreg:$0x7] =	wrdreg s4  }
0x17: {  	s21 =	simm.s32 $0xB;
	[dreg:$0x8] =	wrdreg s0;
	s0 =	sshrl.u32 s25, $0x3  }
0x18: {  	v0 =	vimm.f32 $0.0e+00;
	s4 =	simm.s32 $0x140;
	[dreg:$0xa] =	wrdreg s0;
	s0 =	simm.s32 $0x5  }
.LBB2_13:
0x19: {  	_ =	swait.ge [sflag:s17], $0x2D00  }
0x1a: {  	[sflag:s17] =	ssyncset.done $0x0  }
0x1b: {  	[sflag:s17] =	ssyncadd.s32 $0xFFFFD300  }
0x1c: {  	s3 =	stileid.u32;
	[bflag:$0x0] =	sbarrier.arrive $0xFFFF  }
0x1d: {  	s3 =	sshll.u32 s3, $0x6;
	s14 =	rddreg [dreg:$0x8]  }
0x1e: {  	s3 =	sor.u32 $0x1C0B, s3;
	s15 =	rddreg [dreg:$0xa]  }
0x1f: {  	[hbm:s14], [sflag:s3] =	dma.local [spmem:s15], $0x2BF2  }
0x20: {  	_ =	swait.ge [sflag:s21], $0x2BF2  }
0x21: {  	s11 =	sadd.s32 $0x1, s11;
	s25 =	rddreg [dreg:$0x9]  }
0x22: {  	p0 =	sne.s32 s11, s25  }
.Ltmp1:
0x23: {  	_ = 	snop;
	(pc) =	sbr.rel @!p0 .LBB2_14-.Ltmp1, $3  }
0x24: {  	_ =	sdelay $0x1  }
0x25: {  	[sflag:s21] =	ssyncset.done $0x0  }
0x26: {  	s15 =	simm.s32 $0xA0;
	[sflag:s21] =	ssyncadd.s32 $0xFFFFD40E  }
.LBB2_1:
0x27: {  	s3 =	simm.s32 $0x0;
	s14 =	rddreg [dreg:$0x4]  }
0x28: {  	[tilespmem:s3], [sflag:$0x1] =	stream.linear.gather [hbm4b:s14+s3], $0x50, $0x38;
	[tilespmem:$0x1D380] =	vst v63  }
0x29: {  	s22 =	rddreg [dreg:$0x5]  }
0x2a: {  	[tilespmem:s15], [sflag:$0x3] =	stream.linear.gather [hbm4b:s22+s3], $0x50, $0x38;
	[tilespmem:$0x1D380] =	vst v63  }
0x2b: {  	s23 =	rddreg [dreg:$0x6]  }
0x2c: {  	[tilespmem:s18], [sflag:$0x2] =	stream.linear.gather [hbm4b:s23+s3], $0x50, $0x38;
	[tilespmem:$0x1D380] =	vst v63  }
0x2d: {  	s25 =	rddreg [dreg:$0x7]  }
0x2e: {  	[tilespmem:s19], [sflag:$0x4] =	stream.linear.gather [hbm4b:s25+s3], $0x50, $0x38;
	[tilespmem:$0x1D380] =	vst v63  }
0x2f: {  	s14 =	simm.s32 $0x240;
	s3 =	simm.s32 $0x0  }
.LBB2_2:
0x30: {  	p0 =	sne.s32 s14, $0x3600;
	[tilespmem:s3+$0x6660] =	vst v0  }
0x31: {  	[tilespmem:s3+$0x65E0] =	vst v0  }
0x32: {  	[tilespmem:s3+$0x65F0] =	vst v0  }
0x33: {  	[tilespmem:s3+$0x6600] =	vst v0  }
.Ltmp2:
0x34: {  	[tilespmem:s3+$0x6610] =	vst v0;
	(pc) =	sbr.rel @p0 .LBB2_2-.Ltmp2, $4  }
0x35: {  	[tilespmem:s3+$0x6620] =	vst v0  }
0x36: {  	[tilespmem:s3+$0x6630] =	vst v0  }
0x37: {  	[tilespmem:s3+$0x6640] =	vst v0  }
0x38: {  	[tilespmem:s3+$0x6650] =	vst v0;
	s3 =	sshra.s32 s14, $0x2;
	s14 =	sadd.s32 $0x240, s14  }
0x39: {  	[tilespmem:s3+$0x6660] =	vst v0  }
0x3a: {  	[tilespmem:s3+$0x65E0] =	vst v0  }
0x3b: {  	[tilespmem:s3+$0x65F0] =	vst v0  }
0x3c: {  	[tilespmem:s3+$0x6600] =	vst v0  }
0x3d: {  	[tilespmem:s3+$0x6610] =	vst v0  }
0x3e: {  	[tilespmem:s3+$0x6620] =	vst v0  }
0x3f: {  	[tilespmem:s3+$0x6630] =	vst v0  }
0x40: {  	[tilespmem:s3+$0x6640] =	vst v0  }
0x41: {  	[tilespmem:s3+$0x6650] =	vst v0;
	s25 =	sadd.s32 $0x0, s16  }
0x42: {  	[spmem:s25] =	stream.linear.scatter [tilespmem:s20], [sflag:$0xB], $0xE10, $0x38;
	[tilespmem:$0x1D380] =	vst v63  }
0x43: {  	s3 =	simm.s32 $0x3840;
	_ =	swait.ge [sflag:s21], $0xE10  }
.LBB2_4:
0x44: {  	s14 =	sshra.s32 s3, $0x2;
	[sflag:s21] =	ssyncset.done $0x0;
	p0 =	sne.s32 s3, $0x54600  }
.Ltmp3:
0x45: {  	s14 =	sadd.s32 s14, s16;
	[sflag:s21] =	ssyncadd.s32 $0xFFFFF1F0;
	(pc) =	sbr.rel @p0 .LBB2_4-.Ltmp3, $3  }
0x46: {  	[spmem:s14] =	stream.linear.scatter [tilespmem:s20], [sflag:$0xB], $0xE10, $0x38;
	[tilespmem:$0x1D380] =	vst v63  }
0x47: {  	s3 =	sadd.s32 $0x3840, s3;
	_ =	sdelay $0x1  }
0x48: {  	_ =	swait.ge [sflag:s21], $0xE10  }
0x49: {  	[sflag:s21] =	ssyncset.done $0x0  }
0x4a: {  	s3 =	simm.s32 $0x1;
	[sflag:s21] =	ssyncadd.s32 $0xFFFFF1F0  }
0x4b: {  	_ =	swait.ge [sflag:s3], $0x50  }
0x4c: {  	[sflag:s3] =	ssyncset.done $0x0  }
0x4d: {  	s23 =	simm.s32 $0x3;
	[sflag:s3] =	ssyncadd.s32 $0xFFFFFFB0  }
0x4e: {  	_ =	swait.ge [sflag:s23], $0x50  }
0x4f: {  	[sflag:s23] =	ssyncset.done $0x0  }
0x50: {  	s14 =	simm.s32 $0x0;
	[sflag:s23] =	ssyncadd.s32 $0xFFFFFFB0  }
0x51: {  	[tilespmem:s24], [sflag:$0x5] =	stream.indirect.gather [hbm4b:s6+s18], $0x90, s14, s18, $0xb8;
	[tilespmem:$0x1D380] =	vst v63  }
.Ltmp4:
0x52: {  	_ = 	snop;
	(pc) =	sbr.rel .LBB2_6-.Ltmp4, $3  }
0x53: {  	s25 =	simm.s32 $0x5BE0  }
0x54: {  	[tilespmem:s25], [sflag:$0x7] =	stream.indirect.gather [hbm4b:s7+s18], $0x10, s15, s18, $0xb8;
	[tilespmem:$0x1D380] =	vst v63  }
0x55: {  	[bflag:$0x0] =	sbarrier.arrive $0xFFFF;
	_ =	sdelay $0x1  }
.LBB2_12:
0x56: {  	s14 =	sadd.s32 $0x1, s14  }
0x57: {  	p0 =	sne.s32 s14, $0x3F  }
.Ltmp5:
0x58: {  	_ = 	snop;
	(pc) =	sbr.rel @!p0 .LBB2_13-.Ltmp5, $1  }
0x59: {  	_ =	sdelay $0x3  }
.LBB2_6:
0x5a: {  	p0 =	seq.s32 s14, $0x0  }
0x5b: {  	s3 =	simm.s32 @!p0 $0xA  }
0x5c: {  	_ =	swait.ge @!p0 [sflag:s3], $0x2D00  }
0x5d: {  	p1 =	sgt.u32 @!p0 s14, $0x3D;
	[sflag:s3] =	ssyncset.done @!p0 $0x0  }
0x5e: {  	p2 =	por p0, !p1;
	[sflag:s3] =	ssyncadd.s32 @!p0 $0xFFFFD300  }
0x5f: {  	_ =	swait.ge @p2 [sflag:s28], $0x50  }
0x60: {  	[sflag:s28] =	ssyncset.done @p2 $0x0  }
0x61: {  	[sflag:s28] =	ssyncadd.s32 @p2 $0xFFFFFFB0  }
0x62: {  	_ =	swait.ge @p2 [sflag:s29], $0x50  }
0x63: {  	[sflag:s29] =	ssyncset.done @p2 $0x0  }
0x64: {  	[sflag:s29] =	ssyncadd.s32 @p2 $0xFFFFFFB0  }
0x65: {  	[tilespmem:s30], [sflag:$0x6] =	stream.indirect.gather @p2 [hbm4b:s6+s18], $0x90, s18, s18, $0xb8;
	[tilespmem:$0x1D380] =	vst v63  }
0x66: {  	_ = 	snop  }
0x67: {  	[tilespmem:s31], [sflag:$0x8] =	stream.indirect.gather @p2 [hbm4b:s7+s18], $0x10, s19, s18, $0xb8;
	[tilespmem:$0x1D380] =	vst v63  }
0x68: {  	_ =	swait.ge [sflag:s0], $0x2D00  }
0x69: {  	[sflag:s0] =	ssyncset.done $0x0  }
0x6a: {  	[sflag:s0] =	ssyncadd.s32 $0xFFFFD300  }
0x6b: {  	_ =	swait.ge [sflag:s26], $0x500  }
0x6c: {  	[sflag:s26] =	ssyncset.done $0x0  }
0x6d: {  	[sflag:s26] =	ssyncadd.s32 $0xFFFFFB00  }
0x6e: {  	v1 =	vld [tilespmem:$0xA0]  }
0x6f: {  	v2 =	vld [tilespmem:$0xB0]  }
0x70: {  	v3 =	vld [tilespmem:$0xC0]  }
0x71: {  	v4 =	vld [tilespmem:$0xD0]  }
0x72: {  	v5 =	vld [tilespmem:$0xE0]  }
0x73: {  	s15 =	sshll.u32 s14, $0x1;
	p1 =	por @!p0 $0x0, $0x0;
	p0 =	seq.s32 s14, $0x3E;
	[tilespmem:$0x140] =	vst v1  }
0x74: {  	s3 =	sadd.s32 @!p0 s15, s12;
	[tilespmem:$0x150] =	vst v2  }
0x75: {  	s3 =	smul.u32 @!p0 $0xA, s3;
	[tilespmem:$0x160] =	vst v3  }
0x76: {  	[tilespmem:$0x170] =	vst v4  }
0x77: {  	s23 =	simm.s32 @!p0 $0x0;
	s22 =	sadd.s32 @!p0 s5, s3;
	[tilespmem:$0x180] =	vst v5  }
0x78: {  	[tilespmem:s23], [sflag:$0x1] =	stream.linear.gather @!p0 [hbm4b:s22+s23], $0x50, $0x38;
	[tilespmem:$0x1D380] =	vst v63  }
0x79: {  	s25 =	simm.s32 $0x300;
	s3 =	sadd.s32 @!p0 s1, s3;
	s22 =	simm.s32 @!p0 $0xA0  }
0x7a: {  	[tilespmem:s22], [sflag:$0x3] =	stream.linear.gather @!p0 [hbm4b:s3+s23], $0x50, $0x38;
	[tilespmem:$0x1D380] =	vst v63  }
0x7b: {  	s22 =	simm.s32 $0x5C00;
	v1 =	vld [tilespmem:s25+$0x110]  }
0x7c: {  	v2 =	vld [tilespmem:s22+$0x10]  }
0x7d: {  	v4 =	vld [tilespmem:s25+$0xFFFFFFF0]  }
0x7e: {  	v5 =	vld [tilespmem:s22+$0xFFFFFFF0]  }
0x7f: {  	v6 =	vld [tilespmem:s25+$0x80]  }
0x80: {  	v10 =	vld [tilespmem:s22+$0x0]  }
0x81: {  	v3 =	vld [tilespmem:s22+$0xFFFFFFE0];
	v1 =	vadd.f32 v2, v1  }
0x82: {  	v35 =	vld [tilespmem:s25+$0xFFFFFEE0]  }
0x83: {  	v7 =	vld [tilespmem:s25+$0xFFFFFEF0];
	v4 =	vadd.f32 v5, v4;
	v9 =	vmul.f32 $2.000000030e-01, v1  }
0x84: {  	v8 =	vld [tilespmem:s25+$0xFFFFFF00];
	vm0 =	vge.f32 v1, $0.0e+00  }
0x85: {  	v2 =	vld [tilespmem:s25+$0xFFFFFF60];
	v5 =	vadd.f32 v10, v6;
	v6 =	vmul.f32 $2.000000030e-01, v4;
	v1 =	vsel vm0, v1, v9  }
0x86: {  	v11 =	vld [tilespmem:s25+$0xFFFFFF30];
	vm14 =	vge.f32 v4, $0.0e+00;
	v1 =	vmul.f32 $1.442695020e+00, v1  }
0x87: {  	v12 =	vld [tilespmem:s25+$0xFFFFFF40];
	v4 =	vsel vm14, v4, v6  }
0x88: {  	v13 =	vld [tilespmem:s25+$0xFFFFFF50];
	v4 =	vmul.f32 $1.442695020e+00, v4;
	(erf) = vpow2.f32 v1  }
0x89: {  	v14 =	vld [tilespmem:s25+$0xFFFFFF70]  }
0x8a: {  	v15 =	vld [tilespmem:s25+$0xFFFFFF80];
	v2 =	vadd.f32 v3, v2;
	(erf) = vpow2.f32 v4  }
0x8b: {  	v16 =	vld [tilespmem:s25+$0xFFFFFF90];
	v3 =	vmul.f32 $2.000000030e-01, v5  }
0x8c: {  	v17 =	vld [tilespmem:s25+$0xFFFFFFA0];
	vm1 =	vge.f32 v5, $0.0e+00;
	v1 =	vmul.f32 $2.000000030e-01, v2  }
0x8d: {  	v19 =	vld [tilespmem:s25+$0xFFFFFFB0];
	vm15 =	vge.f32 v2, $0.0e+00;
	v3 =	vsel vm1, v5, v3  }
0x8e: {  	v18 =	vld [tilespmem:s25+$0xFFFFFFC0];
	v1 =	vsel vm15, v2, v1;
	v2 =	vmul.f32 $1.442695020e+00, v3  }
0x8f: {  	v20 =	vld [tilespmem:s25+$0xFFFFFFD0];
	v1 =	vmul.f32 $1.442695020e+00, v1  }
0x90: {  	v21 =	vld [tilespmem:s25+$0xFFFFFFE0];
	(erf) = vpow2.f32 v2  }
0x91: {  	v25 =	vld [tilespmem:s25+$0x0];
	(erf) = vpow2.f32 v1;
	v36 =	vpop (erf)  }
0x92: {  	v27 =	vld [tilespmem:s25+$0x10];
	v2 =	vbroadcast v36, $0x0;
	v6 =	vbroadcast v36, $0x7  }
0x93: {  	v5 =	vld [tilespmem:s25+$0x100];
	v4 =	vbroadcast v36, $0x1;
	v1 =	vbroadcast v36, $0x2;
	v34 =	vpop (erf)  }
0x94: {  	v28 =	vld [tilespmem:s25+$0x20];
	v3 =	vbroadcast v36, $0x3;
	v42 =	vbroadcast v34, $0x0  }
0x95: {  	v32 =	vld [tilespmem:s25+$0x30];
	v40 =	vbroadcast v34, $0x1;
	v44 =	vbroadcast v34, $0x2  }
0x96: {  	v37 =	vld [tilespmem:s25+$0x40];
	v41 =	vbroadcast v34, $0x3;
	v54 =	vbroadcast v34, $0x4  }
0x97: {  	v33 =	vld [tilespmem:s25+$0x50];
	v51 =	vbroadcast v34, $0x5;
	v52 =	vbroadcast v34, $0x6  }
0x98: {  	v26 =	vld [tilespmem:s25+$0x60];
	v50 =	vbroadcast v34, $0x7;
	v22 =	vmul.f32 v5, v6  }
0x99: {  	v23 =	vld [tilespmem:s25+$0xA0];
	v6 =	vbroadcast v36, $0x4;
	v5 =	vbroadcast v36, $0x5;
	v38 =	vpop (erf)  }
0x9a: {  	v24 =	vld [tilespmem:s25+$0xB0];
	[tilespmem:s25+$0x110] =	vst v36;
	v36 =	vbroadcast v36, $0x6;
	v53 =	vbroadcast v38, $0x0  }
0x9b: {  	v29 =	vld [tilespmem:s25+$0x70];
	v49 =	vbroadcast v38, $0x1;
	v48 =	vbroadcast v38, $0x2  }
0x9c: {  	v30 =	vld [tilespmem:s25+$0xC0];
	v46 =	vbroadcast v38, $0x3;
	v47 =	vbroadcast v38, $0x4  }
0x9d: {  	v10 =	vld [tilespmem:s25+$0xFFFFFF20];
	v31 =	vpop (erf);
	v45 =	vbroadcast v38, $0x5;
	v43 =	vbroadcast v38, $0x6  }
0x9e: {  	v9 =	vld [tilespmem:s25+$0xFFFFFF10];
	v62 =	vbroadcast v31, $0x0;
	v58 =	vbroadcast v31, $0x1  }
0x9f: {  	[tilespmem:s25+$0xFFFFFFF0] =	vst v34;
	v34 =	vld [tilespmem:s25+$0xE0];
	v61 =	vbroadcast v31, $0x2;
	v57 =	vbroadcast v31, $0x3  }
0xa0: {  	[tilespmem:s25+$0x100] =	vst v22;
	v22 =	vld [tilespmem:s25+$0x90];
	v60 =	vbroadcast v31, $0x4;
	v56 =	vbroadcast v31, $0x5  }
0xa1: {  	v59 =	vbroadcast v31, $0x6;
	v55 =	vbroadcast v31, $0x7;
	[tilespmem:s25+$0xFFFFFF60] =	vst v31;
	v31 =	vld [tilespmem:s25+$0xD0]  }
0xa2: {  	p1 =	por @p2 $0x1, $0x1;
	s23 =	simm.s32 $0x0;
	s3 =	simm.s32 $0x540;
	v39 =	vbroadcast v38, $0x7;
	[tilespmem:s25+$0x80] =	vst v38;
	v38 =	vmul.f32 v62, v35;
	v35 =	vld [tilespmem:s25+$0xF0]  }
.LBB2_7:
0xa3: {  	v62 =	vld [tilespmem:s3+$0x110];
	v7 =	vmul.f32 v58, v7;
	v8 =	vmul.f32 v61, v8;
	s22 =	sadd.s32 $0x40, s22  }
0xa4: {  	s23 =	sadd.s32 $0x4, s23;
	v9 =	vmul.f32 v9, v57;
	v10 =	vmul.f32 v10, v60;
	v58 =	vld [tilespmem:s22+$0x10];
	[tilespmem:s25+$0xFFFFFEE0] =	vst v38  }
0xa5: {  	p2 =	slt.u32 s23, $0x4C;
	v57 =	vld [tilespmem:s22+$0xFFFFFFE0];
	[tilespmem:s25+$0xFFFFFEF0] =	vst v7;
	v7 =	vmul.f32 v11, v56;
	v11 =	vmul.f32 v12, v59  }
0xa6: {  	v12 =	vld [tilespmem:s3+$0xFFFFFFF0];
	[tilespmem:s25+$0xFFFFFF00] =	vst v8;
	v8 =	vmul.f32 v13, v55;
	v13 =	vmul.f32 v42, v14  }
0xa7: {  	v14 =	vld [tilespmem:s22+$0xFFFFFFF0];
	[tilespmem:s25+$0xFFFFFF10] =	vst v9;
	v9 =	vmul.f32 v40, v15;
	v15 =	vmul.f32 v44, v16  }
0xa8: {  	v17 =	vmul.f32 v17, v41;
	v19 =	vmul.f32 v19, v54;
	v16 =	vld [tilespmem:s3+$0x80];
	[tilespmem:s25+$0xFFFFFF20] =	vst v10  }
0xa9: {  	v18 =	vmul.f32 v18, v51;
	v20 =	vmul.f32 v20, v52;
	v10 =	vld [tilespmem:s22+$0x0];
	v40 =	vadd.f32 v58, v62;
	[tilespmem:s25+$0xFFFFFF30] =	vst v7  }
0xaa: {  	v21 =	vmul.f32 v21, v50;
	v25 =	vmul.f32 v53, v25;
	v41 =	vld [tilespmem:s3+$0xFFFFFF60];
	[tilespmem:s25+$0xFFFFFF40] =	vst v11  }
0xab: {  	v27 =	vmul.f32 v49, v27;
	v38 =	vld [tilespmem:s3+$0xFFFFFEE0];
	v11 =	vmul.f32 $2.000000030e-01, v40;
	[tilespmem:s25+$0xFFFFFF50] =	vst v8  }
0xac: {  	v28 =	vmul.f32 v48, v28;
	vm0 =	vge.f32 v40, $0.0e+00;
	v7 =	vld [tilespmem:s3+$0xFFFFFEF0];
	v14 =	vadd.f32 v14, v12;
	[tilespmem:s25+$0xFFFFFF70] =	vst v13  }
0xad: {  	v32 =	vmul.f32 v32, v46;
	v37 =	vmul.f32 v37, v47;
	v8 =	vld [tilespmem:s3+$0xFFFFFF00];
	v11 =	vsel vm0, v40, v11;
	[tilespmem:s25+$0xFFFFFF80] =	vst v9  }
0xae: {  	v9 =	vld [tilespmem:s3+$0xFFFFFF10];
	v13 =	vmul.f32 $2.000000030e-01, v14;
	v16 =	vadd.f32 v10, v16;
	v12 =	vmul.f32 $1.442695020e+00, v11;
	[tilespmem:s25+$0xFFFFFF90] =	vst v15  }
0xaf: {  	v33 =	vmul.f32 v33, v45;
	vm0 =	vge.f32 v14, $0.0e+00;
	v15 =	vadd.f32 v57, v41;
	v10 =	vld [tilespmem:s3+$0xFFFFFF20];
	[tilespmem:s25+$0xFFFFFFA0] =	vst v17  }
0xb0: {  	v11 =	vld [tilespmem:s3+$0xFFFFFF30];
	vm1 =	vge.f32 v16, $0.0e+00;
	v17 =	vmul.f32 $2.000000030e-01, v16;
	(erf) = vpow2.f32 v12;
	[tilespmem:s25+$0xFFFFFFB0] =	vst v19  }
0xb1: {  	v14 =	vsel vm0, v14, v13;
	vm2 =	vge.f32 v15, $0.0e+00;
	v19 =	vmul.f32 $2.000000030e-01, v15;
	v12 =	vld [tilespmem:s3+$0xFFFFFF40];
	[tilespmem:s25+$0xFFFFFFC0] =	vst v18  }
0xb2: {  	v26 =	vmul.f32 v26, v43;
	v18 =	vmul.f32 $1.442695020e+00, v14;
	v13 =	vld [tilespmem:s3+$0xFFFFFF50];
	v16 =	vsel vm1, v16, v17;
	[tilespmem:s25+$0xFFFFFFD0] =	vst v20  }
0xb3: {  	v29 =	vmul.f32 v29, v39;
	v15 =	vsel vm2, v15, v19;
	v14 =	vld [tilespmem:s3+$0xFFFFFF70];
	v17 =	vmul.f32 $1.442695020e+00, v16;
	[tilespmem:s25+$0xFFFFFFE0] =	vst v21  }
0xb4: {  	v19 =	vmul.f32 $1.442695020e+00, v15;
	v15 =	vld [tilespmem:s3+$0xFFFFFF80];
	(erf) = vpow2.f32 v18;
	[tilespmem:s25+$0x0] =	vst v25  }
0xb5: {  	v22 =	vmul.f32 v2, v22;
	v16 =	vld [tilespmem:s3+$0xFFFFFF90];
	(erf) = vpow2.f32 v17;
	[tilespmem:s25+$0x10] =	vst v27  }
0xb6: {  	v23 =	vmul.f32 v4, v23;
	v17 =	vld [tilespmem:s3+$0xFFFFFFA0];
	(erf) = vpow2.f32 v19;
	[tilespmem:s25+$0x20] =	vst v28  }
0xb7: {  	v24 =	vmul.f32 v1, v24;
	v30 =	vmul.f32 v30, v3;
	v27 =	vld [tilespmem:s3+$0x100];
	[tilespmem:s25+$0x30] =	vst v32  }
0xb8: {  	v31 =	vmul.f32 v31, v6;
	v34 =	vmul.f32 v34, v5;
	v19 =	vld [tilespmem:s3+$0xFFFFFFB0];
	[tilespmem:s25+$0x40] =	vst v37  }
0xb9: {  	v35 =	vmul.f32 v35, v36;
	v18 =	vld [tilespmem:s3+$0xFFFFFFC0];
	v62 =	vpop (erf);
	[tilespmem:s25+$0x50] =	vst v33  }
0xba: {  	v20 =	vld [tilespmem:s3+$0xFFFFFFD0];
	v2 =	vbroadcast v62, $0x0;
	v5 =	vbroadcast v62, $0x7;
	[tilespmem:s25+$0x60] =	vst v26  }
0xbb: {  	v4 =	vbroadcast v62, $0x1;
	v1 =	vbroadcast v62, $0x2;
	v21 =	vld [tilespmem:s3+$0xFFFFFFE0];
	[tilespmem:s25+$0x70] =	vst v29  }
0xbc: {  	v3 =	vbroadcast v62, $0x3;
	v25 =	vld [tilespmem:s3+$0x0];
	v26 =	vmul.f32 v27, v5;
	[tilespmem:s25+$0x90] =	vst v22  }
0xbd: {  	v6 =	vbroadcast v62, $0x4;
	v5 =	vbroadcast v62, $0x5;
	v27 =	vld [tilespmem:s3+$0x10];
	v36 =	vpop (erf);
	[tilespmem:s25+$0xA0] =	vst v23  }
0xbe: {  	v42 =	vbroadcast v36, $0x0;
	v40 =	vbroadcast v36, $0x1;
	v28 =	vld [tilespmem:s3+$0x20];
	[tilespmem:s3+$0x100] =	vst v26;
	v39 =	vpop (erf)  }
0xbf: {  	v44 =	vbroadcast v36, $0x2;
	v41 =	vbroadcast v36, $0x3;
	v32 =	vld [tilespmem:s3+$0x30];
	v22 =	vpop (erf);
	[tilespmem:s25+$0xB0] =	vst v24  }
0xc0: {  	v63 =	vbroadcast v22, $0x0;
	v58 =	vbroadcast v22, $0x1;
	v37 =	vld [tilespmem:s3+$0x40];
	[tilespmem:s25+$0xC0] =	vst v30  }
0xc1: {  	v61 =	vbroadcast v22, $0x2;
	v57 =	vbroadcast v22, $0x3;
	v33 =	vld [tilespmem:s3+$0x50];
	[tilespmem:s25+$0xD0] =	vst v31  }
0xc2: {  	v60 =	vbroadcast v22, $0x4;
	v56 =	vbroadcast v22, $0x5;
	v26 =	vld [tilespmem:s3+$0x60];
	[tilespmem:s25+$0xE0] =	vst v34  }
0xc3: {  	v59 =	vbroadcast v22, $0x6;
	v55 =	vbroadcast v22, $0x7;
	v29 =	vld [tilespmem:s3+$0x70];
	[tilespmem:s25+$0xF0] =	vst v35;
	s25 =	smov.u32 s3  }
0xc4: {  	v54 =	vbroadcast v36, $0x4;
	v51 =	vbroadcast v36, $0x5;
	[tilespmem:s3+$0xFFFFFF60] =	vst v22;
	v22 =	vld [tilespmem:s3+$0x90]  }
0xc5: {  	v52 =	vbroadcast v36, $0x6;
	v50 =	vbroadcast v36, $0x7;
	[tilespmem:s3+$0xFFFFFFF0] =	vst v36;
	v23 =	vld [tilespmem:s3+$0xA0]  }
.Ltmp6:
0xc6: {  	v53 =	vbroadcast v39, $0x0;
	v49 =	vbroadcast v39, $0x1;
	[tilespmem:s3+$0x80] =	vst v39;
	v24 =	vld [tilespmem:s3+$0xB0];
	(pc) =	sbr.rel @p2 .LBB2_7-.Ltmp6, $4  }
0xc7: {  	v48 =	vbroadcast v39, $0x2;
	v46 =	vbroadcast v39, $0x3;
	[tilespmem:s3+$0x110] =	vst v62;
	v30 =	vld [tilespmem:s3+$0xC0]  }
0xc8: {  	v47 =	vbroadcast v39, $0x4;
	v45 =	vbroadcast v39, $0x5;
	v31 =	vld [tilespmem:s3+$0xD0]  }
0xc9: {  	v43 =	vbroadcast v39, $0x6;
	v39 =	vbroadcast v39, $0x7;
	v34 =	vld [tilespmem:s3+$0xE0]  }
0xca: {  	v38 =	vmul.f32 v63, v38;
	v36 =	vbroadcast v62, $0x6;
	s3 =	sadd.s32 $0x240, s3;
	v35 =	vld [tilespmem:s25+$0xF0]  }
0xcb: {  	v7 =	vmul.f32 v58, v7  }
0xcc: {  	v8 =	vmul.f32 v61, v8;
	[tilespmem:s25+$0xFFFFFEE0] =	vst v38  }
0xcd: {  	v9 =	vmul.f32 v9, v57;
	[tilespmem:s25+$0xFFFFFEF0] =	vst v7  }
0xce: {  	v62 =	vmul.f32 v10, v60;
	[tilespmem:s25+$0xFFFFFF00] =	vst v8  }
0xcf: {  	v63 =	vmul.f32 v11, v56;
	[tilespmem:s25+$0xFFFFFF10] =	vst v9  }
0xd0: {  	v12 =	vmul.f32 v12, v59;
	[tilespmem:s25+$0xFFFFFF20] =	vst v62  }
0xd1: {  	v13 =	vmul.f32 v13, v55;
	[tilespmem:s25+$0xFFFFFF30] =	vst v63  }
0xd2: {  	v14 =	vmul.f32 v42, v14;
	[tilespmem:s25+$0xFFFFFF40] =	vst v12  }
0xd3: {  	v42 =	vmul.f32 v17, v41;
	[tilespmem:s25+$0xFFFFFF50] =	vst v13  }
0xd4: {  	v51 =	vmul.f32 v18, v51;
	[tilespmem:s25+$0xFFFFFF70] =	vst v14  }
0xd5: {  	v55 =	vmul.f32 v21, v50;
	[tilespmem:s25+$0xFFFFFFA0] =	vst v42  }
0xd6: {  	v56 =	vmul.f32 v53, v25;
	[tilespmem:s25+$0xFFFFFFC0] =	vst v51  }
0xd7: {  	v57 =	vmul.f32 v49, v27;
	[tilespmem:s25+$0xFFFFFFE0] =	vst v55  }
0xd8: {  	v58 =	vmul.f32 v48, v28;
	[tilespmem:s25+$0x0] =	vst v56  }
0xd9: {  	v59 =	vmul.f32 v32, v46;
	[tilespmem:s25+$0x10] =	vst v57  }
0xda: {  	v60 =	vmul.f32 v37, v47;
	[tilespmem:s25+$0x20] =	vst v58  }
0xdb: {  	v61 =	vmul.f32 v33, v45;
	[tilespmem:s25+$0x30] =	vst v59  }
0xdc: {  	v2 =	vmul.f32 v2, v22;
	[tilespmem:s25+$0x40] =	vst v60  }
0xdd: {  	v4 =	vmul.f32 v4, v23;
	[tilespmem:s25+$0x50] =	vst v61  }
0xde: {  	v1 =	vmul.f32 v1, v24;
	[tilespmem:s25+$0x90] =	vst v2  }
0xdf: {  	v38 =	vmul.f32 v40, v15;
	[tilespmem:s25+$0xA0] =	vst v4  }
0xe0: {  	v40 =	vmul.f32 v44, v16;
	[tilespmem:s25+$0xB0] =	vst v1  }
0xe1: {  	v44 =	vmul.f32 v19, v54;
	[tilespmem:s25+$0xFFFFFF80] =	vst v38  }
0xe2: {  	v54 =	vmul.f32 v20, v52;
	[tilespmem:s25+$0xFFFFFF90] =	vst v40  }
0xe3: {  	v62 =	vmul.f32 v26, v43;
	[tilespmem:s25+$0xFFFFFFB0] =	vst v44  }
0xe4: {  	v63 =	vmul.f32 v29, v39;
	[tilespmem:s25+$0xFFFFFFD0] =	vst v54  }
0xe5: {  	v2 =	vmul.f32 v30, v3;
	[tilespmem:s25+$0x60] =	vst v62  }
0xe6: {  	v3 =	vmul.f32 v31, v6;
	[tilespmem:s25+$0x70] =	vst v63  }
.Ltmp7:
0xe7: {  	v1 =	vmul.f32 v34, v5;
	[tilespmem:s25+$0xC0] =	vst v2;
	(pc) =	sbr.rel @!p1 .LBB2_12-.Ltmp7, $4  }
0xe8: {  	v2 =	vmul.f32 v35, v36;
	[tilespmem:s25+$0xD0] =	vst v3  }
0xe9: {  	[tilespmem:s25+$0xE0] =	vst v1  }
0xea: {  	[tilespmem:s25+$0xF0] =	vst v2  }
0xeb: {  	[spmem:s2] =	stream.indirect.scatter.add.f32 [tilespmem:s24], [sflag:$0x9], $0x90, s4, s18, $0xb8;
	[tilespmem:$0x1D380] =	vst v63  }
0xec: {  	_ =	swait.ge [sflag:s17], $0x2D00  }
0xed: {  	[sflag:s17] =	ssyncset.done $0x0  }
0xee: {  	s3 =	simm.s32 @!p0 $0x1;
	[sflag:s17] =	ssyncadd.s32 $0xFFFFD300  }
0xef: {  	_ =	swait.ge @!p0 [sflag:s3], $0x50  }
0xf0: {  	[sflag:s3] =	ssyncset.done @!p0 $0x0  }
0xf1: {  	[sflag:s3] =	ssyncadd.s32 @!p0 $0xFFFFFFB0;
	s3 =	simm.s32 @!p0 $0x3  }
0xf2: {  	_ =	swait.ge @!p0 [sflag:s3], $0x50  }
0xf3: {  	s22 =	simm.s32 @!p0 $0x0;
	[sflag:s3] =	ssyncset.done @!p0 $0x0  }
0xf4: {  	s23 =	simm.s32 @!p0 $0x1E0;
	[sflag:s3] =	ssyncadd.s32 @!p0 $0xFFFFFFB0;
	s3 =	simm.s32 @!p0 $0x50  }
0xf5: {  	[tilespmem:s23], [sflag:$0x5] =	stream.indirect.gather @!p0 [hbm4b:s6+s3], $0x90, s22, s3, $0xb8;
	[tilespmem:$0x1D380] =	vst v63  }
0xf6: {  	s22 =	simm.s32 @!p0 $0xA0;
	s23 =	simm.s32 @!p0 $0x5BE0  }
0xf7: {  	[tilespmem:s23], [sflag:$0x7] =	stream.indirect.gather @!p0 [hbm4b:s7+s3], $0x10, s22, s3, $0xb8;
	[tilespmem:$0x1D380] =	vst v63  }
0xf8: {  	_ =	swait.ge [sflag:s8], $0x2D00  }
0xf9: {  	[sflag:s8] =	ssyncset.done $0x0  }
0xfa: {  	[sflag:s8] =	ssyncadd.s32 $0xFFFFD300  }
0xfb: {  	_ =	swait.ge [sflag:s9], $0x500  }
0xfc: {  	[sflag:s9] =	ssyncset.done $0x0  }
0xfd: {  	[sflag:s9] =	ssyncadd.s32 $0xFFFFFB00  }
0xfe: {  	v1 =	vld [tilespmem:$0xF0]  }
0xff: {  	v2 =	vld [tilespmem:$0x100]  }
0x100: {  	v3 =	vld [tilespmem:$0x110]  }
0x101: {  	v4 =	vld [tilespmem:$0x120]  }
0x102: {  	v5 =	vld [tilespmem:$0x130]  }
0x103: {  	p0 =	sgt.u32 s14, $0x3C;
	[tilespmem:$0x190] =	vst v1  }
0x104: {  	s3 =	sadd.s32 @!p0 s15, s13;
	[tilespmem:$0x1A0] =	vst v2  }
0x105: {  	s3 =	smul.u32 @!p0 $0xA, s3;
	[tilespmem:$0x1B0] =	vst v3  }
0x106: {  	[tilespmem:$0x1C0] =	vst v4  }
0x107: {  	s22 =	simm.s32 @!p0 $0x0;
	s23 =	simm.s32 @!p0 $0x50;
	s15 =	sadd.s32 @!p0 s5, s3;
	[tilespmem:$0x1D0] =	vst v5  }
0x108: {  	[tilespmem:s23], [sflag:$0x2] =	stream.linear.gather @!p0 [hbm4b:s15+s22], $0x50, $0x38;
	[tilespmem:$0x1D380] =	vst v63  }
0x109: {  	s3 =	sadd.s32 @!p0 s1, s3;
	s15 =	simm.s32 @!p0 $0xF0  }
0x10a: {  	[tilespmem:s15], [sflag:$0x4] =	stream.linear.gather @!p0 [hbm4b:s3+s22], $0x50, $0x38;
	[tilespmem:$0x1D380] =	vst v63  }
0x10b: {  	s15 =	simm.s32 $0x3000  }
0x10c: {  	s22 =	simm.s32 $0x6100;
	v1 =	vld [tilespmem:s15+$0x110]  }
0x10d: {  	v2 =	vld [tilespmem:s22+$0x10]  }
0x10e: {  	v4 =	vld [tilespmem:s15+$0xFFFFFFF0]  }
0x10f: {  	v5 =	vld [tilespmem:s22+$0xFFFFFFF0]  }
0x110: {  	v6 =	vld [tilespmem:s15+$0x80]  }
0x111: {  	v10 =	vld [tilespmem:s22+$0x0]  }
0x112: {  	v3 =	vld [tilespmem:s22+$0xFFFFFFE0];
	v1 =	vadd.f32 v2, v1  }
0x113: {  	v35 =	vld [tilespmem:s15+$0xFFFFFEE0]  }
0x114: {  	v7 =	vld [tilespmem:s15+$0xFFFFFEF0];
	v4 =	vadd.f32 v5, v4;
	v9 =	vmul.f32 $2.000000030e-01, v1  }
0x115: {  	v8 =	vld [tilespmem:s15+$0xFFFFFF00];
	vm0 =	vge.f32 v1, $0.0e+00  }
0x116: {  	v2 =	vld [tilespmem:s15+$0xFFFFFF60];
	v5 =	vadd.f32 v10, v6;
	v6 =	vmul.f32 $2.000000030e-01, v4;
	v1 =	vsel vm0, v1, v9  }
0x117: {  	v11 =	vld [tilespmem:s15+$0xFFFFFF30];
	vm14 =	vge.f32 v4, $0.0e+00;
	v1 =	vmul.f32 $1.442695020e+00, v1  }
0x118: {  	v12 =	vld [tilespmem:s15+$0xFFFFFF40];
	v4 =	vsel vm14, v4, v6  }
0x119: {  	v13 =	vld [tilespmem:s15+$0xFFFFFF50];
	v4 =	vmul.f32 $1.442695020e+00, v4;
	(erf) = vpow2.f32 v1  }
0x11a: {  	v14 =	vld [tilespmem:s15+$0xFFFFFF70]  }
0x11b: {  	v15 =	vld [tilespmem:s15+$0xFFFFFF80];
	v2 =	vadd.f32 v3, v2;
	(erf) = vpow2.f32 v4  }
0x11c: {  	v16 =	vld [tilespmem:s15+$0xFFFFFF90];
	v3 =	vmul.f32 $2.000000030e-01, v5  }
0x11d: {  	v17 =	vld [tilespmem:s15+$0xFFFFFFA0];
	vm1 =	vge.f32 v5, $0.0e+00;
	v1 =	vmul.f32 $2.000000030e-01, v2  }
0x11e: {  	v19 =	vld [tilespmem:s15+$0xFFFFFFB0];
	vm15 =	vge.f32 v2, $0.0e+00;
	v3 =	vsel vm1, v5, v3  }
0x11f: {  	v18 =	vld [tilespmem:s15+$0xFFFFFFC0];
	v1 =	vsel vm15, v2, v1;
	v2 =	vmul.f32 $1.442695020e+00, v3  }
0x120: {  	v20 =	vld [tilespmem:s15+$0xFFFFFFD0];
	v1 =	vmul.f32 $1.442695020e+00, v1  }
0x121: {  	v21 =	vld [tilespmem:s15+$0xFFFFFFE0];
	(erf) = vpow2.f32 v2  }
0x122: {  	v25 =	vld [tilespmem:s15+$0x0];
	(erf) = vpow2.f32 v1;
	v36 =	vpop (erf)  }
0x123: {  	v27 =	vld [tilespmem:s15+$0x10];
	v2 =	vbroadcast v36, $0x0;
	v6 =	vbroadcast v36, $0x7  }
0x124: {  	v5 =	vld [tilespmem:s15+$0x100];
	v4 =	vbroadcast v36, $0x1;
	v1 =	vbroadcast v36, $0x2;
	v34 =	vpop (erf)  }
0x125: {  	v28 =	vld [tilespmem:s15+$0x20];
	v3 =	vbroadcast v36, $0x3;
	v42 =	vbroadcast v34, $0x0  }
0x126: {  	v32 =	vld [tilespmem:s15+$0x30];
	v40 =	vbroadcast v34, $0x1;
	v44 =	vbroadcast v34, $0x2  }
0x127: {  	v37 =	vld [tilespmem:s15+$0x40];
	v41 =	vbroadcast v34, $0x3;
	v54 =	vbroadcast v34, $0x4  }
0x128: {  	v33 =	vld [tilespmem:s15+$0x50];
	v51 =	vbroadcast v34, $0x5;
	v52 =	vbroadcast v34, $0x6  }
0x129: {  	v26 =	vld [tilespmem:s15+$0x60];
	v50 =	vbroadcast v34, $0x7;
	v22 =	vmul.f32 v5, v6  }
0x12a: {  	v23 =	vld [tilespmem:s15+$0xA0];
	v6 =	vbroadcast v36, $0x4;
	v5 =	vbroadcast v36, $0x5;
	v38 =	vpop (erf)  }
0x12b: {  	v24 =	vld [tilespmem:s15+$0xB0];
	[tilespmem:s15+$0x110] =	vst v36;
	v36 =	vbroadcast v36, $0x6;
	v53 =	vbroadcast v38, $0x0  }
0x12c: {  	v29 =	vld [tilespmem:s15+$0x70];
	v49 =	vbroadcast v38, $0x1;
	v48 =	vbroadcast v38, $0x2  }
0x12d: {  	v30 =	vld [tilespmem:s15+$0xC0];
	v46 =	vbroadcast v38, $0x3;
	v47 =	vbroadcast v38, $0x4  }
0x12e: {  	v10 =	vld [tilespmem:s15+$0xFFFFFF20];
	v31 =	vpop (erf);
	v45 =	vbroadcast v38, $0x5;
	v43 =	vbroadcast v38, $0x6  }
0x12f: {  	v9 =	vld [tilespmem:s15+$0xFFFFFF10];
	v62 =	vbroadcast v31, $0x0;
	v58 =	vbroadcast v31, $0x1  }
0x130: {  	[tilespmem:s15+$0xFFFFFFF0] =	vst v34;
	v34 =	vld [tilespmem:s15+$0xE0];
	v61 =	vbroadcast v31, $0x2;
	v57 =	vbroadcast v31, $0x3  }
0x131: {  	[tilespmem:s15+$0x100] =	vst v22;
	v22 =	vld [tilespmem:s15+$0x90];
	v60 =	vbroadcast v31, $0x4;
	v56 =	vbroadcast v31, $0x5  }
0x132: {  	v59 =	vbroadcast v31, $0x6;
	v55 =	vbroadcast v31, $0x7;
	[tilespmem:s15+$0xFFFFFF60] =	vst v31;
	v31 =	vld [tilespmem:s15+$0xD0]  }
0x133: {  	s23 =	simm.s32 $0x0;
	s3 =	simm.s32 $0x3240;
	v39 =	vbroadcast v38, $0x7;
	[tilespmem:s15+$0x80] =	vst v38;
	v38 =	vmul.f32 v62, v35;
	v35 =	vld [tilespmem:s15+$0xF0]  }
.LBB2_10:
0x134: {  	v62 =	vld [tilespmem:s3+$0x110];
	v7 =	vmul.f32 v58, v7;
	v8 =	vmul.f32 v61, v8;
	s22 =	sadd.s32 $0x40, s22  }
0x135: {  	s23 =	sadd.s32 $0x4, s23;
	v9 =	vmul.f32 v9, v57;
	v10 =	vmul.f32 v10, v60;
	v58 =	vld [tilespmem:s22+$0x10];
	[tilespmem:s15+$0xFFFFFEE0] =	vst v38  }
0x136: {  	p0 =	slt.u32 s23, $0x4C;
	v57 =	vld [tilespmem:s22+$0xFFFFFFE0];
	[tilespmem:s15+$0xFFFFFEF0] =	vst v7;
	v7 =	vmul.f32 v11, v56;
	v11 =	vmul.f32 v12, v59  }
0x137: {  	v12 =	vld [tilespmem:s3+$0xFFFFFFF0];
	[tilespmem:s15+$0xFFFFFF00] =	vst v8;
	v8 =	vmul.f32 v13, v55;
	v13 =	vmul.f32 v42, v14  }
0x138: {  	v14 =	vld [tilespmem:s22+$0xFFFFFFF0];
	[tilespmem:s15+$0xFFFFFF10] =	vst v9;
	v9 =	vmul.f32 v40, v15;
	v15 =	vmul.f32 v44, v16  }
0x139: {  	v17 =	vmul.f32 v17, v41;
	v19 =	vmul.f32 v19, v54;
	v16 =	vld [tilespmem:s3+$0x80];
	[tilespmem:s15+$0xFFFFFF20] =	vst v10  }
0x13a: {  	v18 =	vmul.f32 v18, v51;
	v20 =	vmul.f32 v20, v52;
	v10 =	vld [tilespmem:s22+$0x0];
	v40 =	vadd.f32 v58, v62;
	[tilespmem:s15+$0xFFFFFF30] =	vst v7  }
0x13b: {  	v21 =	vmul.f32 v21, v50;
	v25 =	vmul.f32 v53, v25;
	v41 =	vld [tilespmem:s3+$0xFFFFFF60];
	[tilespmem:s15+$0xFFFFFF40] =	vst v11  }
0x13c: {  	v27 =	vmul.f32 v49, v27;
	v38 =	vld [tilespmem:s3+$0xFFFFFEE0];
	v11 =	vmul.f32 $2.000000030e-01, v40;
	[tilespmem:s15+$0xFFFFFF50] =	vst v8  }
0x13d: {  	v28 =	vmul.f32 v48, v28;
	vm0 =	vge.f32 v40, $0.0e+00;
	v7 =	vld [tilespmem:s3+$0xFFFFFEF0];
	v14 =	vadd.f32 v14, v12;
	[tilespmem:s15+$0xFFFFFF70] =	vst v13  }
0x13e: {  	v32 =	vmul.f32 v32, v46;
	v37 =	vmul.f32 v37, v47;
	v8 =	vld [tilespmem:s3+$0xFFFFFF00];
	v11 =	vsel vm0, v40, v11;
	[tilespmem:s15+$0xFFFFFF80] =	vst v9  }
0x13f: {  	v9 =	vld [tilespmem:s3+$0xFFFFFF10];
	v13 =	vmul.f32 $2.000000030e-01, v14;
	v16 =	vadd.f32 v10, v16;
	v12 =	vmul.f32 $1.442695020e+00, v11;
	[tilespmem:s15+$0xFFFFFF90] =	vst v15  }
0x140: {  	v33 =	vmul.f32 v33, v45;
	vm0 =	vge.f32 v14, $0.0e+00;
	v15 =	vadd.f32 v57, v41;
	v10 =	vld [tilespmem:s3+$0xFFFFFF20];
	[tilespmem:s15+$0xFFFFFFA0] =	vst v17  }
0x141: {  	v11 =	vld [tilespmem:s3+$0xFFFFFF30];
	vm1 =	vge.f32 v16, $0.0e+00;
	v17 =	vmul.f32 $2.000000030e-01, v16;
	(erf) = vpow2.f32 v12;
	[tilespmem:s15+$0xFFFFFFB0] =	vst v19  }
0x142: {  	v14 =	vsel vm0, v14, v13;
	vm2 =	vge.f32 v15, $0.0e+00;
	v19 =	vmul.f32 $2.000000030e-01, v15;
	v12 =	vld [tilespmem:s3+$0xFFFFFF40];
	[tilespmem:s15+$0xFFFFFFC0] =	vst v18  }
0x143: {  	v26 =	vmul.f32 v26, v43;
	v18 =	vmul.f32 $1.442695020e+00, v14;
	v13 =	vld [tilespmem:s3+$0xFFFFFF50];
	v16 =	vsel vm1, v16, v17;
	[tilespmem:s15+$0xFFFFFFD0] =	vst v20  }
0x144: {  	v29 =	vmul.f32 v29, v39;
	v15 =	vsel vm2, v15, v19;
	v14 =	vld [tilespmem:s3+$0xFFFFFF70];
	v17 =	vmul.f32 $1.442695020e+00, v16;
	[tilespmem:s15+$0xFFFFFFE0] =	vst v21  }
0x145: {  	v19 =	vmul.f32 $1.442695020e+00, v15;
	v15 =	vld [tilespmem:s3+$0xFFFFFF80];
	(erf) = vpow2.f32 v18;
	[tilespmem:s15+$0x0] =	vst v25  }
0x146: {  	v22 =	vmul.f32 v2, v22;
	v16 =	vld [tilespmem:s3+$0xFFFFFF90];
	(erf) = vpow2.f32 v17;
	[tilespmem:s15+$0x10] =	vst v27  }
0x147: {  	v23 =	vmul.f32 v4, v23;
	v17 =	vld [tilespmem:s3+$0xFFFFFFA0];
	(erf) = vpow2.f32 v19;
	[tilespmem:s15+$0x20] =	vst v28  }
0x148: {  	v24 =	vmul.f32 v1, v24;
	v30 =	vmul.f32 v30, v3;
	v27 =	vld [tilespmem:s3+$0x100];
	[tilespmem:s15+$0x30] =	vst v32  }
0x149: {  	v31 =	vmul.f32 v31, v6;
	v34 =	vmul.f32 v34, v5;
	v19 =	vld [tilespmem:s3+$0xFFFFFFB0];
	[tilespmem:s15+$0x40] =	vst v37  }
0x14a: {  	v35 =	vmul.f32 v35, v36;
	v18 =	vld [tilespmem:s3+$0xFFFFFFC0];
	v62 =	vpop (erf);
	[tilespmem:s15+$0x50] =	vst v33  }
0x14b: {  	v20 =	vld [tilespmem:s3+$0xFFFFFFD0];
	v2 =	vbroadcast v62, $0x0;
	v5 =	vbroadcast v62, $0x7;
	[tilespmem:s15+$0x60] =	vst v26  }
0x14c: {  	v4 =	vbroadcast v62, $0x1;
	v1 =	vbroadcast v62, $0x2;
	v21 =	vld [tilespmem:s3+$0xFFFFFFE0];
	[tilespmem:s15+$0x70] =	vst v29  }
0x14d: {  	v3 =	vbroadcast v62, $0x3;
	v25 =	vld [tilespmem:s3+$0x0];
	v26 =	vmul.f32 v27, v5;
	[tilespmem:s15+$0x90] =	vst v22  }
0x14e: {  	v6 =	vbroadcast v62, $0x4;
	v5 =	vbroadcast v62, $0x5;
	v27 =	vld [tilespmem:s3+$0x10];
	v36 =	vpop (erf);
	[tilespmem:s15+$0xA0] =	vst v23  }
0x14f: {  	v42 =	vbroadcast v36, $0x0;
	v40 =	vbroadcast v36, $0x1;
	v28 =	vld [tilespmem:s3+$0x20];
	[tilespmem:s3+$0x100] =	vst v26;
	v39 =	vpop (erf)  }
0x150: {  	v44 =	vbroadcast v36, $0x2;
	v41 =	vbroadcast v36, $0x3;
	v32 =	vld [tilespmem:s3+$0x30];
	v22 =	vpop (erf);
	[tilespmem:s15+$0xB0] =	vst v24  }
0x151: {  	v63 =	vbroadcast v22, $0x0;
	v58 =	vbroadcast v22, $0x1;
	v37 =	vld [tilespmem:s3+$0x40];
	[tilespmem:s15+$0xC0] =	vst v30  }
0x152: {  	v61 =	vbroadcast v22, $0x2;
	v57 =	vbroadcast v22, $0x3;
	v33 =	vld [tilespmem:s3+$0x50];
	[tilespmem:s15+$0xD0] =	vst v31  }
0x153: {  	v60 =	vbroadcast v22, $0x4;
	v56 =	vbroadcast v22, $0x5;
	v26 =	vld [tilespmem:s3+$0x60];
	[tilespmem:s15+$0xE0] =	vst v34  }
0x154: {  	v59 =	vbroadcast v22, $0x6;
	v55 =	vbroadcast v22, $0x7;
	v29 =	vld [tilespmem:s3+$0x70];
	[tilespmem:s15+$0xF0] =	vst v35;
	s15 =	smov.u32 s3  }
0x155: {  	v54 =	vbroadcast v36, $0x4;
	v51 =	vbroadcast v36, $0x5;
	[tilespmem:s3+$0xFFFFFF60] =	vst v22;
	v22 =	vld [tilespmem:s3+$0x90]  }
0x156: {  	v52 =	vbroadcast v36, $0x6;
	v50 =	vbroadcast v36, $0x7;
	[tilespmem:s3+$0xFFFFFFF0] =	vst v36;
	v23 =	vld [tilespmem:s3+$0xA0]  }
.Ltmp8:
0x157: {  	v53 =	vbroadcast v39, $0x0;
	v49 =	vbroadcast v39, $0x1;
	[tilespmem:s3+$0x80] =	vst v39;
	v24 =	vld [tilespmem:s3+$0xB0];
	(pc) =	sbr.rel @p0 .LBB2_10-.Ltmp8, $4  }
0x158: {  	v48 =	vbroadcast v39, $0x2;
	v46 =	vbroadcast v39, $0x3;
	[tilespmem:s3+$0x110] =	vst v62;
	v30 =	vld [tilespmem:s3+$0xC0]  }
0x159: {  	v47 =	vbroadcast v39, $0x4;
	v45 =	vbroadcast v39, $0x5;
	v31 =	vld [tilespmem:s3+$0xD0]  }
0x15a: {  	v43 =	vbroadcast v39, $0x6;
	v39 =	vbroadcast v39, $0x7;
	v34 =	vld [tilespmem:s3+$0xE0]  }
0x15b: {  	v38 =	vmul.f32 v63, v38;
	v36 =	vbroadcast v62, $0x6;
	s3 =	sadd.s32 $0x240, s3;
	v35 =	vld [tilespmem:s15+$0xF0]  }
0x15c: {  	v7 =	vmul.f32 v58, v7  }
0x15d: {  	v8 =	vmul.f32 v61, v8;
	[tilespmem:s15+$0xFFFFFEE0] =	vst v38  }
0x15e: {  	v9 =	vmul.f32 v9, v57;
	[tilespmem:s15+$0xFFFFFEF0] =	vst v7  }
0x15f: {  	v62 =	vmul.f32 v10, v60;
	[tilespmem:s15+$0xFFFFFF00] =	vst v8  }
0x160: {  	v63 =	vmul.f32 v11, v56;
	[tilespmem:s15+$0xFFFFFF10] =	vst v9  }
0x161: {  	v12 =	vmul.f32 v12, v59;
	[tilespmem:s15+$0xFFFFFF20] =	vst v62  }
0x162: {  	v13 =	vmul.f32 v13, v55;
	[tilespmem:s15+$0xFFFFFF30] =	vst v63  }
0x163: {  	v14 =	vmul.f32 v42, v14;
	[tilespmem:s15+$0xFFFFFF40] =	vst v12  }
0x164: {  	v42 =	vmul.f32 v17, v41;
	[tilespmem:s15+$0xFFFFFF50] =	vst v13  }
0x165: {  	v51 =	vmul.f32 v18, v51;
	[tilespmem:s15+$0xFFFFFF70] =	vst v14  }
0x166: {  	v55 =	vmul.f32 v21, v50;
	[tilespmem:s15+$0xFFFFFFA0] =	vst v42  }
0x167: {  	v56 =	vmul.f32 v53, v25;
	[tilespmem:s15+$0xFFFFFFC0] =	vst v51  }
0x168: {  	v57 =	vmul.f32 v49, v27;
	[tilespmem:s15+$0xFFFFFFE0] =	vst v55  }
0x169: {  	v58 =	vmul.f32 v48, v28;
	[tilespmem:s15+$0x0] =	vst v56  }
0x16a: {  	v59 =	vmul.f32 v32, v46;
	[tilespmem:s15+$0x10] =	vst v57  }
0x16b: {  	v60 =	vmul.f32 v37, v47;
	[tilespmem:s15+$0x20] =	vst v58  }
0x16c: {  	v61 =	vmul.f32 v33, v45;
	[tilespmem:s15+$0x30] =	vst v59  }
0x16d: {  	v2 =	vmul.f32 v2, v22;
	[tilespmem:s15+$0x40] =	vst v60  }
0x16e: {  	v4 =	vmul.f32 v4, v23;
	[tilespmem:s15+$0x50] =	vst v61  }
0x16f: {  	v1 =	vmul.f32 v1, v24;
	[tilespmem:s15+$0x90] =	vst v2  }
0x170: {  	v38 =	vmul.f32 v40, v15;
	[tilespmem:s15+$0xA0] =	vst v4  }
0x171: {  	v40 =	vmul.f32 v44, v16;
	[tilespmem:s15+$0xB0] =	vst v1  }
0x172: {  	v44 =	vmul.f32 v19, v54;
	[tilespmem:s15+$0xFFFFFF80] =	vst v38  }
0x173: {  	v54 =	vmul.f32 v20, v52;
	[tilespmem:s15+$0xFFFFFF90] =	vst v40  }
0x174: {  	v62 =	vmul.f32 v26, v43;
	[tilespmem:s15+$0xFFFFFFB0] =	vst v44  }
0x175: {  	v63 =	vmul.f32 v29, v39;
	[tilespmem:s15+$0xFFFFFFD0] =	vst v54  }
0x176: {  	v2 =	vmul.f32 v30, v3;
	[tilespmem:s15+$0x60] =	vst v62  }
0x177: {  	v3 =	vmul.f32 v31, v6;
	[tilespmem:s15+$0x70] =	vst v63  }
.Ltmp9:
0x178: {  	v1 =	vmul.f32 v34, v5;
	[tilespmem:s15+$0xC0] =	vst v2;
	(pc) =	sbr.rel .LBB2_12-.Ltmp9, $4  }
0x179: {  	v2 =	vmul.f32 v35, v36;
	[tilespmem:s15+$0xD0] =	vst v3  }
0x17a: {  	[tilespmem:s15+$0xE0] =	vst v1  }
0x17b: {  	[tilespmem:s15+$0xF0] =	vst v2  }
0x17c: {  	[spmem:s2] =	stream.indirect.scatter.add.f32 [tilespmem:s30], [sflag:$0xA], $0x90, s10, s18, $0xb8;
	[tilespmem:$0x1D380] =	vst v63  }
.LBB2_14:
0x17d: {  	_ =	sfence.sel $0x180000  }
0x17e: {  	[bflag:$0x0] =	sbarrier.arrive $0xFFFF  }
0x17f: {  	_ =	strace $0x90000047  }
0x180: {  	s0 =	stileid.u32;
	[bflag:$0x2] =	sbarrier.arrive $0xFFFF  }
0x181: {  	p0 =	sne.s32 s0, $0x0;
	s0 =	rddreg [dreg:$0x3]  }
0x182: {  	s0 =	sadd.s32 @!p0 $0x100000, s0  }
0x183: {  	[sflag:s0] =	ssyncadd.tile.s32 @!p0 $0x1;
	_ =	shalt  }
.Lfunc_end2:
_tile_overlayer_lowered:
.L_overlay_start_2:
0x184: {  	(tag) =	ssettag $0x2  }
0x185: {  	s0 =	rddreg [dreg:$0x0];
	s2 =	stileid.u32  }
0x186: {  	s1 =	rddreg [dreg:$0x1];
	p0 =	sne.s32 s2, $0x0  }
0x187: {  	s3 =	rddreg [dreg:$0x2];
	[bflag:$0x3] =	sbarrier.arrive $0xFFFF;
	s2 =	simm.s32 @!p0 $0x1C0B  }
0x188: {  	[timem:s3], [sflag:s2] =	dma.local @!p0 [hbm:s0], s1  }
0x189: {  	s0 =	simm.s32 @!p0 $0xB  }
0x18a: {  	_ =	swait.ge @!p0 [sflag:s0], s1  }
0x18b: {  	s1 =	ssub.s32 @!p0 $0x0, s1;
	[sflag:s0] =	ssyncset.done @!p0 $0x0  }
0x18c: {  	[sflag:s0] =	ssyncadd.s32 @!p0 s1  }
0x18d: {  	[bflag:$0x3] =	sbarrier.arrive $0xFFFF  }
0x18e: {  	_ =	shalt  }

</sc_bundles>
